<compile_context>
chip_gen: v7x
topology: tpu7x:2x2x1
jax: 0.10.2.dev20260603
libtpu: 0.0.44.dev20260713+nightly
codegen_flags: <defaults>
</compile_context>

<pallas_src>
import functools

import jax
import jax.numpy as jnp
from jax import lax
from jax.experimental import pallas as pl
from jax.experimental.pallas import tpu as pltpu
from jax.experimental.pallas import tpu_sc as plsc

N = 10000
NP = 10240
E = 320000
D = 128
DO = 64

NC = 2
NS = 16
L = 16
NW = NC * NS
EPW = E // NW
NPT = 640
NPT_LAST = N - (NS - 1) * NPT
CH = 80
NCH = EPW // CH
PH_A = 75
TBL = PH_A * CH

_MESH = plsc.VectorSubcoreMesh(core_axis_name="c", subcore_axis_name="s")
_SC_PARAMS = pltpu.CompilerParams(needs_layout_passes=False)


def _deg_body(ei_hbm, parts_hbm, dst_v, deg_v):
    c = lax.axis_index("c")
    s = lax.axis_index("s")
    wid = s * NC + c

    zl = jnp.zeros((L,), jnp.float32)

    def zero(i, _):
        for k in range(4):
            deg_v[pl.ds((i * 4 + k) * L, L)] = zl
        return 0

    lax.fori_loop(0, NP // L // 4, zero, 0)

    pltpu.sync_copy(ei_hbm.at[pl.ds(E + wid * EPW, EPW)], dst_v)
    ones = jnp.ones((L,), jnp.float32)

    def scat(i, _):
        for k in range(5):
            idx = dst_v[pl.ds((i * 5 + k) * L, L)]
            plsc.addupdate_scatter(deg_v, [idx], ones)
        return 0

    lax.fori_loop(0, EPW // L // 5, scat, 0)
    pltpu.sync_copy(deg_v, parts_hbm.at[wid])


_deg_kernel = functools.partial(
    pl.kernel,
    out_type=jax.ShapeDtypeStruct((NW, NP), jnp.float32),
    mesh=_MESH,
    compiler_params=_SC_PARAMS,
    scratch_types=[
        pltpu.VMEM((EPW,), jnp.int32),
        pltpu.VMEM((NP,), jnp.float32),
    ],
)(_deg_body)


def _spmm_body(hs_hbm, ei_hbm, out_hbm,
               src_v, dst0_v, dst1_v, dst2_v,
               rows0_v, rows1_v, rows2_v,
               gsem0, gsem1, gsem2, isem0, isem1, isem2, acc):
    c = lax.axis_index("c")
    s = lax.axis_index("s")
    wid = s * NC + c
    row0 = pl.multiple_of(s * NPT, 8)


    @pl.when(jnp.logical_and(c == 0, s < NS - 1))
    def _():
        pltpu.sync_copy(hs_hbm.at[pl.ds(row0, NPT)], acc.at[pl.ds(row0, NPT)])

    @pl.when(jnp.logical_and(c == 0, s == NS - 1))
    def _():
        pltpu.sync_copy(hs_hbm.at[pl.ds(row0, NPT_LAST)],
                        acc.at[pl.ds(row0, NPT_LAST)])

    @pl.when(c != 0)
    def _():
        zl = jnp.zeros((L,), jnp.float32)

        def zrow(i, _):
            r = i // (D // L)
            k = i % (D // L)
            rows0_v[r, pl.ds(k * L, L)] = zl
            return 0

        lax.fori_loop(0, CH * D // L, zrow, 0)

    @pl.when(jnp.logical_and(c != 0, s < NS - 1))
    def _():
        for t in range(NPT // CH):
            r = pl.multiple_of(row0 + t * CH, 8)
            pltpu.sync_copy(rows0_v, acc.at[pl.ds(r, CH)])

    @pl.when(jnp.logical_and(c != 0, s == NS - 1))
    def _():
        for t in range(NPT_LAST // CH):
            r = pl.multiple_of(row0 + t * CH, 8)
            pltpu.sync_copy(rows0_v, acc.at[pl.ds(r, CH)])

    plsc.subcore_barrier()

    bufs = (rows0_v, rows1_v, rows2_v)
    gsems = (gsem0, gsem1, gsem2)
    dbufs = (dst0_v, dst1_v, dst2_v)
    isems = (isem0, isem1, isem2)

    def dstload(i, b):
        off = pl.multiple_of(E + wid * EPW + i * CH, 8)
        return pltpu.make_async_copy(ei_hbm.at[pl.ds(off, CH)],
                                     dbufs[b], isems[b])

    def run_phase(c0, nch_p):
        soff = pl.multiple_of(wid * EPW + c0 * CH, 8)
        pltpu.sync_copy(ei_hbm.at[pl.ds(soff, nch_p * CH)],
                        src_v.at[pl.ds(0, nch_p * CH)])

        def gather(l, b):
            return pltpu.make_async_copy(
                hs_hbm.at[src_v.at[pl.ds(l * CH, CH)]], bufs[b], gsems[b])

        dstload(c0, 0).start()
        dstload(c0 + 1, 1).start()
        gather(0, 0).start()
        gather(1, 1).start()
        dstload(c0 + 2, 2).start()

        def tri(j, _):
            for k in range(3):
                l = j * 3 + k
                b, b2 = k, (k + 2) % 3

                @pl.when(l + 2 < nch_p)
                def _():
                    gather(l + 2, b2).start()

                @pl.when(l < nch_p)
                def _():
                    gather(l, b).wait()
                    dstload(c0 + l, b).wait()
                    pltpu.sync_copy(bufs[b], acc.at[dbufs[b]], add=True)

                @pl.when(l + 3 < nch_p)
                def _():
                    dstload(c0 + l + 3, b).start()

            return 0

        lax.fori_loop(0, (nch_p + 2) // 3, tri, 0)

    run_phase(0, PH_A)
    run_phase(PH_A, NCH - PH_A)
    plsc.subcore_barrier()

    @pl.when(s < NS - 1)
    def _():
        pltpu.sync_copy(acc.at[pl.ds(row0, NPT)],
                        out_hbm.at[c, pl.ds(row0, NPT)])

    @pl.when(s == NS - 1)
    def _():
        pltpu.sync_copy(acc.at[pl.ds(row0, NPT_LAST)],
                        out_hbm.at[c, pl.ds(row0, NPT_LAST)])


_spmm_kernel = functools.partial(
    pl.kernel,
    out_type=jax.ShapeDtypeStruct((NC, N, D), jnp.float32),
    mesh=_MESH,
    compiler_params=_SC_PARAMS,
    scratch_types=[
        pltpu.VMEM((TBL,), jnp.int32),
        pltpu.VMEM((CH,), jnp.int32),
        pltpu.VMEM((CH,), jnp.int32),
        pltpu.VMEM((CH,), jnp.int32),
        pltpu.VMEM((CH, D), jnp.float32),
        pltpu.VMEM((CH, D), jnp.float32),
        pltpu.VMEM((CH, D), jnp.float32),
        pltpu.SemaphoreType.DMA,
        pltpu.SemaphoreType.DMA,
        pltpu.SemaphoreType.DMA,
        pltpu.SemaphoreType.DMA,
        pltpu.SemaphoreType.DMA,
        pltpu.SemaphoreType.DMA,
        pltpu.VMEM_SHARED((N, D), jnp.float32),
    ],
)(_spmm_body)


_RB = 1024
_GRID = (N + _RB - 1) // _RB
_RBE = 1000


def _dinv_of(parts_ref):
    i = pl.program_id(0)
    off = pl.multiple_of(i * _RB, 128)
    deg = 1.0 + jnp.sum(parts_ref[:, pl.ds(off, _RB)], axis=0)
    return lax.rsqrt(deg)


def _k2_body(parts_ref, x_ref, w_ref, hs_ref, dinv8_ref):
    dinv = _dinv_of(parts_ref)
    h = jnp.dot(x_ref[...], w_ref[...], preferred_element_type=jnp.float32)
    hs_ref[...] = h * dinv[:, None]
    dinv8_ref[...] = jnp.broadcast_to(dinv[:, None], (_RB, 8))


def _k4_body(p_ref, dinv8_ref, b_ref, hs2_ref):
    dinv = dinv8_ref[:, 0]
    acc = p_ref[0] + p_ref[1]
    h = jnp.maximum(acc * dinv[:, None] + b_ref[...], 0.0)
    hs2_ref[...] = h * dinv[:, None]


def _k6_body(q_ref, dinv8_ref, wmu_ref, bmu_ref, wls_ref, bls_ref,
             mu_ref, ls_ref):
    dinv = dinv8_ref[:, 0]
    g = (q_ref[0] + q_ref[1]) * dinv[:, None]
    mu_ref[...] = jnp.dot(g, wmu_ref[...],
                          preferred_element_type=jnp.float32) + bmu_ref[...]
    ls_ref[...] = jnp.dot(g, wls_ref[...],
                          preferred_element_type=jnp.float32) + bls_ref[...]


def _k2(parts, x, W1):
    return pl.pallas_call(
        _k2_body,
        grid=(_GRID,),
        in_specs=[
            pl.BlockSpec((NW, NP), lambda i: (0, 0)),
            pl.BlockSpec((_RB, D), lambda i: (i, 0)),
            pl.BlockSpec((D, D), lambda i: (0, 0)),
        ],
        out_specs=[
            pl.BlockSpec((_RB, D), lambda i: (i, 0)),
            pl.BlockSpec((_RB, 8), lambda i: (i, 0)),
        ],
        out_shape=[
            jax.ShapeDtypeStruct((N, D), jnp.float32),
            jax.ShapeDtypeStruct((N, 8), jnp.float32),
        ],
    )(parts, x, W1)


def _k4(p, dinv8, b1):
    return pl.pallas_call(
        _k4_body,
        grid=(N // _RBE,),
        in_specs=[
            pl.BlockSpec((NC, _RBE, D), lambda i: (0, i, 0)),
            pl.BlockSpec((_RBE, 8), lambda i: (i, 0)),
            pl.BlockSpec((1, D), lambda i: (0, 0)),
        ],
        out_specs=pl.BlockSpec((_RBE, D), lambda i: (i, 0)),
        out_shape=jax.ShapeDtypeStruct((N, D), jnp.float32),
    )(p, dinv8, b1)


def _k6(q, dinv8, W_mu, b_mu, W_ls, b_ls):
    return pl.pallas_call(
        _k6_body,
        grid=(N // _RBE,),
        in_specs=[
            pl.BlockSpec((NC, _RBE, D), lambda i: (0, i, 0)),
            pl.BlockSpec((_RBE, 8), lambda i: (i, 0)),
            pl.BlockSpec((D, DO), lambda i: (0, 0)),
            pl.BlockSpec((1, DO), lambda i: (0, 0)),
            pl.BlockSpec((D, DO), lambda i: (0, 0)),
            pl.BlockSpec((1, DO), lambda i: (0, 0)),
        ],
        out_specs=[
            pl.BlockSpec((_RBE, DO), lambda i: (i, 0)),
            pl.BlockSpec((_RBE, DO), lambda i: (i, 0)),
        ],
        out_shape=[
            jax.ShapeDtypeStruct((N, DO), jnp.float32),
            jax.ShapeDtypeStruct((N, DO), jnp.float32),
        ],
    )(q, dinv8, W_mu, b_mu, W_ls, b_ls)


def kernel(x, edge_index, W1, b1, W_mu, b_mu, W_ls, b_ls):
    ei = edge_index.astype(jnp.int32).reshape(2 * E)

    parts = _deg_kernel(ei)
    hs, dinv8 = _k2(parts, x, W1)
    p = _spmm_kernel(hs, ei)
    hs2 = _k4(p, dinv8, b1.reshape(1, D))
    q = _spmm_kernel(hs2, ei)
    mu, ls = _k6(q, dinv8, W_mu, b_mu.reshape(1, DO), W_ls, b_ls.reshape(1, DO))
    return mu, ls

# --- scband reference (transcript-rebuilt; emitter-appended) ---
"""Pipeline reference for scband-varitation-gcnencoder-85237920956850 (READ-ONLY COPY).

The authoritative reference and input builder live on the scoring server;
editing this copy changes nothing except your own understanding.
"""

import jax, jax.numpy as jnp
import numpy as np

N = 10000
E = 320000
D_IN = 128
D_HID = 128
D_OUT = 64


def setup_inputs(seed: int = 0) -> dict:
    key = jax.random.key(seed)
    ks = jax.random.split(key, 8)
    x = jax.random.normal(ks[0], (N, D_IN), dtype=jnp.float32)
    edge_index = jax.random.randint(ks[1], (2, E), 0, N)
    W1 = jax.random.normal(ks[2], (D_IN, D_HID), dtype=jnp.float32) * (1.0 / np.sqrt(D_IN))
    b1 = jnp.zeros((D_HID,), dtype=jnp.float32)
    W_mu = jax.random.normal(ks[3], (D_HID, D_OUT), dtype=jnp.float32) * (1.0 / np.sqrt(D_HID))
    b_mu = jnp.zeros((D_OUT,), dtype=jnp.float32)
    W_ls = jax.random.normal(ks[4], (D_HID, D_OUT), dtype=jnp.float32) * (1.0 / np.sqrt(D_HID))
    b_ls = jnp.zeros((D_OUT,), dtype=jnp.float32)
    return {"x": x, "edge_index": edge_index, "W1": W1, "b1": b1, "W_mu": W_mu, "b_mu": b_mu, "W_ls": W_ls, "b_ls": b_ls}


def _gcn_conv(x, W, b, src, dst, n):
    # GCNConv: add self-loops, symmetric normalization D^-1/2 (A+I) D^-1/2 X W + b
    h = x @ W
    loop = jnp.arange(n, dtype=src.dtype)
    s = jnp.concatenate([src, loop])
    d = jnp.concatenate([dst, loop])
    deg = jax.ops.segment_sum(jnp.ones(s.shape, dtype=h.dtype), d, num_segments=n)
    dinv = jnp.where(deg > 0, jax.lax.rsqrt(jnp.maximum(deg, 1e-12)), 0.0)
    norm = dinv[s] * dinv[d]
    msg = h[s] * norm[:, None]
    out = jax.ops.segment_sum(msg, d, num_segments=n)
    return out + b


def reference(x, edge_index, W1, b1, W_mu, b_mu, W_ls, b_ls):
    src = edge_index[0]
    dst = edge_index[1]
    h = jax.nn.relu(_gcn_conv(x, W1, b1, src, dst, N))
    mu = _gcn_conv(h, W_mu, b_mu, src, dst, N)
    logstd = _gcn_conv(h, W_ls, b_ls, src, dst, N)
    return mu, logstd

if __name__ == "__main__":
    import jax
    _d = setup_inputs()
    print(jax.jit(kernel)(*tuple(_d.values())))

</pallas_src>

<mosaic_0001>
#map = affine_map<(d0, d1) -> (0)>
#map1 = affine_map<(d0, d1) -> (0, 0)>
module attributes {stable_mosaic.version = 14 : i64} {
  func.func @_deg_body(%arg0: i32, %arg1: i32, %arg2: memref<640000xi32, #tpu.memory_space<hbm>>, %arg3: memref<32x10240xf32, #tpu.memory_space<hbm>>, %arg4: memref<10000xi32, #tpu.memory_space<vmem>>, %arg5: memref<10240xf32, #tpu.memory_space<vmem>>) attributes {dimension_semantics = [#tpu.dimension_semantics<core_parallel>, #tpu.dimension_semantics<subcore_parallel>], iteration_bounds = array<i64: 2, 16>, scalar_prefetch = 0 : i64, scratch_operands = 2 : i64, tpu.core_type = #tpu.core_type<sc_vector_subcore>, window_params = [{transform_indices = #map}, {transform_indices = #map1}]} {
    %mul3A = arith.constant 2 : i32
    %mul3A_0 = arith.muli %arg1, %mul3A : i32
    %add3A = arith.addi %mul3A_0, %arg0 : i32
    %broadcast_in_dim3A = arith.constant 0.000000e+00 : f32
    %broadcast_in_dim3A_1 = vector.broadcast %broadcast_in_dim3A : f32 to vector<16xf32>
    %scan3A = arith.constant 0 : i32
    %scan3A_2 = arith.constant 0 : i32
    %scan3A_3 = arith.constant 160 : i32
    %scan3A_4 = arith.addi %scan3A_2, %scan3A_3 : i32
    %scan3A_5 = arith.constant 1 : i32
    %scan3A_6 = scf.for %scan3A_21 = %scan3A_2 to %scan3A_4 step %scan3A_5 iter_args(%scan3A_22 = %scan3A) -> (i32)  : i32 {
      %mul3A_23 = arith.constant 4 : i32
      %mul3A_24 = arith.muli %scan3A_21, %mul3A_23 : i32
      %add3A_25 = arith.constant 0 : i32
      %add3A_26 = arith.addi %mul3A_24, %add3A_25 : i32
      %mul3A_27 = arith.constant 16 : i32
      %mul3A_28 = arith.muli %add3A_26, %mul3A_27 : i32
      %swap3A = arith.index_cast %mul3A_28 : i32 to index
      %swap3A_29 = tpu.vector_load %arg5[%swap3A] {strides = array<i32>} : memref<10240xf32, #tpu.memory_space<vmem>>, vector<16xf32>,
      tpu.vector_store %arg5[%swap3A], %broadcast_in_dim3A_1 {strides = array<i32>} : memref<10240xf32, #tpu.memory_space<vmem>>, vector<16xf32>,
      %mul3A_30 = arith.constant 4 : i32
      %mul3A_31 = arith.muli %scan3A_21, %mul3A_30 : i32
      %add3A_32 = arith.constant 1 : i32
      %add3A_33 = arith.addi %mul3A_31, %add3A_32 : i32
      %mul3A_34 = arith.constant 16 : i32
      %mul3A_35 = arith.muli %add3A_33, %mul3A_34 : i32
      %swap3A_36 = arith.index_cast %mul3A_35 : i32 to index
      %swap3A_37 = tpu.vector_load %arg5[%swap3A_36] {strides = array<i32>} : memref<10240xf32, #tpu.memory_space<vmem>>, vector<16xf32>,
      tpu.vector_store %arg5[%swap3A_36], %broadcast_in_dim3A_1 {strides = array<i32>} : memref<10240xf32, #tpu.memory_space<vmem>>, vector<16xf32>,
      %mul3A_38 = arith.constant 4 : i32
      %mul3A_39 = arith.muli %scan3A_21, %mul3A_38 : i32
      %add3A_40 = arith.constant 2 : i32
      %add3A_41 = arith.addi %mul3A_39, %add3A_40 : i32
      %mul3A_42 = arith.constant 16 : i32
      %mul3A_43 = arith.muli %add3A_41, %mul3A_42 : i32
      %swap3A_44 = arith.index_cast %mul3A_43 : i32 to index
      %swap3A_45 = tpu.vector_load %arg5[%swap3A_44] {strides = array<i32>} : memref<10240xf32, #tpu.memory_space<vmem>>, vector<16xf32>,
      tpu.vector_store %arg5[%swap3A_44], %broadcast_in_dim3A_1 {strides = array<i32>} : memref<10240xf32, #tpu.memory_space<vmem>>, vector<16xf32>,
      %mul3A_46 = arith.constant 4 : i32
      %mul3A_47 = arith.muli %scan3A_21, %mul3A_46 : i32
      %add3A_48 = arith.constant 3 : i32
      %add3A_49 = arith.addi %mul3A_47, %add3A_48 : i32
      %mul3A_50 = arith.constant 16 : i32
      %mul3A_51 = arith.muli %add3A_49, %mul3A_50 : i32
      %swap3A_52 = arith.index_cast %mul3A_51 : i32 to index
      %swap3A_53 = tpu.vector_load %arg5[%swap3A_52] {strides = array<i32>} : memref<10240xf32, #tpu.memory_space<vmem>>, vector<16xf32>,
      tpu.vector_store %arg5[%swap3A_52], %broadcast_in_dim3A_1 {strides = array<i32>} : memref<10240xf32, #tpu.memory_space<vmem>>, vector<16xf32>,
      %scan3A_54 = arith.constant 0 : i32
      scf.yield %scan3A_54 : i32
    }
    %scan3A_7 = arith.constant 160 : i32
    %mul3A_8 = arith.constant 10000 : i32
    %mul3A_9 = arith.muli %add3A, %mul3A_8 : i32
    %add3A_10 = arith.constant 320000 : i32
    %add3A_11 = arith.addi %add3A_10, %mul3A_9 : i32
    "tpu.region"() ({
      %run_scoped3A = tpu.sem_alloc : memref<!tpu.dma_semaphore, #tpu.memory_space<semaphore_mem>>
      %dma_start3A = tpu.memref_slice %arg2[%add3A_11] : memref<640000xi32, #tpu.memory_space<hbm>> -> memref<10000xi32, #tpu.memory_space<hbm>>
      %dma_start3A_21 = tpu.memref_slice %arg2[%add3A_11] : memref<640000xi32, #tpu.memory_space<hbm>> -> memref<10000xi32, #tpu.memory_space<hbm>>
      tpu.enqueue_dma source(%dma_start3A_21 : memref<10000xi32, #tpu.memory_space<hbm>>) target(%arg4 : memref<10000xi32, #tpu.memory_space<vmem>>) target_semaphore(%run_scoped3A : memref<!tpu.dma_semaphore, #tpu.memory_space<semaphore_mem>>)
      %dma_wait3A = tpu.memref_slice %arg2[%add3A_11] : memref<640000xi32, #tpu.memory_space<hbm>> -> memref<10000xi32, #tpu.memory_space<hbm>>
      %dma_wait3A_22 = tpu.memref_slice %arg2[%add3A_11] : memref<640000xi32, #tpu.memory_space<hbm>> -> memref<10000xi32, #tpu.memory_space<hbm>>
      tpu.wait_dma2 semaphore(%run_scoped3A : memref<!tpu.dma_semaphore, #tpu.memory_space<semaphore_mem>>) src(%dma_wait3A_22 : memref<10000xi32, #tpu.memory_space<hbm>>) dst(%arg4 : memref<10000xi32, #tpu.memory_space<vmem>>)
      tpu.yield
    }) : () -> ()
    %broadcast_in_dim3A_12 = arith.constant 1.000000e+00 : f32
    %broadcast_in_dim3A_13 = vector.broadcast %broadcast_in_dim3A_12 : f32 to vector<16xf32>
    %scan3A_14 = arith.constant 0 : i32
    %scan3A_15 = arith.constant 0 : i32
    %scan3A_16 = arith.constant 125 : i32
    %scan3A_17 = arith.addi %scan3A_15, %scan3A_16 : i32
    %scan3A_18 = arith.constant 1 : i32
    %scan3A_19 = scf.for %scan3A_21 = %scan3A_15 to %scan3A_17 step %scan3A_18 iter_args(%scan3A_22 = %scan3A_14) -> (i32)  : i32 {
      %mul3A_23 = arith.constant 5 : i32
      %mul3A_24 = arith.muli %scan3A_21, %mul3A_23 : i32
      %add3A_25 = arith.constant 0 : i32
      %add3A_26 = arith.addi %mul3A_24, %add3A_25 : i32
      %mul3A_27 = arith.constant 16 : i32
      %mul3A_28 = arith.muli %add3A_26, %mul3A_27 : i32
      %get3A = arith.index_cast %mul3A_28 : i32 to index
      %get3A_29 = tpu.vector_load %arg4[%get3A] {strides = array<i32>} : memref<10000xi32, #tpu.memory_space<vmem>>, vector<16xi32>,
      tpu.vector_store_idx %arg5[%get3A_29], %broadcast_in_dim3A_13 {add = true} : memref<10240xf32, #tpu.memory_space<vmem>>[vector<16xi32>], vector<16xf32>,
      %mul3A_30 = arith.constant 5 : i32
      %mul3A_31 = arith.muli %scan3A_21, %mul3A_30 : i32
      %add3A_32 = arith.constant 1 : i32
      %add3A_33 = arith.addi %mul3A_31, %add3A_32 : i32
      %mul3A_34 = arith.constant 16 : i32
      %mul3A_35 = arith.muli %add3A_33, %mul3A_34 : i32
      %get3A_36 = arith.index_cast %mul3A_35 : i32 to index
      %get3A_37 = tpu.vector_load %arg4[%get3A_36] {strides = array<i32>} : memref<10000xi32, #tpu.memory_space<vmem>>, vector<16xi32>,
      tpu.vector_store_idx %arg5[%get3A_37], %broadcast_in_dim3A_13 {add = true} : memref<10240xf32, #tpu.memory_space<vmem>>[vector<16xi32>], vector<16xf32>,
      %mul3A_38 = arith.constant 5 : i32
      %mul3A_39 = arith.muli %scan3A_21, %mul3A_38 : i32
      %add3A_40 = arith.constant 2 : i32
      %add3A_41 = arith.addi %mul3A_39, %add3A_40 : i32
      %mul3A_42 = arith.constant 16 : i32
      %mul3A_43 = arith.muli %add3A_41, %mul3A_42 : i32
      %get3A_44 = arith.index_cast %mul3A_43 : i32 to index
      %get3A_45 = tpu.vector_load %arg4[%get3A_44] {strides = array<i32>} : memref<10000xi32, #tpu.memory_space<vmem>>, vector<16xi32>,
      tpu.vector_store_idx %arg5[%get3A_45], %broadcast_in_dim3A_13 {add = true} : memref<10240xf32, #tpu.memory_space<vmem>>[vector<16xi32>], vector<16xf32>,
      %mul3A_46 = arith.constant 5 : i32
      %mul3A_47 = arith.muli %scan3A_21, %mul3A_46 : i32
      %add3A_48 = arith.constant 3 : i32
      %add3A_49 = arith.addi %mul3A_47, %add3A_48 : i32
      %mul3A_50 = arith.constant 16 : i32
      %mul3A_51 = arith.muli %add3A_49, %mul3A_50 : i32
      %get3A_52 = arith.index_cast %mul3A_51 : i32 to index
      %get3A_53 = tpu.vector_load %arg4[%get3A_52] {strides = array<i32>} : memref<10000xi32, #tpu.memory_space<vmem>>, vector<16xi32>,
      tpu.vector_store_idx %arg5[%get3A_53], %broadcast_in_dim3A_13 {add = true} : memref<10240xf32, #tpu.memory_space<vmem>>[vector<16xi32>], vector<16xf32>,
      %mul3A_54 = arith.constant 5 : i32
      %mul3A_55 = arith.muli %scan3A_21, %mul3A_54 : i32
      %add3A_56 = arith.constant 4 : i32
      %add3A_57 = arith.addi %mul3A_55, %add3A_56 : i32
      %mul3A_58 = arith.constant 16 : i32
      %mul3A_59 = arith.muli %add3A_57, %mul3A_58 : i32
      %get3A_60 = arith.index_cast %mul3A_59 : i32 to index
      %get3A_61 = tpu.vector_load %arg4[%get3A_60] {strides = array<i32>} : memref<10000xi32, #tpu.memory_space<vmem>>, vector<16xi32>,
      tpu.vector_store_idx %arg5[%get3A_61], %broadcast_in_dim3A_13 {add = true} : memref<10240xf32, #tpu.memory_space<vmem>>[vector<16xi32>], vector<16xf32>,
      %scan3A_62 = arith.constant 0 : i32
      scf.yield %scan3A_62 : i32
    }
    %scan3A_20 = arith.constant 125 : i32
    "tpu.region"() ({
      %run_scoped3A = tpu.sem_alloc : memref<!tpu.dma_semaphore, #tpu.memory_space<semaphore_mem>>
      %dma_start3A = arith.constant 0 : i32
      %dma_start3A_21 = tpu.memref_slice %arg3[%add3A, %dma_start3A] : memref<32x10240xf32, #tpu.memory_space<hbm>> -> memref<1x10240xf32, #tpu.memory_space<hbm>>
      %dma_start3A_22 = tpu.memref_squeeze %dma_start3A_21 : memref<1x10240xf32, #tpu.memory_space<hbm>> -> memref<10240xf32, #tpu.memory_space<hbm>>
      %dma_start3A_23 = arith.constant 0 : i32
      %dma_start3A_24 = tpu.memref_slice %arg3[%add3A, %dma_start3A_23] : memref<32x10240xf32, #tpu.memory_space<hbm>> -> memref<1x10240xf32, #tpu.memory_space<hbm>>
      %dma_start3A_25 = tpu.memref_squeeze %dma_start3A_24 : memref<1x10240xf32, #tpu.memory_space<hbm>> -> memref<10240xf32, #tpu.memory_space<hbm>>
      tpu.enqueue_dma source(%arg5 : memref<10240xf32, #tpu.memory_space<vmem>>) target(%dma_start3A_25 : memref<10240xf32, #tpu.memory_space<hbm>>) target_semaphore(%run_scoped3A : memref<!tpu.dma_semaphore, #tpu.memory_space<semaphore_mem>>)
      %dma_wait3A = arith.constant 0 : i32
      %dma_wait3A_26 = tpu.memref_slice %arg3[%add3A, %dma_wait3A] : memref<32x10240xf32, #tpu.memory_space<hbm>> -> memref<1x10240xf32, #tpu.memory_space<hbm>>
      %dma_wait3A_27 = tpu.memref_squeeze %dma_wait3A_26 : memref<1x10240xf32, #tpu.memory_space<hbm>> -> memref<10240xf32, #tpu.memory_space<hbm>>
      %dma_wait3A_28 = arith.constant 0 : i32
      %dma_wait3A_29 = tpu.memref_slice %arg3[%add3A, %dma_wait3A_28] : memref<32x10240xf32, #tpu.memory_space<hbm>> -> memref<1x10240xf32, #tpu.memory_space<hbm>>
      %dma_wait3A_30 = tpu.memref_squeeze %dma_wait3A_29 : memref<1x10240xf32, #tpu.memory_space<hbm>> -> memref<10240xf32, #tpu.memory_space<hbm>>
      tpu.wait_dma2 semaphore(%run_scoped3A : memref<!tpu.dma_semaphore, #tpu.memory_space<semaphore_mem>>) src(%arg5 : memref<10240xf32, #tpu.memory_space<vmem>>) dst(%dma_wait3A_30 : memref<10240xf32, #tpu.memory_space<hbm>>)
      tpu.yield
    }) : () -> ()
    return
  }
}

#map = affine_map<(d0, d1) -> (0, 0)>
#map1 = affine_map<(d0, d1) -> (0)>
#map2 = affine_map<(d0, d1) -> (0, 0, 0)>
module attributes {stable_mosaic.version = 14 : i64} {
  func.func @_spmm_body(%arg0: i32, %arg1: i32, %arg2: memref<10000x128xf32, #tpu.memory_space<hbm>>, %arg3: memref<640000xi32, #tpu.memory_space<hbm>>, %arg4: memref<2x10000x128xf32, #tpu.memory_space<hbm>>, %arg5: memref<6000xi32, #tpu.memory_space<vmem>>, %arg6: memref<80xi32, #tpu.memory_space<vmem>>, %arg7: memref<80xi32, #tpu.memory_space<vmem>>, %arg8: memref<80xi32, #tpu.memory_space<vmem>>, %arg9: memref<80x128xf32, #tpu.memory_space<vmem>>, %arg10: memref<80x128xf32, #tpu.memory_space<vmem>>, %arg11: memref<80x128xf32, #tpu.memory_space<vmem>>, %arg12: memref<!tpu.dma_semaphore, #tpu.memory_space<semaphore_mem>>, %arg13: memref<!tpu.dma_semaphore, #tpu.memory_space<semaphore_mem>>, %arg14: memref<!tpu.dma_semaphore, #tpu.memory_space<semaphore_mem>>, %arg15: memref<!tpu.dma_semaphore, #tpu.memory_space<semaphore_mem>>, %arg16: memref<!tpu.dma_semaphore, #tpu.memory_space<semaphore_mem>>, %arg17: memref<!tpu.dma_semaphore, #tpu.memory_space<semaphore_mem>>, %arg18: memref<10000x128xf32, #tpu.memory_space<vmem_shared>>) attributes {dimension_semantics = [#tpu.dimension_semantics<core_parallel>, #tpu.dimension_semantics<subcore_parallel>], iteration_bounds = array<i64: 2, 16>, scalar_prefetch = 0 : i64, scratch_operands = 14 : i64, tpu.core_type = #tpu.core_type<sc_vector_subcore>, window_params = [{transform_indices = #map}, {transform_indices = #map1}, {transform_indices = #map2}]} {
    %mul3A = arith.constant 2 : i32
    %mul3A_0 = arith.muli %arg1, %mul3A : i32
    %add3A = arith.addi %mul3A_0, %arg0 : i32
    %mul3A_1 = arith.constant 640 : i32
    %mul3A_2 = arith.muli %arg1, %mul3A_1 : i32
    %multiple_of3A = tpu.assume_multiple %mul3A_2, 8 : i32
    %eq3A = arith.constant 0 : i32
    %eq3A_3 = arith.cmpi eq, %arg0, %eq3A : i32
    %lt3A = arith.constant 15 : i32
    %lt3A_4 = arith.cmpi slt, %arg1, %lt3A : i32
    %and3A = arith.andi %eq3A_3, %lt3A_4 : i1
    %convert_element_type3A = arith.extui %and3A : i1 to i32
    %cond3A = arith.constant 0 : i32
    %cond3A_5 = arith.cmpi ne, %convert_element_type3A, %cond3A : i32
    scf.if %cond3A_5 {
      "tpu.region"() ({
        %run_scoped3A = tpu.sem_alloc : memref<!tpu.dma_semaphore, #tpu.memory_space<semaphore_mem>>
        %dma_start3A_141 = arith.constant 0 : i32
        %dma_start3A_142 = tpu.memref_slice %arg18[%multiple_of3A, %dma_start3A_141] : memref<10000x128xf32, #tpu.memory_space<vmem_shared>> -> memref<640x128xf32, #tpu.memory_space<vmem_shared>>
        %dma_start3A_143 = arith.constant 0 : i32
        %dma_start3A_144 = tpu.memref_slice %arg2[%multiple_of3A, %dma_start3A_143] : memref<10000x128xf32, #tpu.memory_space<hbm>> -> memref<640x128xf32, #tpu.memory_space<hbm>>
        tpu.enqueue_dma source(%dma_start3A_144 : memref<640x128xf32, #tpu.memory_space<hbm>>) target(%dma_start3A_142 : memref<640x128xf32, #tpu.memory_space<vmem_shared>>) target_semaphore(%run_scoped3A : memref<!tpu.dma_semaphore, #tpu.memory_space<semaphore_mem>>)
        %dma_wait3A = arith.constant 0 : i32
        %dma_wait3A_145 = tpu.memref_slice %arg18[%multiple_of3A, %dma_wait3A] : memref<10000x128xf32, #tpu.memory_space<vmem_shared>> -> memref<640x128xf32, #tpu.memory_space<vmem_shared>>
        %dma_wait3A_146 = arith.constant 0 : i32
        %dma_wait3A_147 = tpu.memref_slice %arg2[%multiple_of3A, %dma_wait3A_146] : memref<10000x128xf32, #tpu.memory_space<hbm>> -> memref<640x128xf32, #tpu.memory_space<hbm>>
        tpu.wait_dma2 semaphore(%run_scoped3A : memref<!tpu.dma_semaphore, #tpu.memory_space<semaphore_mem>>) src(%dma_wait3A_147 : memref<640x128xf32, #tpu.memory_space<hbm>>) dst(%dma_wait3A_145 : memref<640x128xf32, #tpu.memory_space<vmem_shared>>)
        tpu.yield
      }) : () -> ()
    } else {
    }
    %eq3A_6 = arith.constant 0 : i32
    %eq3A_7 = arith.cmpi eq, %arg0, %eq3A_6 : i32
    %eq3A_8 = arith.constant 15 : i32
    %eq3A_9 = arith.cmpi eq, %arg1, %eq3A_8 : i32
    %and3A_10 = arith.andi %eq3A_7, %eq3A_9 : i1
    %convert_element_type3A_11 = arith.extui %and3A_10 : i1 to i32
    %cond3A_12 = arith.constant 0 : i32
    %cond3A_13 = arith.cmpi ne, %convert_element_type3A_11, %cond3A_12 : i32
    scf.if %cond3A_13 {
      "tpu.region"() ({
        %run_scoped3A = tpu.sem_alloc : memref<!tpu.dma_semaphore, #tpu.memory_space<semaphore_mem>>
        %dma_start3A_141 = arith.constant 0 : i32
        %dma_start3A_142 = tpu.memref_slice %arg18[%multiple_of3A, %dma_start3A_141] : memref<10000x128xf32, #tpu.memory_space<vmem_shared>> -> memref<400x128xf32, #tpu.memory_space<vmem_shared>>
        %dma_start3A_143 = arith.constant 0 : i32
        %dma_start3A_144 = tpu.memref_slice %arg2[%multiple_of3A, %dma_start3A_143] : memref<10000x128xf32, #tpu.memory_space<hbm>> -> memref<400x128xf32, #tpu.memory_space<hbm>>
        tpu.enqueue_dma source(%dma_start3A_144 : memref<400x128xf32, #tpu.memory_space<hbm>>) target(%dma_start3A_142 : memref<400x128xf32, #tpu.memory_space<vmem_shared>>) target_semaphore(%run_scoped3A : memref<!tpu.dma_semaphore, #tpu.memory_space<semaphore_mem>>)
        %dma_wait3A = arith.constant 0 : i32
        %dma_wait3A_145 = tpu.memref_slice %arg18[%multiple_of3A, %dma_wait3A] : memref<10000x128xf32, #tpu.memory_space<vmem_shared>> -> memref<400x128xf32, #tpu.memory_space<vmem_shared>>
        %dma_wait3A_146 = arith.constant 0 : i32
        %dma_wait3A_147 = tpu.memref_slice %arg2[%multiple_of3A, %dma_wait3A_146] : memref<10000x128xf32, #tpu.memory_space<hbm>> -> memref<400x128xf32, #tpu.memory_space<hbm>>
        tpu.wait_dma2 semaphore(%run_scoped3A : memref<!tpu.dma_semaphore, #tpu.memory_space<semaphore_mem>>) src(%dma_wait3A_147 : memref<400x128xf32, #tpu.memory_space<hbm>>) dst(%dma_wait3A_145 : memref<400x128xf32, #tpu.memory_space<vmem_shared>>)
        tpu.yield
      }) : () -> ()
    } else {
    }
    %ne3A = arith.constant 0 : i32
    %ne3A_14 = arith.cmpi ne, %arg0, %ne3A : i32
    %convert_element_type3A_15 = arith.extui %ne3A_14 : i1 to i32
    %cond3A_16 = arith.constant 0 : i32
    %cond3A_17 = arith.cmpi ne, %convert_element_type3A_15, %cond3A_16 : i32
    scf.if %cond3A_17 {
      %broadcast_in_dim3A = arith.constant 0.000000e+00 : f32
      %broadcast_in_dim3A_141 = vector.broadcast %broadcast_in_dim3A : f32 to vector<16xf32>
      %scan3A_142 = arith.constant 0 : i32
      %scan3A_143 = arith.constant 0 : i32
      %scan3A_144 = arith.constant 640 : i32
      %scan3A_145 = arith.addi %scan3A_143, %scan3A_144 : i32
      %scan3A_146 = arith.constant 1 : i32
      %scan3A_147 = scf.for %scan3A_149 = %scan3A_143 to %scan3A_145 step %scan3A_146 iter_args(%scan3A_150 = %scan3A_142) -> (i32)  : i32 {
        %jit3A = arith.constant 8 : i32
        %div3A = arith.divsi %scan3A_149, %jit3A : i32
        %sign3A = arith.constant 0 : i32
        %sign3A_151 = arith.cmpi sgt, %scan3A_149, %sign3A : i32
        %sign3A_152 = arith.extui %sign3A_151 : i1 to i32
        %sign3A_153 = arith.constant 0 : i32
        %sign3A_154 = arith.cmpi slt, %scan3A_149, %sign3A_153 : i32
        %sign3A_155 = arith.extui %sign3A_154 : i1 to i32
        %sign3A_156 = arith.subi %sign3A_152, %sign3A_155 : i32
        %sign3A_157 = arith.constant 0 : i32
        %sign3A_158 = arith.cmpi sgt, %jit3A, %sign3A_157 : i32
        %sign3A_159 = arith.extui %sign3A_158 : i1 to i32
        %sign3A_160 = arith.constant 0 : i32
        %sign3A_161 = arith.cmpi slt, %jit3A, %sign3A_160 : i32
        %sign3A_162 = arith.extui %sign3A_161 : i1 to i32
        %sign3A_163 = arith.subi %sign3A_159, %sign3A_162 : i32
        %ne3A_164 = arith.cmpi ne, %sign3A_156, %sign3A_163 : i32
        %rem3A = arith.remsi %scan3A_149, %jit3A : i32
        %ne3A_165 = arith.constant 0 : i32
        %ne3A_166 = arith.cmpi ne, %rem3A, %ne3A_165 : i32
        %and3A_167 = arith.andi %ne3A_164, %ne3A_166 : i1
        %sub3A = arith.constant 1 : i32
        %sub3A_168 = arith.subi %div3A, %sub3A : i32
        %select_n3A = arith.select %and3A_167, %sub3A_168, %div3A : i32
        %jit3A_169 = arith.constant 8 : i32
        %eq3A_170 = arith.constant 0 : i32
        %eq3A_171 = arith.cmpi eq, %jit3A_169, %eq3A_170 : i32
        %jit3A_172 = arith.constant 1 : i32
        %select_n3A_173 = arith.select %eq3A_171, %jit3A_172, %jit3A_169 : i32
        %rem3A_174 = arith.remsi %scan3A_149, %select_n3A_173 : i32
        %ne3A_175 = arith.constant 0 : i32
        %ne3A_176 = arith.cmpi ne, %rem3A_174, %ne3A_175 : i32
        %lt3A_177 = arith.constant 0 : i32
        %lt3A_178 = arith.cmpi slt, %rem3A_174, %lt3A_177 : i32
        %lt3A_179 = arith.constant 0 : i32
        %lt3A_180 = arith.cmpi slt, %select_n3A_173, %lt3A_179 : i32
        %ne3A_181 = arith.xori %lt3A_178, %lt3A_180 : i1
        %and3A_182 = arith.andi %ne3A_181, %ne3A_176 : i1
        %add3A_183 = arith.addi %rem3A_174, %select_n3A_173 : i32
        %select_n3A_184 = arith.select %and3A_182, %add3A_183, %rem3A_174 : i32
        %mul3A_185 = arith.constant 16 : i32
        %mul3A_186 = arith.muli %select_n3A_184, %mul3A_185 : i32
        %swap3A = arith.index_cast %select_n3A : i32 to index
        %swap3A_187 = arith.index_cast %mul3A_186 : i32 to index
        %swap3A_188 = tpu.vector_load %arg9[%swap3A, %swap3A_187] {strides = array<i32>} : memref<80x128xf32, #tpu.memory_space<vmem>>, vector<16xf32>,
        tpu.vector_store %arg9[%swap3A, %swap3A_187], %broadcast_in_dim3A_141 {strides = array<i32>} : memref<80x128xf32, #tpu.memory_space<vmem>>, vector<16xf32>,
        %scan3A_189 = arith.constant 0 : i32
        scf.yield %scan3A_189 : i32
      }
      %scan3A_148 = arith.constant 640 : i32
    } else {
    }
    %ne3A_18 = arith.constant 0 : i32
    %ne3A_19 = arith.cmpi ne, %arg0, %ne3A_18 : i32
    %lt3A_20 = arith.constant 15 : i32
    %lt3A_21 = arith.cmpi slt, %arg1, %lt3A_20 : i32
    %and3A_22 = arith.andi %ne3A_19, %lt3A_21 : i1
    %convert_element_type3A_23 = arith.extui %and3A_22 : i1 to i32
    %cond3A_24 = arith.constant 0 : i32
    %cond3A_25 = arith.cmpi ne, %convert_element_type3A_23, %cond3A_24 : i32
    scf.if %cond3A_25 {
      %add3A_141 = arith.constant 0 : i32
      %add3A_142 = arith.addi %multiple_of3A, %add3A_141 : i32
      %multiple_of3A_143 = tpu.assume_multiple %add3A_142, 8 : i32
      "tpu.region"() ({
        %run_scoped3A = tpu.sem_alloc : memref<!tpu.dma_semaphore, #tpu.memory_space<semaphore_mem>>
        %dma_start3A_165 = arith.constant 0 : i32
        %dma_start3A_166 = tpu.memref_slice %arg18[%multiple_of3A_143, %dma_start3A_165] : memref<10000x128xf32, #tpu.memory_space<vmem_shared>> -> memref<80x128xf32, #tpu.memory_space<vmem_shared>>
        %dma_start3A_167 = arith.constant 0 : i32
        %dma_start3A_168 = tpu.memref_slice %arg18[%multiple_of3A_143, %dma_start3A_167] : memref<10000x128xf32, #tpu.memory_space<vmem_shared>> -> memref<80x128xf32, #tpu.memory_space<vmem_shared>>
        tpu.enqueue_dma source(%arg9 : memref<80x128xf32, #tpu.memory_space<vmem>>) target(%dma_start3A_168 : memref<80x128xf32, #tpu.memory_space<vmem_shared>>) target_semaphore(%run_scoped3A : memref<!tpu.dma_semaphore, #tpu.memory_space<semaphore_mem>>)
        %dma_wait3A = arith.constant 0 : i32
        %dma_wait3A_169 = tpu.memref_slice %arg18[%multiple_of3A_143, %dma_wait3A] : memref<10000x128xf32, #tpu.memory_space<vmem_shared>> -> memref<80x128xf32, #tpu.memory_space<vmem_shared>>
        %dma_wait3A_170 = arith.constant 0 : i32
        %dma_wait3A_171 = tpu.memref_slice %arg18[%multiple_of3A_143, %dma_wait3A_170] : memref<10000x128xf32, #tpu.memory_space<vmem_shared>> -> memref<80x128xf32, #tpu.memory_space<vmem_shared>>
        tpu.wait_dma2 semaphore(%run_scoped3A : memref<!tpu.dma_semaphore, #tpu.memory_space<semaphore_mem>>) src(%arg9 : memref<80x128xf32, #tpu.memory_space<vmem>>) dst(%dma_wait3A_171 : memref<80x128xf32, #tpu.memory_space<vmem_shared>>)
        tpu.yield
      }) : () -> ()
      %add3A_144 = arith.constant 80 : i32
      %add3A_145 = arith.addi %multiple_of3A, %add3A_144 : i32
      %multiple_of3A_146 = tpu.assume_multiple %add3A_145, 8 : i32
      "tpu.region"() ({
        %run_scoped3A = tpu.sem_alloc : memref<!tpu.dma_semaphore, #tpu.memory_space<semaphore_mem>>
        %dma_start3A_165 = arith.constant 0 : i32
        %dma_start3A_166 = tpu.memref_slice %arg18[%multiple_of3A_146, %dma_start3A_165] : memref<10000x128xf32, #tpu.memory_space<vmem_shared>> -> memref<80x128xf32, #tpu.memory_space<vmem_shared>>
        %dma_start3A_167 = arith.constant 0 : i32
        %dma_start3A_168 = tpu.memref_slice %arg18[%multiple_of3A_146, %dma_start3A_167] : memref<10000x128xf32, #tpu.memory_space<vmem_shared>> -> memref<80x128xf32, #tpu.memory_space<vmem_shared>>
        tpu.enqueue_dma source(%arg9 : memref<80x128xf32, #tpu.memory_space<vmem>>) target(%dma_start3A_168 : memref<80x128xf32, #tpu.memory_space<vmem_shared>>) target_semaphore(%run_scoped3A : memref<!tpu.dma_semaphore, #tpu.memory_space<semaphore_mem>>)
        %dma_wait3A = arith.constant 0 : i32
        %dma_wait3A_169 = tpu.memref_slice %arg18[%multiple_of3A_146, %dma_wait3A] : memref<10000x128xf32, #tpu.memory_space<vmem_shared>> -> memref<80x128xf32, #tpu.memory_space<vmem_shared>>
        %dma_wait3A_170 = arith.constant 0 : i32
        %dma_wait3A_171 = tpu.memref_slice %arg18[%multiple_of3A_146, %dma_wait3A_170] : memref<10000x128xf32, #tpu.memory_space<vmem_shared>> -> memref<80x128xf32, #tpu.memory_space<vmem_shared>>
        tpu.wait_dma2 semaphore(%run_scoped3A : memref<!tpu.dma_semaphore, #tpu.memory_space<semaphore_mem>>) src(%arg9 : memref<80x128xf32, #tpu.memory_space<vmem>>) dst(%dma_wait3A_171 : memref<80x128xf32, #tpu.memory_space<vmem_shared>>)
        tpu.yield
      }) : () -> ()
      %add3A_147 = arith.constant 160 : i32
      %add3A_148 = arith.addi %multiple_of3A, %add3A_147 : i32
      %multiple_of3A_149 = tpu.assume_multiple %add3A_148, 8 : i32
      "tpu.region"() ({
        %run_scoped3A = tpu.sem_alloc : memref<!tpu.dma_semaphore, #tpu.memory_space<semaphore_mem>>
        %dma_start3A_165 = arith.constant 0 : i32
        %dma_start3A_166 = tpu.memref_slice %arg18[%multiple_of3A_149, %dma_start3A_165] : memref<10000x128xf32, #tpu.memory_space<vmem_shared>> -> memref<80x128xf32, #tpu.memory_space<vmem_shared>>
        %dma_start3A_167 = arith.constant 0 : i32
        %dma_start3A_168 = tpu.memref_slice %arg18[%multiple_of3A_149, %dma_start3A_167] : memref<10000x128xf32, #tpu.memory_space<vmem_shared>> -> memref<80x128xf32, #tpu.memory_space<vmem_shared>>
        tpu.enqueue_dma source(%arg9 : memref<80x128xf32, #tpu.memory_space<vmem>>) target(%dma_start3A_168 : memref<80x128xf32, #tpu.memory_space<vmem_shared>>) target_semaphore(%run_scoped3A : memref<!tpu.dma_semaphore, #tpu.memory_space<semaphore_mem>>)
        %dma_wait3A = arith.constant 0 : i32
        %dma_wait3A_169 = tpu.memref_slice %arg18[%multiple_of3A_149, %dma_wait3A] : memref<10000x128xf32, #tpu.memory_space<vmem_shared>> -> memref<80x128xf32, #tpu.memory_space<vmem_shared>>
        %dma_wait3A_170 = arith.constant 0 : i32
        %dma_wait3A_171 = tpu.memref_slice %arg18[%multiple_of3A_149, %dma_wait3A_170] : memref<10000x128xf32, #tpu.memory_space<vmem_shared>> -> memref<80x128xf32, #tpu.memory_space<vmem_shared>>
        tpu.wait_dma2 semaphore(%run_scoped3A : memref<!tpu.dma_semaphore, #tpu.memory_space<semaphore_mem>>) src(%arg9 : memref<80x128xf32, #tpu.memory_space<vmem>>) dst(%dma_wait3A_171 : memref<80x128xf32, #tpu.memory_space<vmem_shared>>)
        tpu.yield
      }) : () -> ()
      %add3A_150 = arith.constant 240 : i32
      %add3A_151 = arith.addi %multiple_of3A, %add3A_150 : i32
      %multiple_of3A_152 = tpu.assume_multiple %add3A_151, 8 : i32
      "tpu.region"() ({
        %run_scoped3A = tpu.sem_alloc : memref<!tpu.dma_semaphore, #tpu.memory_space<semaphore_mem>>
        %dma_start3A_165 = arith.constant 0 : i32
        %dma_start3A_166 = tpu.memref_slice %arg18[%multiple_of3A_152, %dma_start3A_165] : memref<10000x128xf32, #tpu.memory_space<vmem_shared>> -> memref<80x128xf32, #tpu.memory_space<vmem_shared>>
        %dma_start3A_167 = arith.constant 0 : i32
        %dma_start3A_168 = tpu.memref_slice %arg18[%multiple_of3A_152, %dma_start3A_167] : memref<10000x128xf32, #tpu.memory_space<vmem_shared>> -> memref<80x128xf32, #tpu.memory_space<vmem_shared>>
        tpu.enqueue_dma source(%arg9 : memref<80x128xf32, #tpu.memory_space<vmem>>) target(%dma_start3A_168 : memref<80x128xf32, #tpu.memory_space<vmem_shared>>) target_semaphore(%run_scoped3A : memref<!tpu.dma_semaphore, #tpu.memory_space<semaphore_mem>>)
        %dma_wait3A = arith.constant 0 : i32
        %dma_wait3A_169 = tpu.memref_slice %arg18[%multiple_of3A_152, %dma_wait3A] : memref<10000x128xf32, #tpu.memory_space<vmem_shared>> -> memref<80x128xf32, #tpu.memory_space<vmem_shared>>
        %dma_wait3A_170 = arith.constant 0 : i32
        %dma_wait3A_171 = tpu.memref_slice %arg18[%multiple_of3A_152, %dma_wait3A_170] : memref<10000x128xf32, #tpu.memory_space<vmem_shared>> -> memref<80x128xf32, #tpu.memory_space<vmem_shared>>
        tpu.wait_dma2 semaphore(%run_scoped3A : memref<!tpu.dma_semaphore, #tpu.memory_space<semaphore_mem>>) src(%arg9 : memref<80x128xf32, #tpu.memory_space<vmem>>) dst(%dma_wait3A_171 : memref<80x128xf32, #tpu.memory_space<vmem_shared>>)
        tpu.yield
      }) : () -> ()
      %add3A_153 = arith.constant 320 : i32
      %add3A_154 = arith.addi %multiple_of3A, %add3A_153 : i32
      %multiple_of3A_155 = tpu.assume_multiple %add3A_154, 8 : i32
      "tpu.region"() ({
        %run_scoped3A = tpu.sem_alloc : memref<!tpu.dma_semaphore, #tpu.memory_space<semaphore_mem>>
        %dma_start3A_165 = arith.constant 0 : i32
        %dma_start3A_166 = tpu.memref_slice %arg18[%multiple_of3A_155, %dma_start3A_165] : memref<10000x128xf32, #tpu.memory_space<vmem_shared>> -> memref<80x128xf32, #tpu.memory_space<vmem_shared>>
        %dma_start3A_167 = arith.constant 0 : i32
        %dma_start3A_168 = tpu.memref_slice %arg18[%multiple_of3A_155, %dma_start3A_167] : memref<10000x128xf32, #tpu.memory_space<vmem_shared>> -> memref<80x128xf32, #tpu.memory_space<vmem_shared>>
        tpu.enqueue_dma source(%arg9 : memref<80x128xf32, #tpu.memory_space<vmem>>) target(%dma_start3A_168 : memref<80x128xf32, #tpu.memory_space<vmem_shared>>) target_semaphore(%run_scoped3A : memref<!tpu.dma_semaphore, #tpu.memory_space<semaphore_mem>>)
        %dma_wait3A = arith.constant 0 : i32
        %dma_wait3A_169 = tpu.memref_slice %arg18[%multiple_of3A_155, %dma_wait3A] : memref<10000x128xf32, #tpu.memory_space<vmem_shared>> -> memref<80x128xf32, #tpu.memory_space<vmem_shared>>
        %dma_wait3A_170 = arith.constant 0 : i32
        %dma_wait3A_171 = tpu.memref_slice %arg18[%multiple_of3A_155, %dma_wait3A_170] : memref<10000x128xf32, #tpu.memory_space<vmem_shared>> -> memref<80x128xf32, #tpu.memory_space<vmem_shared>>
        tpu.wait_dma2 semaphore(%run_scoped3A : memref<!tpu.dma_semaphore, #tpu.memory_space<semaphore_mem>>) src(%arg9 : memref<80x128xf32, #tpu.memory_space<vmem>>) dst(%dma_wait3A_171 : memref<80x128xf32, #tpu.memory_space<vmem_shared>>)
        tpu.yield
      }) : () -> ()
      %add3A_156 = arith.constant 400 : i32
      %add3A_157 = arith.addi %multiple_of3A, %add3A_156 : i32
      %multiple_of3A_158 = tpu.assume_multiple %add3A_157, 8 : i32
      "tpu.region"() ({
        %run_scoped3A = tpu.sem_alloc : memref<!tpu.dma_semaphore, #tpu.memory_space<semaphore_mem>>
        %dma_start3A_165 = arith.constant 0 : i32
        %dma_start3A_166 = tpu.memref_slice %arg18[%multiple_of3A_158, %dma_start3A_165] : memref<10000x128xf32, #tpu.memory_space<vmem_shared>> -> memref<80x128xf32, #tpu.memory_space<vmem_shared>>
        %dma_start3A_167 = arith.constant 0 : i32
        %dma_start3A_168 = tpu.memref_slice %arg18[%multiple_of3A_158, %dma_start3A_167] : memref<10000x128xf32, #tpu.memory_space<vmem_shared>> -> memref<80x128xf32, #tpu.memory_space<vmem_shared>>
        tpu.enqueue_dma source(%arg9 : memref<80x128xf32, #tpu.memory_space<vmem>>) target(%dma_start3A_168 : memref<80x128xf32, #tpu.memory_space<vmem_shared>>) target_semaphore(%run_scoped3A : memref<!tpu.dma_semaphore, #tpu.memory_space<semaphore_mem>>)
        %dma_wait3A = arith.constant 0 : i32
        %dma_wait3A_169 = tpu.memref_slice %arg18[%multiple_of3A_158, %dma_wait3A] : memref<10000x128xf32, #tpu.memory_space<vmem_shared>> -> memref<80x128xf32, #tpu.memory_space<vmem_shared>>
        %dma_wait3A_170 = arith.constant 0 : i32
        %dma_wait3A_171 = tpu.memref_slice %arg18[%multiple_of3A_158, %dma_wait3A_170] : memref<10000x128xf32, #tpu.memory_space<vmem_shared>> -> memref<80x128xf32, #tpu.memory_space<vmem_shared>>
        tpu.wait_dma2 semaphore(%run_scoped3A : memref<!tpu.dma_semaphore, #tpu.memory_space<semaphore_mem>>) src(%arg9 : memref<80x128xf32, #tpu.memory_space<vmem>>) dst(%dma_wait3A_171 : memref<80x128xf32, #tpu.memory_space<vmem_shared>>)
        tpu.yield
      }) : () -> ()
      %add3A_159 = arith.constant 480 : i32
      %add3A_160 = arith.addi %multiple_of3A, %add3A_159 : i32
      %multiple_of3A_161 = tpu.assume_multiple %add3A_160, 8 : i32
      "tpu.region"() ({
        %run_scoped3A = tpu.sem_alloc : memref<!tpu.dma_semaphore, #tpu.memory_space<semaphore_mem>>
        %dma_start3A_165 = arith.constant 0 : i32
        %dma_start3A_166 = tpu.memref_slice %arg18[%multiple_of3A_161, %dma_start3A_165] : memref<10000x128xf32, #tpu.memory_space<vmem_shared>> -> memref<80x128xf32, #tpu.memory_space<vmem_shared>>
        %dma_start3A_167 = arith.constant 0 : i32
        %dma_start3A_168 = tpu.memref_slice %arg18[%multiple_of3A_161, %dma_start3A_167] : memref<10000x128xf32, #tpu.memory_space<vmem_shared>> -> memref<80x128xf32, #tpu.memory_space<vmem_shared>>
        tpu.enqueue_dma source(%arg9 : memref<80x128xf32, #tpu.memory_space<vmem>>) target(%dma_start3A_168 : memref<80x128xf32, #tpu.memory_space<vmem_shared>>) target_semaphore(%run_scoped3A : memref<!tpu.dma_semaphore, #tpu.memory_space<semaphore_mem>>)
        %dma_wait3A = arith.constant 0 : i32
        %dma_wait3A_169 = tpu.memref_slice %arg18[%multiple_of3A_161, %dma_wait3A] : memref<10000x128xf32, #tpu.memory_space<vmem_shared>> -> memref<80x128xf32, #tpu.memory_space<vmem_shared>>
        %dma_wait3A_170 = arith.constant 0 : i32
        %dma_wait3A_171 = tpu.memref_slice %arg18[%multiple_of3A_161, %dma_wait3A_170] : memref<10000x128xf32, #tpu.memory_space<vmem_shared>> -> memref<80x128xf32, #tpu.memory_space<vmem_shared>>
        tpu.wait_dma2 semaphore(%run_scoped3A : memref<!tpu.dma_semaphore, #tpu.memory_space<semaphore_mem>>) src(%arg9 : memref<80x128xf32, #tpu.memory_space<vmem>>) dst(%dma_wait3A_171 : memref<80x128xf32, #tpu.memory_space<vmem_shared>>)
        tpu.yield
      }) : () -> ()
      %add3A_162 = arith.constant 560 : i32
      %add3A_163 = arith.addi %multiple_of3A, %add3A_162 : i32
      %multiple_of3A_164 = tpu.assume_multiple %add3A_163, 8 : i32
      "tpu.region"() ({
        %run_scoped3A = tpu.sem_alloc : memref<!tpu.dma_semaphore, #tpu.memory_space<semaphore_mem>>
        %dma_start3A_165 = arith.constant 0 : i32
        %dma_start3A_166 = tpu.memref_slice %arg18[%multiple_of3A_164, %dma_start3A_165] : memref<10000x128xf32, #tpu.memory_space<vmem_shared>> -> memref<80x128xf32, #tpu.memory_space<vmem_shared>>
        %dma_start3A_167 = arith.constant 0 : i32
        %dma_start3A_168 = tpu.memref_slice %arg18[%multiple_of3A_164, %dma_start3A_167] : memref<10000x128xf32, #tpu.memory_space<vmem_shared>> -> memref<80x128xf32, #tpu.memory_space<vmem_shared>>
        tpu.enqueue_dma source(%arg9 : memref<80x128xf32, #tpu.memory_space<vmem>>) target(%dma_start3A_168 : memref<80x128xf32, #tpu.memory_space<vmem_shared>>) target_semaphore(%run_scoped3A : memref<!tpu.dma_semaphore, #tpu.memory_space<semaphore_mem>>)
        %dma_wait3A = arith.constant 0 : i32
        %dma_wait3A_169 = tpu.memref_slice %arg18[%multiple_of3A_164, %dma_wait3A] : memref<10000x128xf32, #tpu.memory_space<vmem_shared>> -> memref<80x128xf32, #tpu.memory_space<vmem_shared>>
        %dma_wait3A_170 = arith.constant 0 : i32
        %dma_wait3A_171 = tpu.memref_slice %arg18[%multiple_of3A_164, %dma_wait3A_170] : memref<10000x128xf32, #tpu.memory_space<vmem_shared>> -> memref<80x128xf32, #tpu.memory_space<vmem_shared>>
        tpu.wait_dma2 semaphore(%run_scoped3A : memref<!tpu.dma_semaphore, #tpu.memory_space<semaphore_mem>>) src(%arg9 : memref<80x128xf32, #tpu.memory_space<vmem>>) dst(%dma_wait3A_171 : memref<80x128xf32, #tpu.memory_space<vmem_shared>>)
        tpu.yield
      }) : () -> ()
    } else {
    }
    %ne3A_26 = arith.constant 0 : i32
    %ne3A_27 = arith.cmpi ne, %arg0, %ne3A_26 : i32
    %eq3A_28 = arith.constant 15 : i32
    %eq3A_29 = arith.cmpi eq, %arg1, %eq3A_28 : i32
    %and3A_30 = arith.andi %ne3A_27, %eq3A_29 : i1
    %convert_element_type3A_31 = arith.extui %and3A_30 : i1 to i32
    %cond3A_32 = arith.constant 0 : i32
    %cond3A_33 = arith.cmpi ne, %convert_element_type3A_31, %cond3A_32 : i32
    scf.if %cond3A_33 {
      %add3A_141 = arith.constant 0 : i32
      %add3A_142 = arith.addi %multiple_of3A, %add3A_141 : i32
      %multiple_of3A_143 = tpu.assume_multiple %add3A_142, 8 : i32
      "tpu.region"() ({
        %run_scoped3A = tpu.sem_alloc : memref<!tpu.dma_semaphore, #tpu.memory_space<semaphore_mem>>
        %dma_start3A_156 = arith.constant 0 : i32
        %dma_start3A_157 = tpu.memref_slice %arg18[%multiple_of3A_143, %dma_start3A_156] : memref<10000x128xf32, #tpu.memory_space<vmem_shared>> -> memref<80x128xf32, #tpu.memory_space<vmem_shared>>
        %dma_start3A_158 = arith.constant 0 : i32
        %dma_start3A_159 = tpu.memref_slice %arg18[%multiple_of3A_143, %dma_start3A_158] : memref<10000x128xf32, #tpu.memory_space<vmem_shared>> -> memref<80x128xf32, #tpu.memory_space<vmem_shared>>
        tpu.enqueue_dma source(%arg9 : memref<80x128xf32, #tpu.memory_space<vmem>>) target(%dma_start3A_159 : memref<80x128xf32, #tpu.memory_space<vmem_shared>>) target_semaphore(%run_scoped3A : memref<!tpu.dma_semaphore, #tpu.memory_space<semaphore_mem>>)
        %dma_wait3A = arith.constant 0 : i32
        %dma_wait3A_160 = tpu.memref_slice %arg18[%multiple_of3A_143, %dma_wait3A] : memref<10000x128xf32, #tpu.memory_space<vmem_shared>> -> memref<80x128xf32, #tpu.memory_space<vmem_shared>>
        %dma_wait3A_161 = arith.constant 0 : i32
        %dma_wait3A_162 = tpu.memref_slice %arg18[%multiple_of3A_143, %dma_wait3A_161] : memref<10000x128xf32, #tpu.memory_space<vmem_shared>> -> memref<80x128xf32, #tpu.memory_space<vmem_shared>>
        tpu.wait_dma2 semaphore(%run_scoped3A : memref<!tpu.dma_semaphore, #tpu.memory_space<semaphore_mem>>) src(%arg9 : memref<80x128xf32, #tpu.memory_space<vmem>>) dst(%dma_wait3A_162 : memref<80x128xf32, #tpu.memory_space<vmem_shared>>)
        tpu.yield
      }) : () -> ()
      %add3A_144 = arith.constant 80 : i32
      %add3A_145 = arith.addi %multiple_of3A, %add3A_144 : i32
      %multiple_of3A_146 = tpu.assume_multiple %add3A_145, 8 : i32
      "tpu.region"() ({
        %run_scoped3A = tpu.sem_alloc : memref<!tpu.dma_semaphore, #tpu.memory_space<semaphore_mem>>
        %dma_start3A_156 = arith.constant 0 : i32
        %dma_start3A_157 = tpu.memref_slice %arg18[%multiple_of3A_146, %dma_start3A_156] : memref<10000x128xf32, #tpu.memory_space<vmem_shared>> -> memref<80x128xf32, #tpu.memory_space<vmem_shared>>
        %dma_start3A_158 = arith.constant 0 : i32
        %dma_start3A_159 = tpu.memref_slice %arg18[%multiple_of3A_146, %dma_start3A_158] : memref<10000x128xf32, #tpu.memory_space<vmem_shared>> -> memref<80x128xf32, #tpu.memory_space<vmem_shared>>
        tpu.enqueue_dma source(%arg9 : memref<80x128xf32, #tpu.memory_space<vmem>>) target(%dma_start3A_159 : memref<80x128xf32, #tpu.memory_space<vmem_shared>>) target_semaphore(%run_scoped3A : memref<!tpu.dma_semaphore, #tpu.memory_space<semaphore_mem>>)
        %dma_wait3A = arith.constant 0 : i32
        %dma_wait3A_160 = tpu.memref_slice %arg18[%multiple_of3A_146, %dma_wait3A] : memref<10000x128xf32, #tpu.memory_space<vmem_shared>> -> memref<80x128xf32, #tpu.memory_space<vmem_shared>>
        %dma_wait3A_161 = arith.constant 0 : i32
        %dma_wait3A_162 = tpu.memref_slice %arg18[%multiple_of3A_146, %dma_wait3A_161] : memref<10000x128xf32, #tpu.memory_space<vmem_shared>> -> memref<80x128xf32, #tpu.memory_space<vmem_shared>>
        tpu.wait_dma2 semaphore(%run_scoped3A : memref<!tpu.dma_semaphore, #tpu.memory_space<semaphore_mem>>) src(%arg9 : memref<80x128xf32, #tpu.memory_space<vmem>>) dst(%dma_wait3A_162 : memref<80x128xf32, #tpu.memory_space<vmem_shared>>)
        tpu.yield
      }) : () -> ()
      %add3A_147 = arith.constant 160 : i32
      %add3A_148 = arith.addi %multiple_of3A, %add3A_147 : i32
      %multiple_of3A_149 = tpu.assume_multiple %add3A_148, 8 : i32
      "tpu.region"() ({
        %run_scoped3A = tpu.sem_alloc : memref<!tpu.dma_semaphore, #tpu.memory_space<semaphore_mem>>
        %dma_start3A_156 = arith.constant 0 : i32
        %dma_start3A_157 = tpu.memref_slice %arg18[%multiple_of3A_149, %dma_start3A_156] : memref<10000x128xf32, #tpu.memory_space<vmem_shared>> -> memref<80x128xf32, #tpu.memory_space<vmem_shared>>
        %dma_start3A_158 = arith.constant 0 : i32
        %dma_start3A_159 = tpu.memref_slice %arg18[%multiple_of3A_149, %dma_start3A_158] : memref<10000x128xf32, #tpu.memory_space<vmem_shared>> -> memref<80x128xf32, #tpu.memory_space<vmem_shared>>
        tpu.enqueue_dma source(%arg9 : memref<80x128xf32, #tpu.memory_space<vmem>>) target(%dma_start3A_159 : memref<80x128xf32, #tpu.memory_space<vmem_shared>>) target_semaphore(%run_scoped3A : memref<!tpu.dma_semaphore, #tpu.memory_space<semaphore_mem>>)
        %dma_wait3A = arith.constant 0 : i32
        %dma_wait3A_160 = tpu.memref_slice %arg18[%multiple_of3A_149, %dma_wait3A] : memref<10000x128xf32, #tpu.memory_space<vmem_shared>> -> memref<80x128xf32, #tpu.memory_space<vmem_shared>>
        %dma_wait3A_161 = arith.constant 0 : i32
        %dma_wait3A_162 = tpu.memref_slice %arg18[%multiple_of3A_149, %dma_wait3A_161] : memref<10000x128xf32, #tpu.memory_space<vmem_shared>> -> memref<80x128xf32, #tpu.memory_space<vmem_shared>>
        tpu.wait_dma2 semaphore(%run_scoped3A : memref<!tpu.dma_semaphore, #tpu.memory_space<semaphore_mem>>) src(%arg9 : memref<80x128xf32, #tpu.memory_space<vmem>>) dst(%dma_wait3A_162 : memref<80x128xf32, #tpu.memory_space<vmem_shared>>)
        tpu.yield
      }) : () -> ()
      %add3A_150 = arith.constant 240 : i32
      %add3A_151 = arith.addi %multiple_of3A, %add3A_150 : i32
      %multiple_of3A_152 = tpu.assume_multiple %add3A_151, 8 : i32
      "tpu.region"() ({
        %run_scoped3A = tpu.sem_alloc : memref<!tpu.dma_semaphore, #tpu.memory_space<semaphore_mem>>
        %dma_start3A_156 = arith.constant 0 : i32
        %dma_start3A_157 = tpu.memref_slice %arg18[%multiple_of3A_152, %dma_start3A_156] : memref<10000x128xf32, #tpu.memory_space<vmem_shared>> -> memref<80x128xf32, #tpu.memory_space<vmem_shared>>
        %dma_start3A_158 = arith.constant 0 : i32
        %dma_start3A_159 = tpu.memref_slice %arg18[%multiple_of3A_152, %dma_start3A_158] : memref<10000x128xf32, #tpu.memory_space<vmem_shared>> -> memref<80x128xf32, #tpu.memory_space<vmem_shared>>
        tpu.enqueue_dma source(%arg9 : memref<80x128xf32, #tpu.memory_space<vmem>>) target(%dma_start3A_159 : memref<80x128xf32, #tpu.memory_space<vmem_shared>>) target_semaphore(%run_scoped3A : memref<!tpu.dma_semaphore, #tpu.memory_space<semaphore_mem>>)
        %dma_wait3A = arith.constant 0 : i32
        %dma_wait3A_160 = tpu.memref_slice %arg18[%multiple_of3A_152, %dma_wait3A] : memref<10000x128xf32, #tpu.memory_space<vmem_shared>> -> memref<80x128xf32, #tpu.memory_space<vmem_shared>>
        %dma_wait3A_161 = arith.constant 0 : i32
        %dma_wait3A_162 = tpu.memref_slice %arg18[%multiple_of3A_152, %dma_wait3A_161] : memref<10000x128xf32, #tpu.memory_space<vmem_shared>> -> memref<80x128xf32, #tpu.memory_space<vmem_shared>>
        tpu.wait_dma2 semaphore(%run_scoped3A : memref<!tpu.dma_semaphore, #tpu.memory_space<semaphore_mem>>) src(%arg9 : memref<80x128xf32, #tpu.memory_space<vmem>>) dst(%dma_wait3A_162 : memref<80x128xf32, #tpu.memory_space<vmem_shared>>)
        tpu.yield
      }) : () -> ()
      %add3A_153 = arith.constant 320 : i32
      %add3A_154 = arith.addi %multiple_of3A, %add3A_153 : i32
      %multiple_of3A_155 = tpu.assume_multiple %add3A_154, 8 : i32
      "tpu.region"() ({
        %run_scoped3A = tpu.sem_alloc : memref<!tpu.dma_semaphore, #tpu.memory_space<semaphore_mem>>
        %dma_start3A_156 = arith.constant 0 : i32
        %dma_start3A_157 = tpu.memref_slice %arg18[%multiple_of3A_155, %dma_start3A_156] : memref<10000x128xf32, #tpu.memory_space<vmem_shared>> -> memref<80x128xf32, #tpu.memory_space<vmem_shared>>
        %dma_start3A_158 = arith.constant 0 : i32
        %dma_start3A_159 = tpu.memref_slice %arg18[%multiple_of3A_155, %dma_start3A_158] : memref<10000x128xf32, #tpu.memory_space<vmem_shared>> -> memref<80x128xf32, #tpu.memory_space<vmem_shared>>
        tpu.enqueue_dma source(%arg9 : memref<80x128xf32, #tpu.memory_space<vmem>>) target(%dma_start3A_159 : memref<80x128xf32, #tpu.memory_space<vmem_shared>>) target_semaphore(%run_scoped3A : memref<!tpu.dma_semaphore, #tpu.memory_space<semaphore_mem>>)
        %dma_wait3A = arith.constant 0 : i32
        %dma_wait3A_160 = tpu.memref_slice %arg18[%multiple_of3A_155, %dma_wait3A] : memref<10000x128xf32, #tpu.memory_space<vmem_shared>> -> memref<80x128xf32, #tpu.memory_space<vmem_shared>>
        %dma_wait3A_161 = arith.constant 0 : i32
        %dma_wait3A_162 = tpu.memref_slice %arg18[%multiple_of3A_155, %dma_wait3A_161] : memref<10000x128xf32, #tpu.memory_space<vmem_shared>> -> memref<80x128xf32, #tpu.memory_space<vmem_shared>>
        tpu.wait_dma2 semaphore(%run_scoped3A : memref<!tpu.dma_semaphore, #tpu.memory_space<semaphore_mem>>) src(%arg9 : memref<80x128xf32, #tpu.memory_space<vmem>>) dst(%dma_wait3A_162 : memref<80x128xf32, #tpu.memory_space<vmem_shared>>)
        tpu.yield
      }) : () -> ()
    } else {
    }
    %barrier3A = arith.constant 0 : index
    tpu.barrier barrier_id(%barrier3A)
    %mul3A_34 = arith.constant 10000 : i32
    %mul3A_35 = arith.muli %add3A, %mul3A_34 : i32
    %add3A_36 = arith.constant 0 : i32
    %add3A_37 = arith.addi %mul3A_35, %add3A_36 : i32
    %multiple_of3A_38 = tpu.assume_multiple %add3A_37, 8 : i32
    "tpu.region"() ({
      %run_scoped3A = tpu.sem_alloc : memref<!tpu.dma_semaphore, #tpu.memory_space<semaphore_mem>>
      %dma_start3A_141 = arith.constant 0 : i32
      %dma_start3A_142 = tpu.memref_slice %arg5[%dma_start3A_141] : memref<6000xi32, #tpu.memory_space<vmem>> -> memref<6000xi32, #tpu.memory_space<vmem>>
      %dma_start3A_143 = tpu.memref_slice %arg3[%multiple_of3A_38] : memref<640000xi32, #tpu.memory_space<hbm>> -> memref<6000xi32, #tpu.memory_space<hbm>>
      %dma_start3A_144 = arith.constant 0 : i32
      %dma_start3A_145 = tpu.memref_slice %arg5[%dma_start3A_144] : memref<6000xi32, #tpu.memory_space<vmem>> -> memref<6000xi32, #tpu.memory_space<vmem>>
      %dma_start3A_146 = tpu.memref_slice %arg3[%multiple_of3A_38] : memref<640000xi32, #tpu.memory_space<hbm>> -> memref<6000xi32, #tpu.memory_space<hbm>>
      tpu.enqueue_dma source(%dma_start3A_146 : memref<6000xi32, #tpu.memory_space<hbm>>) target(%dma_start3A_145 : memref<6000xi32, #tpu.memory_space<vmem>>) target_semaphore(%run_scoped3A : memref<!tpu.dma_semaphore, #tpu.memory_space<semaphore_mem>>)
      %dma_wait3A = arith.constant 0 : i32
      %dma_wait3A_147 = tpu.memref_slice %arg5[%dma_wait3A] : memref<6000xi32, #tpu.memory_space<vmem>> -> memref<6000xi32, #tpu.memory_space<vmem>>
      %dma_wait3A_148 = tpu.memref_slice %arg3[%multiple_of3A_38] : memref<640000xi32, #tpu.memory_space<hbm>> -> memref<6000xi32, #tpu.memory_space<hbm>>
      %dma_wait3A_149 = arith.constant 0 : i32
      %dma_wait3A_150 = tpu.memref_slice %arg5[%dma_wait3A_149] : memref<6000xi32, #tpu.memory_space<vmem>> -> memref<6000xi32, #tpu.memory_space<vmem>>
      %dma_wait3A_151 = tpu.memref_slice %arg3[%multiple_of3A_38] : memref<640000xi32, #tpu.memory_space<hbm>> -> memref<6000xi32, #tpu.memory_space<hbm>>
      tpu.wait_dma2 semaphore(%run_scoped3A : memref<!tpu.dma_semaphore, #tpu.memory_space<semaphore_mem>>) src(%dma_wait3A_151 : memref<6000xi32, #tpu.memory_space<hbm>>) dst(%dma_wait3A_150 : memref<6000xi32, #tpu.memory_space<vmem>>)
      tpu.yield
    }) : () -> ()
    %mul3A_39 = arith.constant 10000 : i32
    %mul3A_40 = arith.muli %add3A, %mul3A_39 : i32
    %add3A_41 = arith.constant 320000 : i32
    %add3A_42 = arith.addi %add3A_41, %mul3A_40 : i32
    %add3A_43 = arith.constant 0 : i32
    %add3A_44 = arith.addi %add3A_42, %add3A_43 : i32
    %multiple_of3A_45 = tpu.assume_multiple %add3A_44, 8 : i32
    %dma_start3A = tpu.memref_slice %arg3[%multiple_of3A_45] : memref<640000xi32, #tpu.memory_space<hbm>> -> memref<80xi32, #tpu.memory_space<hbm>>
    %dma_start3A_46 = tpu.memref_slice %arg3[%multiple_of3A_45] : memref<640000xi32, #tpu.memory_space<hbm>> -> memref<80xi32, #tpu.memory_space<hbm>>
    tpu.enqueue_dma source(%dma_start3A_46 : memref<80xi32, #tpu.memory_space<hbm>>) target(%arg6 : memref<80xi32, #tpu.memory_space<vmem>>) target_semaphore(%arg15 : memref<!tpu.dma_semaphore, #tpu.memory_space<semaphore_mem>>)
    %mul3A_47 = arith.constant 10000 : i32
    %mul3A_48 = arith.muli %add3A, %mul3A_47 : i32
    %add3A_49 = arith.constant 320000 : i32
    %add3A_50 = arith.addi %add3A_49, %mul3A_48 : i32
    %add3A_51 = arith.constant 80 : i32
    %add3A_52 = arith.addi %add3A_50, %add3A_51 : i32
    %multiple_of3A_53 = tpu.assume_multiple %add3A_52, 8 : i32
    %dma_start3A_54 = tpu.memref_slice %arg3[%multiple_of3A_53] : memref<640000xi32, #tpu.memory_space<hbm>> -> memref<80xi32, #tpu.memory_space<hbm>>
    %dma_start3A_55 = tpu.memref_slice %arg3[%multiple_of3A_53] : memref<640000xi32, #tpu.memory_space<hbm>> -> memref<80xi32, #tpu.memory_space<hbm>>
    tpu.enqueue_dma source(%dma_start3A_55 : memref<80xi32, #tpu.memory_space<hbm>>) target(%arg7 : memref<80xi32, #tpu.memory_space<vmem>>) target_semaphore(%arg16 : memref<!tpu.dma_semaphore, #tpu.memory_space<semaphore_mem>>)
    %dma_start3A_56 = arith.constant 0 : i32
    %dma_start3A_57 = tpu.memref_slice %arg5[%dma_start3A_56] : memref<6000xi32, #tpu.memory_space<vmem>> -> memref<80xi32, #tpu.memory_space<vmem>>
    %dma_start3A_58 = arith.constant 0 : i32
    %dma_start3A_59 = arith.constant 0 : i32
    %dma_start3A_60 = tpu.memref_slice %arg2[%dma_start3A_58, %dma_start3A_59] : memref<10000x128xf32, #tpu.memory_space<hbm>> -> memref<10000x128xf32, #tpu.memory_space<hbm>>
    tpu.enqueue_indirect_dma source(%dma_start3A_60 : memref<10000x128xf32, #tpu.memory_space<hbm>>) target(%arg9 : memref<80x128xf32, #tpu.memory_space<vmem>>) offsets(%dma_start3A_57 : memref<80xi32, #tpu.memory_space<vmem>>) semaphore(%arg12 : memref<!tpu.dma_semaphore, #tpu.memory_space<semaphore_mem>>)
    %dma_start3A_61 = arith.constant 80 : i32
    %dma_start3A_62 = tpu.memref_slice %arg5[%dma_start3A_61] : memref<6000xi32, #tpu.memory_space<vmem>> -> memref<80xi32, #tpu.memory_space<vmem>>
    %dma_start3A_63 = arith.constant 0 : i32
    %dma_start3A_64 = arith.constant 0 : i32
    %dma_start3A_65 = tpu.memref_slice %arg2[%dma_start3A_63, %dma_start3A_64] : memref<10000x128xf32, #tpu.memory_space<hbm>> -> memref<10000x128xf32, #tpu.memory_space<hbm>>
    tpu.enqueue_indirect_dma source(%dma_start3A_65 : memref<10000x128xf32, #tpu.memory_space<hbm>>) target(%arg10 : memref<80x128xf32, #tpu.memory_space<vmem>>) offsets(%dma_start3A_62 : memref<80xi32, #tpu.memory_space<vmem>>) semaphore(%arg13 : memref<!tpu.dma_semaphore, #tpu.memory_space<semaphore_mem>>)
    %mul3A_66 = arith.constant 10000 : i32
    %mul3A_67 = arith.muli %add3A, %mul3A_66 : i32
    %add3A_68 = arith.constant 320000 : i32
    %add3A_69 = arith.addi %add3A_68, %mul3A_67 : i32
    %add3A_70 = arith.constant 160 : i32
    %add3A_71 = arith.addi %add3A_69, %add3A_70 : i32
    %multiple_of3A_72 = tpu.assume_multiple %add3A_71, 8 : i32
    %dma_start3A_73 = tpu.memref_slice %arg3[%multiple_of3A_72] : memref<640000xi32, #tpu.memory_space<hbm>> -> memref<80xi32, #tpu.memory_space<hbm>>
    %dma_start3A_74 = tpu.memref_slice %arg3[%multiple_of3A_72] : memref<640000xi32, #tpu.memory_space<hbm>> -> memref<80xi32, #tpu.memory_space<hbm>>
    tpu.enqueue_dma source(%dma_start3A_74 : memref<80xi32, #tpu.memory_space<hbm>>) target(%arg8 : memref<80xi32, #tpu.memory_space<vmem>>) target_semaphore(%arg17 : memref<!tpu.dma_semaphore, #tpu.memory_space<semaphore_mem>>)
    %scan3A = arith.constant 0 : i32
    %scan3A_75 = arith.constant 0 : i32
    %scan3A_76 = arith.constant 25 : i32
    %scan3A_77 = arith.addi %scan3A_75, %scan3A_76 : i32
    %scan3A_78 = arith.constant 1 : i32
    %scan3A_79 = scf.for %scan3A_141 = %scan3A_75 to %scan3A_77 step %scan3A_78 iter_args(%scan3A_142 = %scan3A) -> (i32)  : i32 {
      %mul3A_143 = arith.constant 3 : i32
      %mul3A_144 = arith.muli %scan3A_141, %mul3A_143 : i32
      %add3A_145 = arith.constant 0 : i32
      %add3A_146 = arith.addi %mul3A_144, %add3A_145 : i32
      %add3A_147 = arith.constant 2 : i32
      %add3A_148 = arith.addi %add3A_146, %add3A_147 : i32
      %lt3A_149 = arith.constant 75 : i32
      %lt3A_150 = arith.cmpi slt, %add3A_148, %lt3A_149 : i32
      %convert_element_type3A_151 = arith.extui %lt3A_150 : i1 to i32
      %cond3A_152 = arith.constant 0 : i32
      %cond3A_153 = arith.cmpi ne, %convert_element_type3A_151, %cond3A_152 : i32
      scf.if %cond3A_153 {
        %add3A_213 = arith.constant 2 : i32
        %add3A_214 = arith.addi %add3A_146, %add3A_213 : i32
        %mul3A_215 = arith.constant 80 : i32
        %mul3A_216 = arith.muli %add3A_214, %mul3A_215 : i32
        %dma_start3A_217 = tpu.memref_slice %arg5[%mul3A_216] : memref<6000xi32, #tpu.memory_space<vmem>> -> memref<80xi32, #tpu.memory_space<vmem>>
        %dma_start3A_218 = arith.constant 0 : i32
        %dma_start3A_219 = arith.constant 0 : i32
        %dma_start3A_220 = tpu.memref_slice %arg2[%dma_start3A_218, %dma_start3A_219] : memref<10000x128xf32, #tpu.memory_space<hbm>> -> memref<10000x128xf32, #tpu.memory_space<hbm>>
        tpu.enqueue_indirect_dma source(%dma_start3A_220 : memref<10000x128xf32, #tpu.memory_space<hbm>>) target(%arg11 : memref<80x128xf32, #tpu.memory_space<vmem>>) offsets(%dma_start3A_217 : memref<80xi32, #tpu.memory_space<vmem>>) semaphore(%arg14 : memref<!tpu.dma_semaphore, #tpu.memory_space<semaphore_mem>>)
      } else {
      }
      %lt3A_154 = arith.constant 75 : i32
      %lt3A_155 = arith.cmpi slt, %add3A_146, %lt3A_154 : i32
      %convert_element_type3A_156 = arith.extui %lt3A_155 : i1 to i32
      %cond3A_157 = arith.constant 0 : i32
      %cond3A_158 = arith.cmpi ne, %convert_element_type3A_156, %cond3A_157 : i32
      scf.if %cond3A_158 {
        %mul3A_213 = arith.constant 80 : i32
        %mul3A_214 = arith.muli %add3A_146, %mul3A_213 : i32
        %dma_wait3A = tpu.memref_slice %arg5[%mul3A_214] : memref<6000xi32, #tpu.memory_space<vmem>> -> memref<80xi32, #tpu.memory_space<vmem>>
        %dma_wait3A_215 = arith.constant 0 : i32
        %dma_wait3A_216 = arith.constant 0 : i32
        %dma_wait3A_217 = tpu.memref_slice %arg2[%dma_wait3A_215, %dma_wait3A_216] : memref<10000x128xf32, #tpu.memory_space<hbm>> -> memref<10000x128xf32, #tpu.memory_space<hbm>>
        tpu.wait_indirect_dma semaphore(%arg12 : memref<!tpu.dma_semaphore, #tpu.memory_space<semaphore_mem>>) src(%dma_wait3A_217 : memref<10000x128xf32, #tpu.memory_space<hbm>>) dst(%arg9 : memref<80x128xf32, #tpu.memory_space<vmem>>)
        %add3A_218 = arith.constant 0 : i32
        %add3A_219 = arith.addi %add3A_218, %add3A_146 : i32
        %mul3A_220 = arith.constant 10000 : i32
        %mul3A_221 = arith.muli %add3A, %mul3A_220 : i32
        %add3A_222 = arith.constant 320000 : i32
        %add3A_223 = arith.addi %add3A_222, %mul3A_221 : i32
        %mul3A_224 = arith.constant 80 : i32
        %mul3A_225 = arith.muli %add3A_219, %mul3A_224 : i32
        %add3A_226 = arith.addi %add3A_223, %mul3A_225 : i32
        %multiple_of3A_227 = tpu.assume_multiple %add3A_226, 8 : i32
        %dma_wait3A_228 = tpu.memref_slice %arg3[%multiple_of3A_227] : memref<640000xi32, #tpu.memory_space<hbm>> -> memref<80xi32, #tpu.memory_space<hbm>>
        %dma_wait3A_229 = tpu.memref_slice %arg3[%multiple_of3A_227] : memref<640000xi32, #tpu.memory_space<hbm>> -> memref<80xi32, #tpu.memory_space<hbm>>
        tpu.wait_dma2 semaphore(%arg15 : memref<!tpu.dma_semaphore, #tpu.memory_space<semaphore_mem>>) src(%dma_wait3A_229 : memref<80xi32, #tpu.memory_space<hbm>>) dst(%arg6 : memref<80xi32, #tpu.memory_space<vmem>>)
        "tpu.region"() ({
          %run_scoped3A = tpu.sem_alloc : memref<!tpu.dma_semaphore, #tpu.memory_space<semaphore_mem>>
          %dma_start3A_230 = arith.constant 0 : i32
          %dma_start3A_231 = arith.constant 0 : i32
          %dma_start3A_232 = tpu.memref_slice %arg18[%dma_start3A_230, %dma_start3A_231] : memref<10000x128xf32, #tpu.memory_space<vmem_shared>> -> memref<10000x128xf32, #tpu.memory_space<vmem_shared>>
          tpu.enqueue_indirect_dma source(%arg9 : memref<80x128xf32, #tpu.memory_space<vmem>>) target(%dma_start3A_232 : memref<10000x128xf32, #tpu.memory_space<vmem_shared>>) offsets(%arg6 : memref<80xi32, #tpu.memory_space<vmem>>) semaphore(%run_scoped3A : memref<!tpu.dma_semaphore, #tpu.memory_space<semaphore_mem>>) {add = true}
          %dma_wait3A_233 = arith.constant 0 : i32
          %dma_wait3A_234 = arith.constant 0 : i32
          %dma_wait3A_235 = tpu.memref_slice %arg18[%dma_wait3A_233, %dma_wait3A_234] : memref<10000x128xf32, #tpu.memory_space<vmem_shared>> -> memref<10000x128xf32, #tpu.memory_space<vmem_shared>>
          tpu.wait_indirect_dma semaphore(%run_scoped3A : memref<!tpu.dma_semaphore, #tpu.memory_space<semaphore_mem>>) src(%arg9 : memref<80x128xf32, #tpu.memory_space<vmem>>) dst(%dma_wait3A_235 : memref<10000x128xf32, #tpu.memory_space<vmem_shared>>)
          tpu.yield
        }) : () -> ()
      } else {
      }
      %add3A_159 = arith.constant 3 : i32
      %add3A_160 = arith.addi %add3A_146, %add3A_159 : i32
      %lt3A_161 = arith.constant 75 : i32
      %lt3A_162 = arith.cmpi slt, %add3A_160, %lt3A_161 : i32
      %convert_element_type3A_163 = arith.extui %lt3A_162 : i1 to i32
      %cond3A_164 = arith.constant 0 : i32
      %cond3A_165 = arith.cmpi ne, %convert_element_type3A_163, %cond3A_164 : i32
      scf.if %cond3A_165 {
        %add3A_213 = arith.constant 0 : i32
        %add3A_214 = arith.addi %add3A_213, %add3A_146 : i32
        %add3A_215 = arith.constant 3 : i32
        %add3A_216 = arith.addi %add3A_214, %add3A_215 : i32
        %mul3A_217 = arith.constant 10000 : i32
        %mul3A_218 = arith.muli %add3A, %mul3A_217 : i32
        %add3A_219 = arith.constant 320000 : i32
        %add3A_220 = arith.addi %add3A_219, %mul3A_218 : i32
        %mul3A_221 = arith.constant 80 : i32
        %mul3A_222 = arith.muli %add3A_216, %mul3A_221 : i32
        %add3A_223 = arith.addi %add3A_220, %mul3A_222 : i32
        %multiple_of3A_224 = tpu.assume_multiple %add3A_223, 8 : i32
        %dma_start3A_225 = tpu.memref_slice %arg3[%multiple_of3A_224] : memref<640000xi32, #tpu.memory_space<hbm>> -> memref<80xi32, #tpu.memory_space<hbm>>
        %dma_start3A_226 = tpu.memref_slice %arg3[%multiple_of3A_224] : memref<640000xi32, #tpu.memory_space<hbm>> -> memref<80xi32, #tpu.memory_space<hbm>>
        tpu.enqueue_dma source(%dma_start3A_226 : memref<80xi32, #tpu.memory_space<hbm>>) target(%arg6 : memref<80xi32, #tpu.memory_space<vmem>>) target_semaphore(%arg15 : memref<!tpu.dma_semaphore, #tpu.memory_space<semaphore_mem>>)
      } else {
      }
      %mul3A_166 = arith.constant 3 : i32
      %mul3A_167 = arith.muli %scan3A_141, %mul3A_166 : i32
      %add3A_168 = arith.constant 1 : i32
      %add3A_169 = arith.addi %mul3A_167, %add3A_168 : i32
      %add3A_170 = arith.constant 2 : i32
      %add3A_171 = arith.addi %add3A_169, %add3A_170 : i32
      %lt3A_172 = arith.constant 75 : i32
      %lt3A_173 = arith.cmpi slt, %add3A_171, %lt3A_172 : i32
      %convert_element_type3A_174 = arith.extui %lt3A_173 : i1 to i32
      %cond3A_175 = arith.constant 0 : i32
      %cond3A_176 = arith.cmpi ne, %convert_element_type3A_174, %cond3A_175 : i32
      scf.if %cond3A_176 {
        %add3A_213 = arith.constant 2 : i32
        %add3A_214 = arith.addi %add3A_169, %add3A_213 : i32
        %mul3A_215 = arith.constant 80 : i32
        %mul3A_216 = arith.muli %add3A_214, %mul3A_215 : i32
        %dma_start3A_217 = tpu.memref_slice %arg5[%mul3A_216] : memref<6000xi32, #tpu.memory_space<vmem>> -> memref<80xi32, #tpu.memory_space<vmem>>
        %dma_start3A_218 = arith.constant 0 : i32
        %dma_start3A_219 = arith.constant 0 : i32
        %dma_start3A_220 = tpu.memref_slice %arg2[%dma_start3A_218, %dma_start3A_219] : memref<10000x128xf32, #tpu.memory_space<hbm>> -> memref<10000x128xf32, #tpu.memory_space<hbm>>
        tpu.enqueue_indirect_dma source(%dma_start3A_220 : memref<10000x128xf32, #tpu.memory_space<hbm>>) target(%arg9 : memref<80x128xf32, #tpu.memory_space<vmem>>) offsets(%dma_start3A_217 : memref<80xi32, #tpu.memory_space<vmem>>) semaphore(%arg12 : memref<!tpu.dma_semaphore, #tpu.memory_space<semaphore_mem>>)
      } else {
      }
      %lt3A_177 = arith.constant 75 : i32
      %lt3A_178 = arith.cmpi slt, %add3A_169, %lt3A_177 : i32
      %convert_element_type3A_179 = arith.extui %lt3A_178 : i1 to i32
      %cond3A_180 = arith.constant 0 : i32
      %cond3A_181 = arith.cmpi ne, %convert_element_type3A_179, %cond3A_180 : i32
      scf.if %cond3A_181 {
        %mul3A_213 = arith.constant 80 : i32
        %mul3A_214 = arith.muli %add3A_169, %mul3A_213 : i32
        %dma_wait3A = tpu.memref_slice %arg5[%mul3A_214] : memref<6000xi32, #tpu.memory_space<vmem>> -> memref<80xi32, #tpu.memory_space<vmem>>
        %dma_wait3A_215 = arith.constant 0 : i32
        %dma_wait3A_216 = arith.constant 0 : i32
        %dma_wait3A_217 = tpu.memref_slice %arg2[%dma_wait3A_215, %dma_wait3A_216] : memref<10000x128xf32, #tpu.memory_space<hbm>> -> memref<10000x128xf32, #tpu.memory_space<hbm>>
        tpu.wait_indirect_dma semaphore(%arg13 : memref<!tpu.dma_semaphore, #tpu.memory_space<semaphore_mem>>) src(%dma_wait3A_217 : memref<10000x128xf32, #tpu.memory_space<hbm>>) dst(%arg10 : memref<80x128xf32, #tpu.memory_space<vmem>>)
        %add3A_218 = arith.constant 0 : i32
        %add3A_219 = arith.addi %add3A_218, %add3A_169 : i32
        %mul3A_220 = arith.constant 10000 : i32
        %mul3A_221 = arith.muli %add3A, %mul3A_220 : i32
        %add3A_222 = arith.constant 320000 : i32
        %add3A_223 = arith.addi %add3A_222, %mul3A_221 : i32
        %mul3A_224 = arith.constant 80 : i32
        %mul3A_225 = arith.muli %add3A_219, %mul3A_224 : i32
        %add3A_226 = arith.addi %add3A_223, %mul3A_225 : i32
        %multiple_of3A_227 = tpu.assume_multiple %add3A_226, 8 : i32
        %dma_wait3A_228 = tpu.memref_slice %arg3[%multiple_of3A_227] : memref<640000xi32, #tpu.memory_space<hbm>> -> memref<80xi32, #tpu.memory_space<hbm>>
        %dma_wait3A_229 = tpu.memref_slice %arg3[%multiple_of3A_227] : memref<640000xi32, #tpu.memory_space<hbm>> -> memref<80xi32, #tpu.memory_space<hbm>>
        tpu.wait_dma2 semaphore(%arg16 : memref<!tpu.dma_semaphore, #tpu.memory_space<semaphore_mem>>) src(%dma_wait3A_229 : memref<80xi32, #tpu.memory_space<hbm>>) dst(%arg7 : memref<80xi32, #tpu.memory_space<vmem>>)
        "tpu.region"() ({
          %run_scoped3A = tpu.sem_alloc : memref<!tpu.dma_semaphore, #tpu.memory_space<semaphore_mem>>
          %dma_start3A_230 = arith.constant 0 : i32
          %dma_start3A_231 = arith.constant 0 : i32
          %dma_start3A_232 = tpu.memref_slice %arg18[%dma_start3A_230, %dma_start3A_231] : memref<10000x128xf32, #tpu.memory_space<vmem_shared>> -> memref<10000x128xf32, #tpu.memory_space<vmem_shared>>
          tpu.enqueue_indirect_dma source(%arg10 : memref<80x128xf32, #tpu.memory_space<vmem>>) target(%dma_start3A_232 : memref<10000x128xf32, #tpu.memory_space<vmem_shared>>) offsets(%arg7 : memref<80xi32, #tpu.memory_space<vmem>>) semaphore(%run_scoped3A : memref<!tpu.dma_semaphore, #tpu.memory_space<semaphore_mem>>) {add = true}
          %dma_wait3A_233 = arith.constant 0 : i32
          %dma_wait3A_234 = arith.constant 0 : i32
          %dma_wait3A_235 = tpu.memref_slice %arg18[%dma_wait3A_233, %dma_wait3A_234] : memref<10000x128xf32, #tpu.memory_space<vmem_shared>> -> memref<10000x128xf32, #tpu.memory_space<vmem_shared>>
          tpu.wait_indirect_dma semaphore(%run_scoped3A : memref<!tpu.dma_semaphore, #tpu.memory_space<semaphore_mem>>) src(%arg10 : memref<80x128xf32, #tpu.memory_space<vmem>>) dst(%dma_wait3A_235 : memref<10000x128xf32, #tpu.memory_space<vmem_shared>>)
          tpu.yield
        }) : () -> ()
      } else {
      }
      %add3A_182 = arith.constant 3 : i32
      %add3A_183 = arith.addi %add3A_169, %add3A_182 : i32
      %lt3A_184 = arith.constant 75 : i32
      %lt3A_185 = arith.cmpi slt, %add3A_183, %lt3A_184 : i32
      %convert_element_type3A_186 = arith.extui %lt3A_185 : i1 to i32
      %cond3A_187 = arith.constant 0 : i32
      %cond3A_188 = arith.cmpi ne, %convert_element_type3A_186, %cond3A_187 : i32
      scf.if %cond3A_188 {
        %add3A_213 = arith.constant 0 : i32
        %add3A_214 = arith.addi %add3A_213, %add3A_169 : i32
        %add3A_215 = arith.constant 3 : i32
        %add3A_216 = arith.addi %add3A_214, %add3A_215 : i32
        %mul3A_217 = arith.constant 10000 : i32
        %mul3A_218 = arith.muli %add3A, %mul3A_217 : i32
        %add3A_219 = arith.constant 320000 : i32
        %add3A_220 = arith.addi %add3A_219, %mul3A_218 : i32
        %mul3A_221 = arith.constant 80 : i32
        %mul3A_222 = arith.muli %add3A_216, %mul3A_221 : i32
        %add3A_223 = arith.addi %add3A_220, %mul3A_222 : i32
        %multiple_of3A_224 = tpu.assume_multiple %add3A_223, 8 : i32
        %dma_start3A_225 = tpu.memref_slice %arg3[%multiple_of3A_224] : memref<640000xi32, #tpu.memory_space<hbm>> -> memref<80xi32, #tpu.memory_space<hbm>>
        %dma_start3A_226 = tpu.memref_slice %arg3[%multiple_of3A_224] : memref<640000xi32, #tpu.memory_space<hbm>> -> memref<80xi32, #tpu.memory_space<hbm>>
        tpu.enqueue_dma source(%dma_start3A_226 : memref<80xi32, #tpu.memory_space<hbm>>) target(%arg7 : memref<80xi32, #tpu.memory_space<vmem>>) target_semaphore(%arg16 : memref<!tpu.dma_semaphore, #tpu.memory_space<semaphore_mem>>)
      } else {
      }
      %mul3A_189 = arith.constant 3 : i32
      %mul3A_190 = arith.muli %scan3A_141, %mul3A_189 : i32
      %add3A_191 = arith.constant 2 : i32
      %add3A_192 = arith.addi %mul3A_190, %add3A_191 : i32
      %add3A_193 = arith.constant 2 : i32
      %add3A_194 = arith.addi %add3A_192, %add3A_193 : i32
      %lt3A_195 = arith.constant 75 : i32
      %lt3A_196 = arith.cmpi slt, %add3A_194, %lt3A_195 : i32
      %convert_element_type3A_197 = arith.extui %lt3A_196 : i1 to i32
      %cond3A_198 = arith.constant 0 : i32
      %cond3A_199 = arith.cmpi ne, %convert_element_type3A_197, %cond3A_198 : i32
      scf.if %cond3A_199 {
        %add3A_213 = arith.constant 2 : i32
        %add3A_214 = arith.addi %add3A_192, %add3A_213 : i32
        %mul3A_215 = arith.constant 80 : i32
        %mul3A_216 = arith.muli %add3A_214, %mul3A_215 : i32
        %dma_start3A_217 = tpu.memref_slice %arg5[%mul3A_216] : memref<6000xi32, #tpu.memory_space<vmem>> -> memref<80xi32, #tpu.memory_space<vmem>>
        %dma_start3A_218 = arith.constant 0 : i32
        %dma_start3A_219 = arith.constant 0 : i32
        %dma_start3A_220 = tpu.memref_slice %arg2[%dma_start3A_218, %dma_start3A_219] : memref<10000x128xf32, #tpu.memory_space<hbm>> -> memref<10000x128xf32, #tpu.memory_space<hbm>>
        tpu.enqueue_indirect_dma source(%dma_start3A_220 : memref<10000x128xf32, #tpu.memory_space<hbm>>) target(%arg10 : memref<80x128xf32, #tpu.memory_space<vmem>>) offsets(%dma_start3A_217 : memref<80xi32, #tpu.memory_space<vmem>>) semaphore(%arg13 : memref<!tpu.dma_semaphore, #tpu.memory_space<semaphore_mem>>)
      } else {
      }
      %lt3A_200 = arith.constant 75 : i32
      %lt3A_201 = arith.cmpi slt, %add3A_192, %lt3A_200 : i32
      %convert_element_type3A_202 = arith.extui %lt3A_201 : i1 to i32
      %cond3A_203 = arith.constant 0 : i32
      %cond3A_204 = arith.cmpi ne, %convert_element_type3A_202, %cond3A_203 : i32
      scf.if %cond3A_204 {
        %mul3A_213 = arith.constant 80 : i32
        %mul3A_214 = arith.muli %add3A_192, %mul3A_213 : i32
        %dma_wait3A = tpu.memref_slice %arg5[%mul3A_214] : memref<6000xi32, #tpu.memory_space<vmem>> -> memref<80xi32, #tpu.memory_space<vmem>>
        %dma_wait3A_215 = arith.constant 0 : i32
        %dma_wait3A_216 = arith.constant 0 : i32
        %dma_wait3A_217 = tpu.memref_slice %arg2[%dma_wait3A_215, %dma_wait3A_216] : memref<10000x128xf32, #tpu.memory_space<hbm>> -> memref<10000x128xf32, #tpu.memory_space<hbm>>
        tpu.wait_indirect_dma semaphore(%arg14 : memref<!tpu.dma_semaphore, #tpu.memory_space<semaphore_mem>>) src(%dma_wait3A_217 : memref<10000x128xf32, #tpu.memory_space<hbm>>) dst(%arg11 : memref<80x128xf32, #tpu.memory_space<vmem>>)
        %add3A_218 = arith.constant 0 : i32
        %add3A_219 = arith.addi %add3A_218, %add3A_192 : i32
        %mul3A_220 = arith.constant 10000 : i32
        %mul3A_221 = arith.muli %add3A, %mul3A_220 : i32
        %add3A_222 = arith.constant 320000 : i32
        %add3A_223 = arith.addi %add3A_222, %mul3A_221 : i32
        %mul3A_224 = arith.constant 80 : i32
        %mul3A_225 = arith.muli %add3A_219, %mul3A_224 : i32
        %add3A_226 = arith.addi %add3A_223, %mul3A_225 : i32
        %multiple_of3A_227 = tpu.assume_multiple %add3A_226, 8 : i32
        %dma_wait3A_228 = tpu.memref_slice %arg3[%multiple_of3A_227] : memref<640000xi32, #tpu.memory_space<hbm>> -> memref<80xi32, #tpu.memory_space<hbm>>
        %dma_wait3A_229 = tpu.memref_slice %arg3[%multiple_of3A_227] : memref<640000xi32, #tpu.memory_space<hbm>> -> memref<80xi32, #tpu.memory_space<hbm>>
        tpu.wait_dma2 semaphore(%arg17 : memref<!tpu.dma_semaphore, #tpu.memory_space<semaphore_mem>>) src(%dma_wait3A_229 : memref<80xi32, #tpu.memory_space<hbm>>) dst(%arg8 : memref<80xi32, #tpu.memory_space<vmem>>)
        "tpu.region"() ({
          %run_scoped3A = tpu.sem_alloc : memref<!tpu.dma_semaphore, #tpu.memory_space<semaphore_mem>>
          %dma_start3A_230 = arith.constant 0 : i32
          %dma_start3A_231 = arith.constant 0 : i32
          %dma_start3A_232 = tpu.memref_slice %arg18[%dma_start3A_230, %dma_start3A_231] : memref<10000x128xf32, #tpu.memory_space<vmem_shared>> -> memref<10000x128xf32, #tpu.memory_space<vmem_shared>>
          tpu.enqueue_indirect_dma source(%arg11 : memref<80x128xf32, #tpu.memory_space<vmem>>) target(%dma_start3A_232 : memref<10000x128xf32, #tpu.memory_space<vmem_shared>>) offsets(%arg8 : memref<80xi32, #tpu.memory_space<vmem>>) semaphore(%run_scoped3A : memref<!tpu.dma_semaphore, #tpu.memory_space<semaphore_mem>>) {add = true}
          %dma_wait3A_233 = arith.constant 0 : i32
          %dma_wait3A_234 = arith.constant 0 : i32
          %dma_wait3A_235 = tpu.memref_slice %arg18[%dma_wait3A_233, %dma_wait3A_234] : memref<10000x128xf32, #tpu.memory_space<vmem_shared>> -> memref<10000x128xf32, #tpu.memory_space<vmem_shared>>
          tpu.wait_indirect_dma semaphore(%run_scoped3A : memref<!tpu.dma_semaphore, #tpu.memory_space<semaphore_mem>>) src(%arg11 : memref<80x128xf32, #tpu.memory_space<vmem>>) dst(%dma_wait3A_235 : memref<10000x128xf32, #tpu.memory_space<vmem_shared>>)
          tpu.yield
        }) : () -> ()
      } else {
      }
      %add3A_205 = arith.constant 3 : i32
      %add3A_206 = arith.addi %add3A_192, %add3A_205 : i32
      %lt3A_207 = arith.constant 75 : i32
      %lt3A_208 = arith.cmpi slt, %add3A_206, %lt3A_207 : i32
      %convert_element_type3A_209 = arith.extui %lt3A_208 : i1 to i32
      %cond3A_210 = arith.constant 0 : i32
      %cond3A_211 = arith.cmpi ne, %convert_element_type3A_209, %cond3A_210 : i32
      scf.if %cond3A_211 {
        %add3A_213 = arith.constant 0 : i32
        %add3A_214 = arith.addi %add3A_213, %add3A_192 : i32
        %add3A_215 = arith.constant 3 : i32
        %add3A_216 = arith.addi %add3A_214, %add3A_215 : i32
        %mul3A_217 = arith.constant 10000 : i32
        %mul3A_218 = arith.muli %add3A, %mul3A_217 : i32
        %add3A_219 = arith.constant 320000 : i32
        %add3A_220 = arith.addi %add3A_219, %mul3A_218 : i32
        %mul3A_221 = arith.constant 80 : i32
        %mul3A_222 = arith.muli %add3A_216, %mul3A_221 : i32
        %add3A_223 = arith.addi %add3A_220, %mul3A_222 : i32
        %multiple_of3A_224 = tpu.assume_multiple %add3A_223, 8 : i32
        %dma_start3A_225 = tpu.memref_slice %arg3[%multiple_of3A_224] : memref<640000xi32, #tpu.memory_space<hbm>> -> memref<80xi32, #tpu.memory_space<hbm>>
        %dma_start3A_226 = tpu.memref_slice %arg3[%multiple_of3A_224] : memref<640000xi32, #tpu.memory_space<hbm>> -> memref<80xi32, #tpu.memory_space<hbm>>
        tpu.enqueue_dma source(%dma_start3A_226 : memref<80xi32, #tpu.memory_space<hbm>>) target(%arg8 : memref<80xi32, #tpu.memory_space<vmem>>) target_semaphore(%arg17 : memref<!tpu.dma_semaphore, #tpu.memory_space<semaphore_mem>>)
      } else {
      }
      %scan3A_212 = arith.constant 0 : i32
      scf.yield %scan3A_212 : i32
    }
    %scan3A_80 = arith.constant 25 : i32
    %mul3A_81 = arith.constant 10000 : i32
    %mul3A_82 = arith.muli %add3A, %mul3A_81 : i32
    %add3A_83 = arith.constant 6000 : i32
    %add3A_84 = arith.addi %mul3A_82, %add3A_83 : i32
    %multiple_of3A_85 = tpu.assume_multiple %add3A_84, 8 : i32
    "tpu.region"() ({
      %run_scoped3A = tpu.sem_alloc : memref<!tpu.dma_semaphore, #tpu.memory_space<semaphore_mem>>
      %dma_start3A_141 = arith.constant 0 : i32
      %dma_start3A_142 = tpu.memref_slice %arg5[%dma_start3A_141] : memref<6000xi32, #tpu.memory_space<vmem>> -> memref<4000xi32, #tpu.memory_space<vmem>>
      %dma_start3A_143 = tpu.memref_slice %arg3[%multiple_of3A_85] : memref<640000xi32, #tpu.memory_space<hbm>> -> memref<4000xi32, #tpu.memory_space<hbm>>
      %dma_start3A_144 = arith.constant 0 : i32
      %dma_start3A_145 = tpu.memref_slice %arg5[%dma_start3A_144] : memref<6000xi32, #tpu.memory_space<vmem>> -> memref<4000xi32, #tpu.memory_space<vmem>>
      %dma_start3A_146 = tpu.memref_slice %arg3[%multiple_of3A_85] : memref<640000xi32, #tpu.memory_space<hbm>> -> memref<4000xi32, #tpu.memory_space<hbm>>
      tpu.enqueue_dma source(%dma_start3A_146 : memref<4000xi32, #tpu.memory_space<hbm>>) target(%dma_start3A_145 : memref<4000xi32, #tpu.memory_space<vmem>>) target_semaphore(%run_scoped3A : memref<!tpu.dma_semaphore, #tpu.memory_space<semaphore_mem>>)
      %dma_wait3A = arith.constant 0 : i32
      %dma_wait3A_147 = tpu.memref_slice %arg5[%dma_wait3A] : memref<6000xi32, #tpu.memory_space<vmem>> -> memref<4000xi32, #tpu.memory_space<vmem>>
      %dma_wait3A_148 = tpu.memref_slice %arg3[%multiple_of3A_85] : memref<640000xi32, #tpu.memory_space<hbm>> -> memref<4000xi32, #tpu.memory_space<hbm>>
      %dma_wait3A_149 = arith.constant 0 : i32
      %dma_wait3A_150 = tpu.memref_slice %arg5[%dma_wait3A_149] : memref<6000xi32, #tpu.memory_space<vmem>> -> memref<4000xi32, #tpu.memory_space<vmem>>
      %dma_wait3A_151 = tpu.memref_slice %arg3[%multiple_of3A_85] : memref<640000xi32, #tpu.memory_space<hbm>> -> memref<4000xi32, #tpu.memory_space<hbm>>
      tpu.wait_dma2 semaphore(%run_scoped3A : memref<!tpu.dma_semaphore, #tpu.memory_space<semaphore_mem>>) src(%dma_wait3A_151 : memref<4000xi32, #tpu.memory_space<hbm>>) dst(%dma_wait3A_150 : memref<4000xi32, #tpu.memory_space<vmem>>)
      tpu.yield
    }) : () -> ()
    %mul3A_86 = arith.constant 10000 : i32
    %mul3A_87 = arith.muli %add3A, %mul3A_86 : i32
    %add3A_88 = arith.constant 320000 : i32
    %add3A_89 = arith.addi %add3A_88, %mul3A_87 : i32
    %add3A_90 = arith.constant 6000 : i32
    %add3A_91 = arith.addi %add3A_89, %add3A_90 : i32
    %multiple_of3A_92 = tpu.assume_multiple %add3A_91, 8 : i32
    %dma_start3A_93 = tpu.memref_slice %arg3[%multiple_of3A_92] : memref<640000xi32, #tpu.memory_space<hbm>> -> memref<80xi32, #tpu.memory_space<hbm>>
    %dma_start3A_94 = tpu.memref_slice %arg3[%multiple_of3A_92] : memref<640000xi32, #tpu.memory_space<hbm>> -> memref<80xi32, #tpu.memory_space<hbm>>
    tpu.enqueue_dma source(%dma_start3A_94 : memref<80xi32, #tpu.memory_space<hbm>>) target(%arg6 : memref<80xi32, #tpu.memory_space<vmem>>) target_semaphore(%arg15 : memref<!tpu.dma_semaphore, #tpu.memory_space<semaphore_mem>>)
    %mul3A_95 = arith.constant 10000 : i32
    %mul3A_96 = arith.muli %add3A, %mul3A_95 : i32
    %add3A_97 = arith.constant 320000 : i32
    %add3A_98 = arith.addi %add3A_97, %mul3A_96 : i32
    %add3A_99 = arith.constant 6080 : i32
    %add3A_100 = arith.addi %add3A_98, %add3A_99 : i32
    %multiple_of3A_101 = tpu.assume_multiple %add3A_100, 8 : i32
    %dma_start3A_102 = tpu.memref_slice %arg3[%multiple_of3A_101] : memref<640000xi32, #tpu.memory_space<hbm>> -> memref<80xi32, #tpu.memory_space<hbm>>
    %dma_start3A_103 = tpu.memref_slice %arg3[%multiple_of3A_101] : memref<640000xi32, #tpu.memory_space<hbm>> -> memref<80xi32, #tpu.memory_space<hbm>>
    tpu.enqueue_dma source(%dma_start3A_103 : memref<80xi32, #tpu.memory_space<hbm>>) target(%arg7 : memref<80xi32, #tpu.memory_space<vmem>>) target_semaphore(%arg16 : memref<!tpu.dma_semaphore, #tpu.memory_space<semaphore_mem>>)
    %dma_start3A_104 = arith.constant 0 : i32
    %dma_start3A_105 = tpu.memref_slice %arg5[%dma_start3A_104] : memref<6000xi32, #tpu.memory_space<vmem>> -> memref<80xi32, #tpu.memory_space<vmem>>
    %dma_start3A_106 = arith.constant 0 : i32
    %dma_start3A_107 = arith.constant 0 : i32
    %dma_start3A_108 = tpu.memref_slice %arg2[%dma_start3A_106, %dma_start3A_107] : memref<10000x128xf32, #tpu.memory_space<hbm>> -> memref<10000x128xf32, #tpu.memory_space<hbm>>
    tpu.enqueue_indirect_dma source(%dma_start3A_108 : memref<10000x128xf32, #tpu.memory_space<hbm>>) target(%arg9 : memref<80x128xf32, #tpu.memory_space<vmem>>) offsets(%dma_start3A_105 : memref<80xi32, #tpu.memory_space<vmem>>) semaphore(%arg12 : memref<!tpu.dma_semaphore, #tpu.memory_space<semaphore_mem>>)
    %dma_start3A_109 = arith.constant 80 : i32
    %dma_start3A_110 = tpu.memref_slice %arg5[%dma_start3A_109] : memref<6000xi32, #tpu.memory_space<vmem>> -> memref<80xi32, #tpu.memory_space<vmem>>
    %dma_start3A_111 = arith.constant 0 : i32
    %dma_start3A_112 = arith.constant 0 : i32
    %dma_start3A_113 = tpu.memref_slice %arg2[%dma_start3A_111, %dma_start3A_112] : memref<10000x128xf32, #tpu.memory_space<hbm>> -> memref<10000x128xf32, #tpu.memory_space<hbm>>
    tpu.enqueue_indirect_dma source(%dma_start3A_113 : memref<10000x128xf32, #tpu.memory_space<hbm>>) target(%arg10 : memref<80x128xf32, #tpu.memory_space<vmem>>) offsets(%dma_start3A_110 : memref<80xi32, #tpu.memory_space<vmem>>) semaphore(%arg13 : memref<!tpu.dma_semaphore, #tpu.memory_space<semaphore_mem>>)
    %mul3A_114 = arith.constant 10000 : i32
    %mul3A_115 = arith.muli %add3A, %mul3A_114 : i32
    %add3A_116 = arith.constant 320000 : i32
    %add3A_117 = arith.addi %add3A_116, %mul3A_115 : i32
    %add3A_118 = arith.constant 6160 : i32
    %add3A_119 = arith.addi %add3A_117, %add3A_118 : i32
    %multiple_of3A_120 = tpu.assume_multiple %add3A_119, 8 : i32
    %dma_start3A_121 = tpu.memref_slice %arg3[%multiple_of3A_120] : memref<640000xi32, #tpu.memory_space<hbm>> -> memref<80xi32, #tpu.memory_space<hbm>>
    %dma_start3A_122 = tpu.memref_slice %arg3[%multiple_of3A_120] : memref<640000xi32, #tpu.memory_space<hbm>> -> memref<80xi32, #tpu.memory_space<hbm>>
    tpu.enqueue_dma source(%dma_start3A_122 : memref<80xi32, #tpu.memory_space<hbm>>) target(%arg8 : memref<80xi32, #tpu.memory_space<vmem>>) target_semaphore(%arg17 : memref<!tpu.dma_semaphore, #tpu.memory_space<semaphore_mem>>)
    %scan3A_123 = arith.constant 0 : i32
    %scan3A_124 = arith.constant 0 : i32
    %scan3A_125 = arith.constant 17 : i32
    %scan3A_126 = arith.addi %scan3A_124, %scan3A_125 : i32
    %scan3A_127 = arith.constant 1 : i32
    %scan3A_128 = scf.for %scan3A_141 = %scan3A_124 to %scan3A_126 step %scan3A_127 iter_args(%scan3A_142 = %scan3A_123) -> (i32)  : i32 {
      %mul3A_143 = arith.constant 3 : i32
      %mul3A_144 = arith.muli %scan3A_141, %mul3A_143 : i32
      %add3A_145 = arith.constant 0 : i32
      %add3A_146 = arith.addi %mul3A_144, %add3A_145 : i32
      %add3A_147 = arith.constant 2 : i32
      %add3A_148 = arith.addi %add3A_146, %add3A_147 : i32
      %lt3A_149 = arith.constant 50 : i32
      %lt3A_150 = arith.cmpi slt, %add3A_148, %lt3A_149 : i32
      %convert_element_type3A_151 = arith.extui %lt3A_150 : i1 to i32
      %cond3A_152 = arith.constant 0 : i32
      %cond3A_153 = arith.cmpi ne, %convert_element_type3A_151, %cond3A_152 : i32
      scf.if %cond3A_153 {
        %add3A_213 = arith.constant 2 : i32
        %add3A_214 = arith.addi %add3A_146, %add3A_213 : i32
        %mul3A_215 = arith.constant 80 : i32
        %mul3A_216 = arith.muli %add3A_214, %mul3A_215 : i32
        %dma_start3A_217 = tpu.memref_slice %arg5[%mul3A_216] : memref<6000xi32, #tpu.memory_space<vmem>> -> memref<80xi32, #tpu.memory_space<vmem>>
        %dma_start3A_218 = arith.constant 0 : i32
        %dma_start3A_219 = arith.constant 0 : i32
        %dma_start3A_220 = tpu.memref_slice %arg2[%dma_start3A_218, %dma_start3A_219] : memref<10000x128xf32, #tpu.memory_space<hbm>> -> memref<10000x128xf32, #tpu.memory_space<hbm>>
        tpu.enqueue_indirect_dma source(%dma_start3A_220 : memref<10000x128xf32, #tpu.memory_space<hbm>>) target(%arg11 : memref<80x128xf32, #tpu.memory_space<vmem>>) offsets(%dma_start3A_217 : memref<80xi32, #tpu.memory_space<vmem>>) semaphore(%arg14 : memref<!tpu.dma_semaphore, #tpu.memory_space<semaphore_mem>>)
      } else {
      }
      %lt3A_154 = arith.constant 50 : i32
      %lt3A_155 = arith.cmpi slt, %add3A_146, %lt3A_154 : i32
      %convert_element_type3A_156 = arith.extui %lt3A_155 : i1 to i32
      %cond3A_157 = arith.constant 0 : i32
      %cond3A_158 = arith.cmpi ne, %convert_element_type3A_156, %cond3A_157 : i32
      scf.if %cond3A_158 {
        %mul3A_213 = arith.constant 80 : i32
        %mul3A_214 = arith.muli %add3A_146, %mul3A_213 : i32
        %dma_wait3A = tpu.memref_slice %arg5[%mul3A_214] : memref<6000xi32, #tpu.memory_space<vmem>> -> memref<80xi32, #tpu.memory_space<vmem>>
        %dma_wait3A_215 = arith.constant 0 : i32
        %dma_wait3A_216 = arith.constant 0 : i32
        %dma_wait3A_217 = tpu.memref_slice %arg2[%dma_wait3A_215, %dma_wait3A_216] : memref<10000x128xf32, #tpu.memory_space<hbm>> -> memref<10000x128xf32, #tpu.memory_space<hbm>>
        tpu.wait_indirect_dma semaphore(%arg12 : memref<!tpu.dma_semaphore, #tpu.memory_space<semaphore_mem>>) src(%dma_wait3A_217 : memref<10000x128xf32, #tpu.memory_space<hbm>>) dst(%arg9 : memref<80x128xf32, #tpu.memory_space<vmem>>)
        %add3A_218 = arith.constant 75 : i32
        %add3A_219 = arith.addi %add3A_218, %add3A_146 : i32
        %mul3A_220 = arith.constant 10000 : i32
        %mul3A_221 = arith.muli %add3A, %mul3A_220 : i32
        %add3A_222 = arith.constant 320000 : i32
        %add3A_223 = arith.addi %add3A_222, %mul3A_221 : i32
        %mul3A_224 = arith.constant 80 : i32
        %mul3A_225 = arith.muli %add3A_219, %mul3A_224 : i32
        %add3A_226 = arith.addi %add3A_223, %mul3A_225 : i32
        %multiple_of3A_227 = tpu.assume_multiple %add3A_226, 8 : i32
        %dma_wait3A_228 = tpu.memref_slice %arg3[%multiple_of3A_227] : memref<640000xi32, #tpu.memory_space<hbm>> -> memref<80xi32, #tpu.memory_space<hbm>>
        %dma_wait3A_229 = tpu.memref_slice %arg3[%multiple_of3A_227] : memref<640000xi32, #tpu.memory_space<hbm>> -> memref<80xi32, #tpu.memory_space<hbm>>
        tpu.wait_dma2 semaphore(%arg15 : memref<!tpu.dma_semaphore, #tpu.memory_space<semaphore_mem>>) src(%dma_wait3A_229 : memref<80xi32, #tpu.memory_space<hbm>>) dst(%arg6 : memref<80xi32, #tpu.memory_space<vmem>>)
        "tpu.region"() ({
          %run_scoped3A = tpu.sem_alloc : memref<!tpu.dma_semaphore, #tpu.memory_space<semaphore_mem>>
          %dma_start3A_230 = arith.constant 0 : i32
          %dma_start3A_231 = arith.constant 0 : i32
          %dma_start3A_232 = tpu.memref_slice %arg18[%dma_start3A_230, %dma_start3A_231] : memref<10000x128xf32, #tpu.memory_space<vmem_shared>> -> memref<10000x128xf32, #tpu.memory_space<vmem_shared>>
          tpu.enqueue_indirect_dma source(%arg9 : memref<80x128xf32, #tpu.memory_space<vmem>>) target(%dma_start3A_232 : memref<10000x128xf32, #tpu.memory_space<vmem_shared>>) offsets(%arg6 : memref<80xi32, #tpu.memory_space<vmem>>) semaphore(%run_scoped3A : memref<!tpu.dma_semaphore, #tpu.memory_space<semaphore_mem>>) {add = true}
          %dma_wait3A_233 = arith.constant 0 : i32
          %dma_wait3A_234 = arith.constant 0 : i32
          %dma_wait3A_235 = tpu.memref_slice %arg18[%dma_wait3A_233, %dma_wait3A_234] : memref<10000x128xf32, #tpu.memory_space<vmem_shared>> -> memref<10000x128xf32, #tpu.memory_space<vmem_shared>>
          tpu.wait_indirect_dma semaphore(%run_scoped3A : memref<!tpu.dma_semaphore, #tpu.memory_space<semaphore_mem>>) src(%arg9 : memref<80x128xf32, #tpu.memory_space<vmem>>) dst(%dma_wait3A_235 : memref<10000x128xf32, #tpu.memory_space<vmem_shared>>)
          tpu.yield
        }) : () -> ()
      } else {
      }
      %add3A_159 = arith.constant 3 : i32
      %add3A_160 = arith.addi %add3A_146, %add3A_159 : i32
      %lt3A_161 = arith.constant 50 : i32
      %lt3A_162 = arith.cmpi slt, %add3A_160, %lt3A_161 : i32
      %convert_element_type3A_163 = arith.extui %lt3A_162 : i1 to i32
      %cond3A_164 = arith.constant 0 : i32
      %cond3A_165 = arith.cmpi ne, %convert_element_type3A_163, %cond3A_164 : i32
      scf.if %cond3A_165 {
        %add3A_213 = arith.constant 75 : i32
        %add3A_214 = arith.addi %add3A_213, %add3A_146 : i32
        %add3A_215 = arith.constant 3 : i32
        %add3A_216 = arith.addi %add3A_214, %add3A_215 : i32
        %mul3A_217 = arith.constant 10000 : i32
        %mul3A_218 = arith.muli %add3A, %mul3A_217 : i32
        %add3A_219 = arith.constant 320000 : i32
        %add3A_220 = arith.addi %add3A_219, %mul3A_218 : i32
        %mul3A_221 = arith.constant 80 : i32
        %mul3A_222 = arith.muli %add3A_216, %mul3A_221 : i32
        %add3A_223 = arith.addi %add3A_220, %mul3A_222 : i32
        %multiple_of3A_224 = tpu.assume_multiple %add3A_223, 8 : i32
        %dma_start3A_225 = tpu.memref_slice %arg3[%multiple_of3A_224] : memref<640000xi32, #tpu.memory_space<hbm>> -> memref<80xi32, #tpu.memory_space<hbm>>
        %dma_start3A_226 = tpu.memref_slice %arg3[%multiple_of3A_224] : memref<640000xi32, #tpu.memory_space<hbm>> -> memref<80xi32, #tpu.memory_space<hbm>>
        tpu.enqueue_dma source(%dma_start3A_226 : memref<80xi32, #tpu.memory_space<hbm>>) target(%arg6 : memref<80xi32, #tpu.memory_space<vmem>>) target_semaphore(%arg15 : memref<!tpu.dma_semaphore, #tpu.memory_space<semaphore_mem>>)
      } else {
      }
      %mul3A_166 = arith.constant 3 : i32
      %mul3A_167 = arith.muli %scan3A_141, %mul3A_166 : i32
      %add3A_168 = arith.constant 1 : i32
      %add3A_169 = arith.addi %mul3A_167, %add3A_168 : i32
      %add3A_170 = arith.constant 2 : i32
      %add3A_171 = arith.addi %add3A_169, %add3A_170 : i32
      %lt3A_172 = arith.constant 50 : i32
      %lt3A_173 = arith.cmpi slt, %add3A_171, %lt3A_172 : i32
      %convert_element_type3A_174 = arith.extui %lt3A_173 : i1 to i32
      %cond3A_175 = arith.constant 0 : i32
      %cond3A_176 = arith.cmpi ne, %convert_element_type3A_174, %cond3A_175 : i32
      scf.if %cond3A_176 {
        %add3A_213 = arith.constant 2 : i32
        %add3A_214 = arith.addi %add3A_169, %add3A_213 : i32
        %mul3A_215 = arith.constant 80 : i32
        %mul3A_216 = arith.muli %add3A_214, %mul3A_215 : i32
        %dma_start3A_217 = tpu.memref_slice %arg5[%mul3A_216] : memref<6000xi32, #tpu.memory_space<vmem>> -> memref<80xi32, #tpu.memory_space<vmem>>
        %dma_start3A_218 = arith.constant 0 : i32
        %dma_start3A_219 = arith.constant 0 : i32
        %dma_start3A_220 = tpu.memref_slice %arg2[%dma_start3A_218, %dma_start3A_219] : memref<10000x128xf32, #tpu.memory_space<hbm>> -> memref<10000x128xf32, #tpu.memory_space<hbm>>
        tpu.enqueue_indirect_dma source(%dma_start3A_220 : memref<10000x128xf32, #tpu.memory_space<hbm>>) target(%arg9 : memref<80x128xf32, #tpu.memory_space<vmem>>) offsets(%dma_start3A_217 : memref<80xi32, #tpu.memory_space<vmem>>) semaphore(%arg12 : memref<!tpu.dma_semaphore, #tpu.memory_space<semaphore_mem>>)
      } else {
      }
      %lt3A_177 = arith.constant 50 : i32
      %lt3A_178 = arith.cmpi slt, %add3A_169, %lt3A_177 : i32
      %convert_element_type3A_179 = arith.extui %lt3A_178 : i1 to i32
      %cond3A_180 = arith.constant 0 : i32
      %cond3A_181 = arith.cmpi ne, %convert_element_type3A_179, %cond3A_180 : i32
      scf.if %cond3A_181 {
        %mul3A_213 = arith.constant 80 : i32
        %mul3A_214 = arith.muli %add3A_169, %mul3A_213 : i32
        %dma_wait3A = tpu.memref_slice %arg5[%mul3A_214] : memref<6000xi32, #tpu.memory_space<vmem>> -> memref<80xi32, #tpu.memory_space<vmem>>
        %dma_wait3A_215 = arith.constant 0 : i32
        %dma_wait3A_216 = arith.constant 0 : i32
        %dma_wait3A_217 = tpu.memref_slice %arg2[%dma_wait3A_215, %dma_wait3A_216] : memref<10000x128xf32, #tpu.memory_space<hbm>> -> memref<10000x128xf32, #tpu.memory_space<hbm>>
        tpu.wait_indirect_dma semaphore(%arg13 : memref<!tpu.dma_semaphore, #tpu.memory_space<semaphore_mem>>) src(%dma_wait3A_217 : memref<10000x128xf32, #tpu.memory_space<hbm>>) dst(%arg10 : memref<80x128xf32, #tpu.memory_space<vmem>>)
        %add3A_218 = arith.constant 75 : i32
        %add3A_219 = arith.addi %add3A_218, %add3A_169 : i32
        %mul3A_220 = arith.constant 10000 : i32
        %mul3A_221 = arith.muli %add3A, %mul3A_220 : i32
        %add3A_222 = arith.constant 320000 : i32
        %add3A_223 = arith.addi %add3A_222, %mul3A_221 : i32
        %mul3A_224 = arith.constant 80 : i32
        %mul3A_225 = arith.muli %add3A_219, %mul3A_224 : i32
        %add3A_226 = arith.addi %add3A_223, %mul3A_225 : i32
        %multiple_of3A_227 = tpu.assume_multiple %add3A_226, 8 : i32
        %dma_wait3A_228 = tpu.memref_slice %arg3[%multiple_of3A_227] : memref<640000xi32, #tpu.memory_space<hbm>> -> memref<80xi32, #tpu.memory_space<hbm>>
        %dma_wait3A_229 = tpu.memref_slice %arg3[%multiple_of3A_227] : memref<640000xi32, #tpu.memory_space<hbm>> -> memref<80xi32, #tpu.memory_space<hbm>>
        tpu.wait_dma2 semaphore(%arg16 : memref<!tpu.dma_semaphore, #tpu.memory_space<semaphore_mem>>) src(%dma_wait3A_229 : memref<80xi32, #tpu.memory_space<hbm>>) dst(%arg7 : memref<80xi32, #tpu.memory_space<vmem>>)
        "tpu.region"() ({
          %run_scoped3A = tpu.sem_alloc : memref<!tpu.dma_semaphore, #tpu.memory_space<semaphore_mem>>
          %dma_start3A_230 = arith.constant 0 : i32
          %dma_start3A_231 = arith.constant 0 : i32
          %dma_start3A_232 = tpu.memref_slice %arg18[%dma_start3A_230, %dma_start3A_231] : memref<10000x128xf32, #tpu.memory_space<vmem_shared>> -> memref<10000x128xf32, #tpu.memory_space<vmem_shared>>
          tpu.enqueue_indirect_dma source(%arg10 : memref<80x128xf32, #tpu.memory_space<vmem>>) target(%dma_start3A_232 : memref<10000x128xf32, #tpu.memory_space<vmem_shared>>) offsets(%arg7 : memref<80xi32, #tpu.memory_space<vmem>>) semaphore(%run_scoped3A : memref<!tpu.dma_semaphore, #tpu.memory_space<semaphore_mem>>) {add = true}
          %dma_wait3A_233 = arith.constant 0 : i32
          %dma_wait3A_234 = arith.constant 0 : i32
          %dma_wait3A_235 = tpu.memref_slice %arg18[%dma_wait3A_233, %dma_wait3A_234] : memref<10000x128xf32, #tpu.memory_space<vmem_shared>> -> memref<10000x128xf32, #tpu.memory_space<vmem_shared>>
          tpu.wait_indirect_dma semaphore(%run_scoped3A : memref<!tpu.dma_semaphore, #tpu.memory_space<semaphore_mem>>) src(%arg10 : memref<80x128xf32, #tpu.memory_space<vmem>>) dst(%dma_wait3A_235 : memref<10000x128xf32, #tpu.memory_space<vmem_shared>>)
          tpu.yield
        }) : () -> ()
      } else {
      }
      %add3A_182 = arith.constant 3 : i32
      %add3A_183 = arith.addi %add3A_169, %add3A_182 : i32
      %lt3A_184 = arith.constant 50 : i32
      %lt3A_185 = arith.cmpi slt, %add3A_183, %lt3A_184 : i32
      %convert_element_type3A_186 = arith.extui %lt3A_185 : i1 to i32
      %cond3A_187 = arith.constant 0 : i32
      %cond3A_188 = arith.cmpi ne, %convert_element_type3A_186, %cond3A_187 : i32
      scf.if %cond3A_188 {
        %add3A_213 = arith.constant 75 : i32
        %add3A_214 = arith.addi %add3A_213, %add3A_169 : i32
        %add3A_215 = arith.constant 3 : i32
        %add3A_216 = arith.addi %add3A_214, %add3A_215 : i32
        %mul3A_217 = arith.constant 10000 : i32
        %mul3A_218 = arith.muli %add3A, %mul3A_217 : i32
        %add3A_219 = arith.constant 320000 : i32
        %add3A_220 = arith.addi %add3A_219, %mul3A_218 : i32
        %mul3A_221 = arith.constant 80 : i32
        %mul3A_222 = arith.muli %add3A_216, %mul3A_221 : i32
        %add3A_223 = arith.addi %add3A_220, %mul3A_222 : i32
        %multiple_of3A_224 = tpu.assume_multiple %add3A_223, 8 : i32
        %dma_start3A_225 = tpu.memref_slice %arg3[%multiple_of3A_224] : memref<640000xi32, #tpu.memory_space<hbm>> -> memref<80xi32, #tpu.memory_space<hbm>>
        %dma_start3A_226 = tpu.memref_slice %arg3[%multiple_of3A_224] : memref<640000xi32, #tpu.memory_space<hbm>> -> memref<80xi32, #tpu.memory_space<hbm>>
        tpu.enqueue_dma source(%dma_start3A_226 : memref<80xi32, #tpu.memory_space<hbm>>) target(%arg7 : memref<80xi32, #tpu.memory_space<vmem>>) target_semaphore(%arg16 : memref<!tpu.dma_semaphore, #tpu.memory_space<semaphore_mem>>)
      } else {
      }
      %mul3A_189 = arith.constant 3 : i32
      %mul3A_190 = arith.muli %scan3A_141, %mul3A_189 : i32
      %add3A_191 = arith.constant 2 : i32
      %add3A_192 = arith.addi %mul3A_190, %add3A_191 : i32
      %add3A_193 = arith.constant 2 : i32
      %add3A_194 = arith.addi %add3A_192, %add3A_193 : i32
      %lt3A_195 = arith.constant 50 : i32
      %lt3A_196 = arith.cmpi slt, %add3A_194, %lt3A_195 : i32
      %convert_element_type3A_197 = arith.extui %lt3A_196 : i1 to i32
      %cond3A_198 = arith.constant 0 : i32
      %cond3A_199 = arith.cmpi ne, %convert_element_type3A_197, %cond3A_198 : i32
      scf.if %cond3A_199 {
        %add3A_213 = arith.constant 2 : i32
        %add3A_214 = arith.addi %add3A_192, %add3A_213 : i32
        %mul3A_215 = arith.constant 80 : i32
        %mul3A_216 = arith.muli %add3A_214, %mul3A_215 : i32
        %dma_start3A_217 = tpu.memref_slice %arg5[%mul3A_216] : memref<6000xi32, #tpu.memory_space<vmem>> -> memref<80xi32, #tpu.memory_space<vmem>>
        %dma_start3A_218 = arith.constant 0 : i32
        %dma_start3A_219 = arith.constant 0 : i32
        %dma_start3A_220 = tpu.memref_slice %arg2[%dma_start3A_218, %dma_start3A_219] : memref<10000x128xf32, #tpu.memory_space<hbm>> -> memref<10000x128xf32, #tpu.memory_space<hbm>>
        tpu.enqueue_indirect_dma source(%dma_start3A_220 : memref<10000x128xf32, #tpu.memory_space<hbm>>) target(%arg10 : memref<80x128xf32, #tpu.memory_space<vmem>>) offsets(%dma_start3A_217 : memref<80xi32, #tpu.memory_space<vmem>>) semaphore(%arg13 : memref<!tpu.dma_semaphore, #tpu.memory_space<semaphore_mem>>)
      } else {
      }
      %lt3A_200 = arith.constant 50 : i32
      %lt3A_201 = arith.cmpi slt, %add3A_192, %lt3A_200 : i32
      %convert_element_type3A_202 = arith.extui %lt3A_201 : i1 to i32
      %cond3A_203 = arith.constant 0 : i32
      %cond3A_204 = arith.cmpi ne, %convert_element_type3A_202, %cond3A_203 : i32
      scf.if %cond3A_204 {
        %mul3A_213 = arith.constant 80 : i32
        %mul3A_214 = arith.muli %add3A_192, %mul3A_213 : i32
        %dma_wait3A = tpu.memref_slice %arg5[%mul3A_214] : memref<6000xi32, #tpu.memory_space<vmem>> -> memref<80xi32, #tpu.memory_space<vmem>>
        %dma_wait3A_215 = arith.constant 0 : i32
        %dma_wait3A_216 = arith.constant 0 : i32
        %dma_wait3A_217 = tpu.memref_slice %arg2[%dma_wait3A_215, %dma_wait3A_216] : memref<10000x128xf32, #tpu.memory_space<hbm>> -> memref<10000x128xf32, #tpu.memory_space<hbm>>
        tpu.wait_indirect_dma semaphore(%arg14 : memref<!tpu.dma_semaphore, #tpu.memory_space<semaphore_mem>>) src(%dma_wait3A_217 : memref<10000x128xf32, #tpu.memory_space<hbm>>) dst(%arg11 : memref<80x128xf32, #tpu.memory_space<vmem>>)
        %add3A_218 = arith.constant 75 : i32
        %add3A_219 = arith.addi %add3A_218, %add3A_192 : i32
        %mul3A_220 = arith.constant 10000 : i32
        %mul3A_221 = arith.muli %add3A, %mul3A_220 : i32
        %add3A_222 = arith.constant 320000 : i32
        %add3A_223 = arith.addi %add3A_222, %mul3A_221 : i32
        %mul3A_224 = arith.constant 80 : i32
        %mul3A_225 = arith.muli %add3A_219, %mul3A_224 : i32
        %add3A_226 = arith.addi %add3A_223, %mul3A_225 : i32
        %multiple_of3A_227 = tpu.assume_multiple %add3A_226, 8 : i32
        %dma_wait3A_228 = tpu.memref_slice %arg3[%multiple_of3A_227] : memref<640000xi32, #tpu.memory_space<hbm>> -> memref<80xi32, #tpu.memory_space<hbm>>
        %dma_wait3A_229 = tpu.memref_slice %arg3[%multiple_of3A_227] : memref<640000xi32, #tpu.memory_space<hbm>> -> memref<80xi32, #tpu.memory_space<hbm>>
        tpu.wait_dma2 semaphore(%arg17 : memref<!tpu.dma_semaphore, #tpu.memory_space<semaphore_mem>>) src(%dma_wait3A_229 : memref<80xi32, #tpu.memory_space<hbm>>) dst(%arg8 : memref<80xi32, #tpu.memory_space<vmem>>)
        "tpu.region"() ({
          %run_scoped3A = tpu.sem_alloc : memref<!tpu.dma_semaphore, #tpu.memory_space<semaphore_mem>>
          %dma_start3A_230 = arith.constant 0 : i32
          %dma_start3A_231 = arith.constant 0 : i32
          %dma_start3A_232 = tpu.memref_slice %arg18[%dma_start3A_230, %dma_start3A_231] : memref<10000x128xf32, #tpu.memory_space<vmem_shared>> -> memref<10000x128xf32, #tpu.memory_space<vmem_shared>>
          tpu.enqueue_indirect_dma source(%arg11 : memref<80x128xf32, #tpu.memory_space<vmem>>) target(%dma_start3A_232 : memref<10000x128xf32, #tpu.memory_space<vmem_shared>>) offsets(%arg8 : memref<80xi32, #tpu.memory_space<vmem>>) semaphore(%run_scoped3A : memref<!tpu.dma_semaphore, #tpu.memory_space<semaphore_mem>>) {add = true}
          %dma_wait3A_233 = arith.constant 0 : i32
          %dma_wait3A_234 = arith.constant 0 : i32
          %dma_wait3A_235 = tpu.memref_slice %arg18[%dma_wait3A_233, %dma_wait3A_234] : memref<10000x128xf32, #tpu.memory_space<vmem_shared>> -> memref<10000x128xf32, #tpu.memory_space<vmem_shared>>
          tpu.wait_indirect_dma semaphore(%run_scoped3A : memref<!tpu.dma_semaphore, #tpu.memory_space<semaphore_mem>>) src(%arg11 : memref<80x128xf32, #tpu.memory_space<vmem>>) dst(%dma_wait3A_235 : memref<10000x128xf32, #tpu.memory_space<vmem_shared>>)
          tpu.yield
        }) : () -> ()
      } else {
      }
      %add3A_205 = arith.constant 3 : i32
      %add3A_206 = arith.addi %add3A_192, %add3A_205 : i32
      %lt3A_207 = arith.constant 50 : i32
      %lt3A_208 = arith.cmpi slt, %add3A_206, %lt3A_207 : i32
      %convert_element_type3A_209 = arith.extui %lt3A_208 : i1 to i32
      %cond3A_210 = arith.constant 0 : i32
      %cond3A_211 = arith.cmpi ne, %convert_element_type3A_209, %cond3A_210 : i32
      scf.if %cond3A_211 {
        %add3A_213 = arith.constant 75 : i32
        %add3A_214 = arith.addi %add3A_213, %add3A_192 : i32
        %add3A_215 = arith.constant 3 : i32
        %add3A_216 = arith.addi %add3A_214, %add3A_215 : i32
        %mul3A_217 = arith.constant 10000 : i32
        %mul3A_218 = arith.muli %add3A, %mul3A_217 : i32
        %add3A_219 = arith.constant 320000 : i32
        %add3A_220 = arith.addi %add3A_219, %mul3A_218 : i32
        %mul3A_221 = arith.constant 80 : i32
        %mul3A_222 = arith.muli %add3A_216, %mul3A_221 : i32
        %add3A_223 = arith.addi %add3A_220, %mul3A_222 : i32
        %multiple_of3A_224 = tpu.assume_multiple %add3A_223, 8 : i32
        %dma_start3A_225 = tpu.memref_slice %arg3[%multiple_of3A_224] : memref<640000xi32, #tpu.memory_space<hbm>> -> memref<80xi32, #tpu.memory_space<hbm>>
        %dma_start3A_226 = tpu.memref_slice %arg3[%multiple_of3A_224] : memref<640000xi32, #tpu.memory_space<hbm>> -> memref<80xi32, #tpu.memory_space<hbm>>
        tpu.enqueue_dma source(%dma_start3A_226 : memref<80xi32, #tpu.memory_space<hbm>>) target(%arg8 : memref<80xi32, #tpu.memory_space<vmem>>) target_semaphore(%arg17 : memref<!tpu.dma_semaphore, #tpu.memory_space<semaphore_mem>>)
      } else {
      }
      %scan3A_212 = arith.constant 0 : i32
      scf.yield %scan3A_212 : i32
    }
    %scan3A_129 = arith.constant 17 : i32
    %barrier3A_130 = arith.constant 0 : index
    tpu.barrier barrier_id(%barrier3A_130)
    %lt3A_131 = arith.constant 15 : i32
    %lt3A_132 = arith.cmpi slt, %arg1, %lt3A_131 : i32
    %convert_element_type3A_133 = arith.extui %lt3A_132 : i1 to i32
    %cond3A_134 = arith.constant 0 : i32
    %cond3A_135 = arith.cmpi ne, %convert_element_type3A_133, %cond3A_134 : i32
    scf.if %cond3A_135 {
      "tpu.region"() ({
        %run_scoped3A = tpu.sem_alloc : memref<!tpu.dma_semaphore, #tpu.memory_space<semaphore_mem>>
        %dma_start3A_141 = arith.constant 0 : i32
        %dma_start3A_142 = tpu.memref_slice %arg4[%arg0, %multiple_of3A, %dma_start3A_141] : memref<2x10000x128xf32, #tpu.memory_space<hbm>> -> memref<1x640x128xf32, #tpu.memory_space<hbm>>
        %dma_start3A_143 = tpu.memref_squeeze %dma_start3A_142 : memref<1x640x128xf32, #tpu.memory_space<hbm>> -> memref<640x128xf32, #tpu.memory_space<hbm>>
        %dma_start3A_144 = arith.constant 0 : i32
        %dma_start3A_145 = tpu.memref_slice %arg18[%multiple_of3A, %dma_start3A_144] : memref<10000x128xf32, #tpu.memory_space<vmem_shared>> -> memref<640x128xf32, #tpu.memory_space<vmem_shared>>
        tpu.enqueue_dma source(%dma_start3A_145 : memref<640x128xf32, #tpu.memory_space<vmem_shared>>) target(%dma_start3A_143 : memref<640x128xf32, #tpu.memory_space<hbm>>) target_semaphore(%run_scoped3A : memref<!tpu.dma_semaphore, #tpu.memory_space<semaphore_mem>>)
        %dma_wait3A = arith.constant 0 : i32
        %dma_wait3A_146 = tpu.memref_slice %arg4[%arg0, %multiple_of3A, %dma_wait3A] : memref<2x10000x128xf32, #tpu.memory_space<hbm>> -> memref<1x640x128xf32, #tpu.memory_space<hbm>>
        %dma_wait3A_147 = tpu.memref_squeeze %dma_wait3A_146 : memref<1x640x128xf32, #tpu.memory_space<hbm>> -> memref<640x128xf32, #tpu.memory_space<hbm>>
        %dma_wait3A_148 = arith.constant 0 : i32
        %dma_wait3A_149 = tpu.memref_slice %arg18[%multiple_of3A, %dma_wait3A_148] : memref<10000x128xf32, #tpu.memory_space<vmem_shared>> -> memref<640x128xf32, #tpu.memory_space<vmem_shared>>
        tpu.wait_dma2 semaphore(%run_scoped3A : memref<!tpu.dma_semaphore, #tpu.memory_space<semaphore_mem>>) src(%dma_wait3A_149 : memref<640x128xf32, #tpu.memory_space<vmem_shared>>) dst(%dma_wait3A_147 : memref<640x128xf32, #tpu.memory_space<hbm>>)
        tpu.yield
      }) : () -> ()
    } else {
    }
    %eq3A_136 = arith.constant 15 : i32
    %eq3A_137 = arith.cmpi eq, %arg1, %eq3A_136 : i32
    %convert_element_type3A_138 = arith.extui %eq3A_137 : i1 to i32
    %cond3A_139 = arith.constant 0 : i32
    %cond3A_140 = arith.cmpi ne, %convert_element_type3A_138, %cond3A_139 : i32
    scf.if %cond3A_140 {
      "tpu.region"() ({
        %run_scoped3A = tpu.sem_alloc : memref<!tpu.dma_semaphore, #tpu.memory_space<semaphore_mem>>
        %dma_start3A_141 = arith.constant 0 : i32
        %dma_start3A_142 = tpu.memref_slice %arg4[%arg0, %multiple_of3A, %dma_start3A_141] : memref<2x10000x128xf32, #tpu.memory_space<hbm>> -> memref<1x400x128xf32, #tpu.memory_space<hbm>>
        %dma_start3A_143 = tpu.memref_squeeze %dma_start3A_142 : memref<1x400x128xf32, #tpu.memory_space<hbm>> -> memref<400x128xf32, #tpu.memory_space<hbm>>
        %dma_start3A_144 = arith.constant 0 : i32
        %dma_start3A_145 = tpu.memref_slice %arg18[%multiple_of3A, %dma_start3A_144] : memref<10000x128xf32, #tpu.memory_space<vmem_shared>> -> memref<400x128xf32, #tpu.memory_space<vmem_shared>>
        tpu.enqueue_dma source(%dma_start3A_145 : memref<400x128xf32, #tpu.memory_space<vmem_shared>>) target(%dma_start3A_143 : memref<400x128xf32, #tpu.memory_space<hbm>>) target_semaphore(%run_scoped3A : memref<!tpu.dma_semaphore, #tpu.memory_space<semaphore_mem>>)
        %dma_wait3A = arith.constant 0 : i32
        %dma_wait3A_146 = tpu.memref_slice %arg4[%arg0, %multiple_of3A, %dma_wait3A] : memref<2x10000x128xf32, #tpu.memory_space<hbm>> -> memref<1x400x128xf32, #tpu.memory_space<hbm>>
        %dma_wait3A_147 = tpu.memref_squeeze %dma_wait3A_146 : memref<1x400x128xf32, #tpu.memory_space<hbm>> -> memref<400x128xf32, #tpu.memory_space<hbm>>
        %dma_wait3A_148 = arith.constant 0 : i32
        %dma_wait3A_149 = tpu.memref_slice %arg18[%multiple_of3A, %dma_wait3A_148] : memref<10000x128xf32, #tpu.memory_space<vmem_shared>> -> memref<400x128xf32, #tpu.memory_space<vmem_shared>>
        tpu.wait_dma2 semaphore(%run_scoped3A : memref<!tpu.dma_semaphore, #tpu.memory_space<semaphore_mem>>) src(%dma_wait3A_149 : memref<400x128xf32, #tpu.memory_space<vmem_shared>>) dst(%dma_wait3A_147 : memref<400x128xf32, #tpu.memory_space<hbm>>)
        tpu.yield
      }) : () -> ()
    } else {
    }
    return
  }
}

#map = affine_map<(d0, d1) -> (0, 0)>
#map1 = affine_map<(d0, d1) -> (0)>
#map2 = affine_map<(d0, d1) -> (0, 0, 0)>
module attributes {stable_mosaic.version = 14 : i64} {
  func.func @_spmm_body(%arg0: i32, %arg1: i32, %arg2: memref<10000x128xf32, #tpu.memory_space<hbm>>, %arg3: memref<640000xi32, #tpu.memory_space<hbm>>, %arg4: memref<2x10000x128xf32, #tpu.memory_space<hbm>>, %arg5: memref<6000xi32, #tpu.memory_space<vmem>>, %arg6: memref<80xi32, #tpu.memory_space<vmem>>, %arg7: memref<80xi32, #tpu.memory_space<vmem>>, %arg8: memref<80xi32, #tpu.memory_space<vmem>>, %arg9: memref<80x128xf32, #tpu.memory_space<vmem>>, %arg10: memref<80x128xf32, #tpu.memory_space<vmem>>, %arg11: memref<80x128xf32, #tpu.memory_space<vmem>>, %arg12: memref<!tpu.dma_semaphore, #tpu.memory_space<semaphore_mem>>, %arg13: memref<!tpu.dma_semaphore, #tpu.memory_space<semaphore_mem>>, %arg14: memref<!tpu.dma_semaphore, #tpu.memory_space<semaphore_mem>>, %arg15: memref<!tpu.dma_semaphore, #tpu.memory_space<semaphore_mem>>, %arg16: memref<!tpu.dma_semaphore, #tpu.memory_space<semaphore_mem>>, %arg17: memref<!tpu.dma_semaphore, #tpu.memory_space<semaphore_mem>>, %arg18: memref<10000x128xf32, #tpu.memory_space<vmem_shared>>) attributes {dimension_semantics = [#tpu.dimension_semantics<core_parallel>, #tpu.dimension_semantics<subcore_parallel>], iteration_bounds = array<i64: 2, 16>, scalar_prefetch = 0 : i64, scratch_operands = 14 : i64, tpu.core_type = #tpu.core_type<sc_vector_subcore>, window_params = [{transform_indices = #map}, {transform_indices = #map1}, {transform_indices = #map2}]} {
    %mul3A = arith.constant 2 : i32
    %mul3A_0 = arith.muli %arg1, %mul3A : i32
    %add3A = arith.addi %mul3A_0, %arg0 : i32
    %mul3A_1 = arith.constant 640 : i32
    %mul3A_2 = arith.muli %arg1, %mul3A_1 : i32
    %multiple_of3A = tpu.assume_multiple %mul3A_2, 8 : i32
    %eq3A = arith.constant 0 : i32
    %eq3A_3 = arith.cmpi eq, %arg0, %eq3A : i32
    %lt3A = arith.constant 15 : i32
    %lt3A_4 = arith.cmpi slt, %arg1, %lt3A : i32
    %and3A = arith.andi %eq3A_3, %lt3A_4 : i1
    %convert_element_type3A = arith.extui %and3A : i1 to i32
    %cond3A = arith.constant 0 : i32
    %cond3A_5 = arith.cmpi ne, %convert_element_type3A, %cond3A : i32
    scf.if %cond3A_5 {
      "tpu.region"() ({
        %run_scoped3A = tpu.sem_alloc : memref<!tpu.dma_semaphore, #tpu.memory_space<semaphore_mem>>
        %dma_start3A_141 = arith.constant 0 : i32
        %dma_start3A_142 = tpu.memref_slice %arg18[%multiple_of3A, %dma_start3A_141] : memref<10000x128xf32, #tpu.memory_space<vmem_shared>> -> memref<640x128xf32, #tpu.memory_space<vmem_shared>>
        %dma_start3A_143 = arith.constant 0 : i32
        %dma_start3A_144 = tpu.memref_slice %arg2[%multiple_of3A, %dma_start3A_143] : memref<10000x128xf32, #tpu.memory_space<hbm>> -> memref<640x128xf32, #tpu.memory_space<hbm>>
        tpu.enqueue_dma source(%dma_start3A_144 : memref<640x128xf32, #tpu.memory_space<hbm>>) target(%dma_start3A_142 : memref<640x128xf32, #tpu.memory_space<vmem_shared>>) target_semaphore(%run_scoped3A : memref<!tpu.dma_semaphore, #tpu.memory_space<semaphore_mem>>)
        %dma_wait3A = arith.constant 0 : i32
        %dma_wait3A_145 = tpu.memref_slice %arg18[%multiple_of3A, %dma_wait3A] : memref<10000x128xf32, #tpu.memory_space<vmem_shared>> -> memref<640x128xf32, #tpu.memory_space<vmem_shared>>
        %dma_wait3A_146 = arith.constant 0 : i32
        %dma_wait3A_147 = tpu.memref_slice %arg2[%multiple_of3A, %dma_wait3A_146] : memref<10000x128xf32, #tpu.memory_space<hbm>> -> memref<640x128xf32, #tpu.memory_space<hbm>>
        tpu.wait_dma2 semaphore(%run_scoped3A : memref<!tpu.dma_semaphore, #tpu.memory_space<semaphore_mem>>) src(%dma_wait3A_147 : memref<640x128xf32, #tpu.memory_space<hbm>>) dst(%dma_wait3A_145 : memref<640x128xf32, #tpu.memory_space<vmem_shared>>)
        tpu.yield
      }) : () -> ()
    } else {
    }
    %eq3A_6 = arith.constant 0 : i32
    %eq3A_7 = arith.cmpi eq, %arg0, %eq3A_6 : i32
    %eq3A_8 = arith.constant 15 : i32
    %eq3A_9 = arith.cmpi eq, %arg1, %eq3A_8 : i32
    %and3A_10 = arith.andi %eq3A_7, %eq3A_9 : i1
    %convert_element_type3A_11 = arith.extui %and3A_10 : i1 to i32
    %cond3A_12 = arith.constant 0 : i32
    %cond3A_13 = arith.cmpi ne, %convert_element_type3A_11, %cond3A_12 : i32
    scf.if %cond3A_13 {
      "tpu.region"() ({
        %run_scoped3A = tpu.sem_alloc : memref<!tpu.dma_semaphore, #tpu.memory_space<semaphore_mem>>
        %dma_start3A_141 = arith.constant 0 : i32
        %dma_start3A_142 = tpu.memref_slice %arg18[%multiple_of3A, %dma_start3A_141] : memref<10000x128xf32, #tpu.memory_space<vmem_shared>> -> memref<400x128xf32, #tpu.memory_space<vmem_shared>>
        %dma_start3A_143 = arith.constant 0 : i32
        %dma_start3A_144 = tpu.memref_slice %arg2[%multiple_of3A, %dma_start3A_143] : memref<10000x128xf32, #tpu.memory_space<hbm>> -> memref<400x128xf32, #tpu.memory_space<hbm>>
        tpu.enqueue_dma source(%dma_start3A_144 : memref<400x128xf32, #tpu.memory_space<hbm>>) target(%dma_start3A_142 : memref<400x128xf32, #tpu.memory_space<vmem_shared>>) target_semaphore(%run_scoped3A : memref<!tpu.dma_semaphore, #tpu.memory_space<semaphore_mem>>)
        %dma_wait3A = arith.constant 0 : i32
        %dma_wait3A_145 = tpu.memref_slice %arg18[%multiple_of3A, %dma_wait3A] : memref<10000x128xf32, #tpu.memory_space<vmem_shared>> -> memref<400x128xf32, #tpu.memory_space<vmem_shared>>
        %dma_wait3A_146 = arith.constant 0 : i32
        %dma_wait3A_147 = tpu.memref_slice %arg2[%multiple_of3A, %dma_wait3A_146] : memref<10000x128xf32, #tpu.memory_space<hbm>> -> memref<400x128xf32, #tpu.memory_space<hbm>>
        tpu.wait_dma2 semaphore(%run_scoped3A : memref<!tpu.dma_semaphore, #tpu.memory_space<semaphore_mem>>) src(%dma_wait3A_147 : memref<400x128xf32, #tpu.memory_space<hbm>>) dst(%dma_wait3A_145 : memref<400x128xf32, #tpu.memory_space<vmem_shared>>)
        tpu.yield
      }) : () -> ()
    } else {
    }
    %ne3A = arith.constant 0 : i32
    %ne3A_14 = arith.cmpi ne, %arg0, %ne3A : i32
    %convert_element_type3A_15 = arith.extui %ne3A_14 : i1 to i32
    %cond3A_16 = arith.constant 0 : i32
    %cond3A_17 = arith.cmpi ne, %convert_element_type3A_15, %cond3A_16 : i32
    scf.if %cond3A_17 {
      %broadcast_in_dim3A = arith.constant 0.000000e+00 : f32
      %broadcast_in_dim3A_141 = vector.broadcast %broadcast_in_dim3A : f32 to vector<16xf32>
      %scan3A_142 = arith.constant 0 : i32
      %scan3A_143 = arith.constant 0 : i32
      %scan3A_144 = arith.constant 640 : i32
      %scan3A_145 = arith.addi %scan3A_143, %scan3A_144 : i32
      %scan3A_146 = arith.constant 1 : i32
      %scan3A_147 = scf.for %scan3A_149 = %scan3A_143 to %scan3A_145 step %scan3A_146 iter_args(%scan3A_150 = %scan3A_142) -> (i32)  : i32 {
        %jit3A = arith.constant 8 : i32
        %div3A = arith.divsi %scan3A_149, %jit3A : i32
        %sign3A = arith.constant 0 : i32
        %sign3A_151 = arith.cmpi sgt, %scan3A_149, %sign3A : i32
        %sign3A_152 = arith.extui %sign3A_151 : i1 to i32
        %sign3A_153 = arith.constant 0 : i32
        %sign3A_154 = arith.cmpi slt, %scan3A_149, %sign3A_153 : i32
        %sign3A_155 = arith.extui %sign3A_154 : i1 to i32
        %sign3A_156 = arith.subi %sign3A_152, %sign3A_155 : i32
        %sign3A_157 = arith.constant 0 : i32
        %sign3A_158 = arith.cmpi sgt, %jit3A, %sign3A_157 : i32
        %sign3A_159 = arith.extui %sign3A_158 : i1 to i32
        %sign3A_160 = arith.constant 0 : i32
        %sign3A_161 = arith.cmpi slt, %jit3A, %sign3A_160 : i32
        %sign3A_162 = arith.extui %sign3A_161 : i1 to i32
        %sign3A_163 = arith.subi %sign3A_159, %sign3A_162 : i32
        %ne3A_164 = arith.cmpi ne, %sign3A_156, %sign3A_163 : i32
        %rem3A = arith.remsi %scan3A_149, %jit3A : i32
        %ne3A_165 = arith.constant 0 : i32
        %ne3A_166 = arith.cmpi ne, %rem3A, %ne3A_165 : i32
        %and3A_167 = arith.andi %ne3A_164, %ne3A_166 : i1
        %sub3A = arith.constant 1 : i32
        %sub3A_168 = arith.subi %div3A, %sub3A : i32
        %select_n3A = arith.select %and3A_167, %sub3A_168, %div3A : i32
        %jit3A_169 = arith.constant 8 : i32
        %eq3A_170 = arith.constant 0 : i32
        %eq3A_171 = arith.cmpi eq, %jit3A_169, %eq3A_170 : i32
        %jit3A_172 = arith.constant 1 : i32
        %select_n3A_173 = arith.select %eq3A_171, %jit3A_172, %jit3A_169 : i32
        %rem3A_174 = arith.remsi %scan3A_149, %select_n3A_173 : i32
        %ne3A_175 = arith.constant 0 : i32
        %ne3A_176 = arith.cmpi ne, %rem3A_174, %ne3A_175 : i32
        %lt3A_177 = arith.constant 0 : i32
        %lt3A_178 = arith.cmpi slt, %rem3A_174, %lt3A_177 : i32
        %lt3A_179 = arith.constant 0 : i32
        %lt3A_180 = arith.cmpi slt, %select_n3A_173, %lt3A_179 : i32
        %ne3A_181 = arith.xori %lt3A_178, %lt3A_180 : i1
        %and3A_182 = arith.andi %ne3A_181, %ne3A_176 : i1
        %add3A_183 = arith.addi %rem3A_174, %select_n3A_173 : i32
        %select_n3A_184 = arith.select %and3A_182, %add3A_183, %rem3A_174 : i32
        %mul3A_185 = arith.constant 16 : i32
        %mul3A_186 = arith.muli %select_n3A_184, %mul3A_185 : i32
        %swap3A = arith.index_cast %select_n3A : i32 to index
        %swap3A_187 = arith.index_cast %mul3A_186 : i32 to index
        %swap3A_188 = tpu.vector_load %arg9[%swap3A, %swap3A_187] {strides = array<i32>} : memref<80x128xf32, #tpu.memory_space<vmem>>, vector<16xf32>,
        tpu.vector_store %arg9[%swap3A, %swap3A_187], %broadcast_in_dim3A_141 {strides = array<i32>} : memref<80x128xf32, #tpu.memory_space<vmem>>, vector<16xf32>,
        %scan3A_189 = arith.constant 0 : i32
        scf.yield %scan3A_189 : i32
      }
      %scan3A_148 = arith.constant 640 : i32
    } else {
    }
    %ne3A_18 = arith.constant 0 : i32
    %ne3A_19 = arith.cmpi ne, %arg0, %ne3A_18 : i32
    %lt3A_20 = arith.constant 15 : i32
    %lt3A_21 = arith.cmpi slt, %arg1, %lt3A_20 : i32
    %and3A_22 = arith.andi %ne3A_19, %lt3A_21 : i1
    %convert_element_type3A_23 = arith.extui %and3A_22 : i1 to i32
    %cond3A_24 = arith.constant 0 : i32
    %cond3A_25 = arith.cmpi ne, %convert_element_type3A_23, %cond3A_24 : i32
    scf.if %cond3A_25 {
      %add3A_141 = arith.constant 0 : i32
      %add3A_142 = arith.addi %multiple_of3A, %add3A_141 : i32
      %multiple_of3A_143 = tpu.assume_multiple %add3A_142, 8 : i32
      "tpu.region"() ({
        %run_scoped3A = tpu.sem_alloc : memref<!tpu.dma_semaphore, #tpu.memory_space<semaphore_mem>>
        %dma_start3A_165 = arith.constant 0 : i32
        %dma_start3A_166 = tpu.memref_slice %arg18[%multiple_of3A_143, %dma_start3A_165] : memref<10000x128xf32, #tpu.memory_space<vmem_shared>> -> memref<80x128xf32, #tpu.memory_space<vmem_shared>>
        %dma_start3A_167 = arith.constant 0 : i32
        %dma_start3A_168 = tpu.memref_slice %arg18[%multiple_of3A_143, %dma_start3A_167] : memref<10000x128xf32, #tpu.memory_space<vmem_shared>> -> memref<80x128xf32, #tpu.memory_space<vmem_shared>>
        tpu.enqueue_dma source(%arg9 : memref<80x128xf32, #tpu.memory_space<vmem>>) target(%dma_start3A_168 : memref<80x128xf32, #tpu.memory_space<vmem_shared>>) target_semaphore(%run_scoped3A : memref<!tpu.dma_semaphore, #tpu.memory_space<semaphore_mem>>)
        %dma_wait3A = arith.constant 0 : i32
        %dma_wait3A_169 = tpu.memref_slice %arg18[%multiple_of3A_143, %dma_wait3A] : memref<10000x128xf32, #tpu.memory_space<vmem_shared>> -> memref<80x128xf32, #tpu.memory_space<vmem_shared>>
        %dma_wait3A_170 = arith.constant 0 : i32
        %dma_wait3A_171 = tpu.memref_slice %arg18[%multiple_of3A_143, %dma_wait3A_170] : memref<10000x128xf32, #tpu.memory_space<vmem_shared>> -> memref<80x128xf32, #tpu.memory_space<vmem_shared>>
        tpu.wait_dma2 semaphore(%run_scoped3A : memref<!tpu.dma_semaphore, #tpu.memory_space<semaphore_mem>>) src(%arg9 : memref<80x128xf32, #tpu.memory_space<vmem>>) dst(%dma_wait3A_171 : memref<80x128xf32, #tpu.memory_space<vmem_shared>>)
        tpu.yield
      }) : () -> ()
      %add3A_144 = arith.constant 80 : i32
      %add3A_145 = arith.addi %multiple_of3A, %add3A_144 : i32
      %multiple_of3A_146 = tpu.assume_multiple %add3A_145, 8 : i32
      "tpu.region"() ({
        %run_scoped3A = tpu.sem_alloc : memref<!tpu.dma_semaphore, #tpu.memory_space<semaphore_mem>>
        %dma_start3A_165 = arith.constant 0 : i32
        %dma_start3A_166 = tpu.memref_slice %arg18[%multiple_of3A_146, %dma_start3A_165] : memref<10000x128xf32, #tpu.memory_space<vmem_shared>> -> memref<80x128xf32, #tpu.memory_space<vmem_shared>>
        %dma_start3A_167 = arith.constant 0 : i32
        %dma_start3A_168 = tpu.memref_slice %arg18[%multiple_of3A_146, %dma_start3A_167] : memref<10000x128xf32, #tpu.memory_space<vmem_shared>> -> memref<80x128xf32, #tpu.memory_space<vmem_shared>>
        tpu.enqueue_dma source(%arg9 : memref<80x128xf32, #tpu.memory_space<vmem>>) target(%dma_start3A_168 : memref<80x128xf32, #tpu.memory_space<vmem_shared>>) target_semaphore(%run_scoped3A : memref<!tpu.dma_semaphore, #tpu.memory_space<semaphore_mem>>)
        %dma_wait3A = arith.constant 0 : i32
        %dma_wait3A_169 = tpu.memref_slice %arg18[%multiple_of3A_146, %dma_wait3A] : memref<10000x128xf32, #tpu.memory_space<vmem_shared>> -> memref<80x128xf32, #tpu.memory_space<vmem_shared>>
        %dma_wait3A_170 = arith.constant 0 : i32
        %dma_wait3A_171 = tpu.memref_slice %arg18[%multiple_of3A_146, %dma_wait3A_170] : memref<10000x128xf32, #tpu.memory_space<vmem_shared>> -> memref<80x128xf32, #tpu.memory_space<vmem_shared>>
        tpu.wait_dma2 semaphore(%run_scoped3A : memref<!tpu.dma_semaphore, #tpu.memory_space<semaphore_mem>>) src(%arg9 : memref<80x128xf32, #tpu.memory_space<vmem>>) dst(%dma_wait3A_171 : memref<80x128xf32, #tpu.memory_space<vmem_shared>>)
        tpu.yield
      }) : () -> ()
      %add3A_147 = arith.constant 160 : i32
      %add3A_148 = arith.addi %multiple_of3A, %add3A_147 : i32
      %multiple_of3A_149 = tpu.assume_multiple %add3A_148, 8 : i32
      "tpu.region"() ({
        %run_scoped3A = tpu.sem_alloc : memref<!tpu.dma_semaphore, #tpu.memory_space<semaphore_mem>>
        %dma_start3A_165 = arith.constant 0 : i32
        %dma_start3A_166 = tpu.memref_slice %arg18[%multiple_of3A_149, %dma_start3A_165] : memref<10000x128xf32, #tpu.memory_space<vmem_shared>> -> memref<80x128xf32, #tpu.memory_space<vmem_shared>>
        %dma_start3A_167 = arith.constant 0 : i32
        %dma_start3A_168 = tpu.memref_slice %arg18[%multiple_of3A_149, %dma_start3A_167] : memref<10000x128xf32, #tpu.memory_space<vmem_shared>> -> memref<80x128xf32, #tpu.memory_space<vmem_shared>>
        tpu.enqueue_dma source(%arg9 : memref<80x128xf32, #tpu.memory_space<vmem>>) target(%dma_start3A_168 : memref<80x128xf32, #tpu.memory_space<vmem_shared>>) target_semaphore(%run_scoped3A : memref<!tpu.dma_semaphore, #tpu.memory_space<semaphore_mem>>)
        %dma_wait3A = arith.constant 0 : i32
        %dma_wait3A_169 = tpu.memref_slice %arg18[%multiple_of3A_149, %dma_wait3A] : memref<10000x128xf32, #tpu.memory_space<vmem_shared>> -> memref<80x128xf32, #tpu.memory_space<vmem_shared>>
        %dma_wait3A_170 = arith.constant 0 : i32
        %dma_wait3A_171 = tpu.memref_slice %arg18[%multiple_of3A_149, %dma_wait3A_170] : memref<10000x128xf32, #tpu.memory_space<vmem_shared>> -> memref<80x128xf32, #tpu.memory_space<vmem_shared>>
        tpu.wait_dma2 semaphore(%run_scoped3A : memref<!tpu.dma_semaphore, #tpu.memory_space<semaphore_mem>>) src(%arg9 : memref<80x128xf32, #tpu.memory_space<vmem>>) dst(%dma_wait3A_171 : memref<80x128xf32, #tpu.memory_space<vmem_shared>>)
        tpu.yield
      }) : () -> ()
      %add3A_150 = arith.constant 240 : i32
      %add3A_151 = arith.addi %multiple_of3A, %add3A_150 : i32
      %multiple_of3A_152 = tpu.assume_multiple %add3A_151, 8 : i32
      "tpu.region"() ({
        %run_scoped3A = tpu.sem_alloc : memref<!tpu.dma_semaphore, #tpu.memory_space<semaphore_mem>>
        %dma_start3A_165 = arith.constant 0 : i32
        %dma_start3A_166 = tpu.memref_slice %arg18[%multiple_of3A_152, %dma_start3A_165] : memref<10000x128xf32, #tpu.memory_space<vmem_shared>> -> memref<80x128xf32, #tpu.memory_space<vmem_shared>>
        %dma_start3A_167 = arith.constant 0 : i32
        %dma_start3A_168 = tpu.memref_slice %arg18[%multiple_of3A_152, %dma_start3A_167] : memref<10000x128xf32, #tpu.memory_space<vmem_shared>> -> memref<80x128xf32, #tpu.memory_space<vmem_shared>>
        tpu.enqueue_dma source(%arg9 : memref<80x128xf32, #tpu.memory_space<vmem>>) target(%dma_start3A_168 : memref<80x128xf32, #tpu.memory_space<vmem_shared>>) target_semaphore(%run_scoped3A : memref<!tpu.dma_semaphore, #tpu.memory_space<semaphore_mem>>)
        %dma_wait3A = arith.constant 0 : i32
        %dma_wait3A_169 = tpu.memref_slice %arg18[%multiple_of3A_152, %dma_wait3A] : memref<10000x128xf32, #tpu.memory_space<vmem_shared>> -> memref<80x128xf32, #tpu.memory_space<vmem_shared>>
        %dma_wait3A_170 = arith.constant 0 : i32
        %dma_wait3A_171 = tpu.memref_slice %arg18[%multiple_of3A_152, %dma_wait3A_170] : memref<10000x128xf32, #tpu.memory_space<vmem_shared>> -> memref<80x128xf32, #tpu.memory_space<vmem_shared>>
        tpu.wait_dma2 semaphore(%run_scoped3A : memref<!tpu.dma_semaphore, #tpu.memory_space<semaphore_mem>>) src(%arg9 : memref<80x128xf32, #tpu.memory_space<vmem>>) dst(%dma_wait3A_171 : memref<80x128xf32, #tpu.memory_space<vmem_shared>>)
        tpu.yield
      }) : () -> ()
      %add3A_153 = arith.constant 320 : i32
      %add3A_154 = arith.addi %multiple_of3A, %add3A_153 : i32
      %multiple_of3A_155 = tpu.assume_multiple %add3A_154, 8 : i32
      "tpu.region"() ({
        %run_scoped3A = tpu.sem_alloc : memref<!tpu.dma_semaphore, #tpu.memory_space<semaphore_mem>>
        %dma_start3A_165 = arith.constant 0 : i32
        %dma_start3A_166 = tpu.memref_slice %arg18[%multiple_of3A_155, %dma_start3A_165] : memref<10000x128xf32, #tpu.memory_space<vmem_shared>> -> memref<80x128xf32, #tpu.memory_space<vmem_shared>>
        %dma_start3A_167 = arith.constant 0 : i32
        %dma_start3A_168 = tpu.memref_slice %arg18[%multiple_of3A_155, %dma_start3A_167] : memref<10000x128xf32, #tpu.memory_space<vmem_shared>> -> memref<80x128xf32, #tpu.memory_space<vmem_shared>>
        tpu.enqueue_dma source(%arg9 : memref<80x128xf32, #tpu.memory_space<vmem>>) target(%dma_start3A_168 : memref<80x128xf32, #tpu.memory_space<vmem_shared>>) target_semaphore(%run_scoped3A : memref<!tpu.dma_semaphore, #tpu.memory_space<semaphore_mem>>)
        %dma_wait3A = arith.constant 0 : i32
        %dma_wait3A_169 = tpu.memref_slice %arg18[%multiple_of3A_155, %dma_wait3A] : memref<10000x128xf32, #tpu.memory_space<vmem_shared>> -> memref<80x128xf32, #tpu.memory_space<vmem_shared>>
        %dma_wait3A_170 = arith.constant 0 : i32
        %dma_wait3A_171 = tpu.memref_slice %arg18[%multiple_of3A_155, %dma_wait3A_170] : memref<10000x128xf32, #tpu.memory_space<vmem_shared>> -> memref<80x128xf32, #tpu.memory_space<vmem_shared>>
        tpu.wait_dma2 semaphore(%run_scoped3A : memref<!tpu.dma_semaphore, #tpu.memory_space<semaphore_mem>>) src(%arg9 : memref<80x128xf32, #tpu.memory_space<vmem>>) dst(%dma_wait3A_171 : memref<80x128xf32, #tpu.memory_space<vmem_shared>>)
        tpu.yield
      }) : () -> ()
      %add3A_156 = arith.constant 400 : i32
      %add3A_157 = arith.addi %multiple_of3A, %add3A_156 : i32
      %multiple_of3A_158 = tpu.assume_multiple %add3A_157, 8 : i32
      "tpu.region"() ({
        %run_scoped3A = tpu.sem_alloc : memref<!tpu.dma_semaphore, #tpu.memory_space<semaphore_mem>>
        %dma_start3A_165 = arith.constant 0 : i32
        %dma_start3A_166 = tpu.memref_slice %arg18[%multiple_of3A_158, %dma_start3A_165] : memref<10000x128xf32, #tpu.memory_space<vmem_shared>> -> memref<80x128xf32, #tpu.memory_space<vmem_shared>>
        %dma_start3A_167 = arith.constant 0 : i32
        %dma_start3A_168 = tpu.memref_slice %arg18[%multiple_of3A_158, %dma_start3A_167] : memref<10000x128xf32, #tpu.memory_space<vmem_shared>> -> memref<80x128xf32, #tpu.memory_space<vmem_shared>>
        tpu.enqueue_dma source(%arg9 : memref<80x128xf32, #tpu.memory_space<vmem>>) target(%dma_start3A_168 : memref<80x128xf32, #tpu.memory_space<vmem_shared>>) target_semaphore(%run_scoped3A : memref<!tpu.dma_semaphore, #tpu.memory_space<semaphore_mem>>)
        %dma_wait3A = arith.constant 0 : i32
        %dma_wait3A_169 = tpu.memref_slice %arg18[%multiple_of3A_158, %dma_wait3A] : memref<10000x128xf32, #tpu.memory_space<vmem_shared>> -> memref<80x128xf32, #tpu.memory_space<vmem_shared>>
        %dma_wait3A_170 = arith.constant 0 : i32
        %dma_wait3A_171 = tpu.memref_slice %arg18[%multiple_of3A_158, %dma_wait3A_170] : memref<10000x128xf32, #tpu.memory_space<vmem_shared>> -> memref<80x128xf32, #tpu.memory_space<vmem_shared>>
        tpu.wait_dma2 semaphore(%run_scoped3A : memref<!tpu.dma_semaphore, #tpu.memory_space<semaphore_mem>>) src(%arg9 : memref<80x128xf32, #tpu.memory_space<vmem>>) dst(%dma_wait3A_171 : memref<80x128xf32, #tpu.memory_space<vmem_shared>>)
        tpu.yield
      }) : () -> ()
      %add3A_159 = arith.constant 480 : i32
      %add3A_160 = arith.addi %multiple_of3A, %add3A_159 : i32
      %multiple_of3A_161 = tpu.assume_multiple %add3A_160, 8 : i32
      "tpu.region"() ({
        %run_scoped3A = tpu.sem_alloc : memref<!tpu.dma_semaphore, #tpu.memory_space<semaphore_mem>>
        %dma_start3A_165 = arith.constant 0 : i32
        %dma_start3A_166 = tpu.memref_slice %arg18[%multiple_of3A_161, %dma_start3A_165] : memref<10000x128xf32, #tpu.memory_space<vmem_shared>> -> memref<80x128xf32, #tpu.memory_space<vmem_shared>>
        %dma_start3A_167 = arith.constant 0 : i32
        %dma_start3A_168 = tpu.memref_slice %arg18[%multiple_of3A_161, %dma_start3A_167] : memref<10000x128xf32, #tpu.memory_space<vmem_shared>> -> memref<80x128xf32, #tpu.memory_space<vmem_shared>>
        tpu.enqueue_dma source(%arg9 : memref<80x128xf32, #tpu.memory_space<vmem>>) target(%dma_start3A_168 : memref<80x128xf32, #tpu.memory_space<vmem_shared>>) target_semaphore(%run_scoped3A : memref<!tpu.dma_semaphore, #tpu.memory_space<semaphore_mem>>)
        %dma_wait3A = arith.constant 0 : i32
        %dma_wait3A_169 = tpu.memref_slice %arg18[%multiple_of3A_161, %dma_wait3A] : memref<10000x128xf32, #tpu.memory_space<vmem_shared>> -> memref<80x128xf32, #tpu.memory_space<vmem_shared>>
        %dma_wait3A_170 = arith.constant 0 : i32
        %dma_wait3A_171 = tpu.memref_slice %arg18[%multiple_of3A_161, %dma_wait3A_170] : memref<10000x128xf32, #tpu.memory_space<vmem_shared>> -> memref<80x128xf32, #tpu.memory_space<vmem_shared>>
        tpu.wait_dma2 semaphore(%run_scoped3A : memref<!tpu.dma_semaphore, #tpu.memory_space<semaphore_mem>>) src(%arg9 : memref<80x128xf32, #tpu.memory_space<vmem>>) dst(%dma_wait3A_171 : memref<80x128xf32, #tpu.memory_space<vmem_shared>>)
        tpu.yield
      }) : () -> ()
      %add3A_162 = arith.constant 560 : i32
      %add3A_163 = arith.addi %multiple_of3A, %add3A_162 : i32
      %multiple_of3A_164 = tpu.assume_multiple %add3A_163, 8 : i32
      "tpu.region"() ({
        %run_scoped3A = tpu.sem_alloc : memref<!tpu.dma_semaphore, #tpu.memory_space<semaphore_mem>>
        %dma_start3A_165 = arith.constant 0 : i32
        %dma_start3A_166 = tpu.memref_slice %arg18[%multiple_of3A_164, %dma_start3A_165] : memref<10000x128xf32, #tpu.memory_space<vmem_shared>> -> memref<80x128xf32, #tpu.memory_space<vmem_shared>>
        %dma_start3A_167 = arith.constant 0 : i32
        %dma_start3A_168 = tpu.memref_slice %arg18[%multiple_of3A_164, %dma_start3A_167] : memref<10000x128xf32, #tpu.memory_space<vmem_shared>> -> memref<80x128xf32, #tpu.memory_space<vmem_shared>>
        tpu.enqueue_dma source(%arg9 : memref<80x128xf32, #tpu.memory_space<vmem>>) target(%dma_start3A_168 : memref<80x128xf32, #tpu.memory_space<vmem_shared>>) target_semaphore(%run_scoped3A : memref<!tpu.dma_semaphore, #tpu.memory_space<semaphore_mem>>)
        %dma_wait3A = arith.constant 0 : i32
        %dma_wait3A_169 = tpu.memref_slice %arg18[%multiple_of3A_164, %dma_wait3A] : memref<10000x128xf32, #tpu.memory_space<vmem_shared>> -> memref<80x128xf32, #tpu.memory_space<vmem_shared>>
        %dma_wait3A_170 = arith.constant 0 : i32
        %dma_wait3A_171 = tpu.memref_slice %arg18[%multiple_of3A_164, %dma_wait3A_170] : memref<10000x128xf32, #tpu.memory_space<vmem_shared>> -> memref<80x128xf32, #tpu.memory_space<vmem_shared>>
        tpu.wait_dma2 semaphore(%run_scoped3A : memref<!tpu.dma_semaphore, #tpu.memory_space<semaphore_mem>>) src(%arg9 : memref<80x128xf32, #tpu.memory_space<vmem>>) dst(%dma_wait3A_171 : memref<80x128xf32, #tpu.memory_space<vmem_shared>>)
        tpu.yield
      }) : () -> ()
    } else {
    }
    %ne3A_26 = arith.constant 0 : i32
    %ne3A_27 = arith.cmpi ne, %arg0, %ne3A_26 : i32
    %eq3A_28 = arith.constant 15 : i32
    %eq3A_29 = arith.cmpi eq, %arg1, %eq3A_28 : i32
    %and3A_30 = arith.andi %ne3A_27, %eq3A_29 : i1
    %convert_element_type3A_31 = arith.extui %and3A_30 : i1 to i32
    %cond3A_32 = arith.constant 0 : i32
    %cond3A_33 = arith.cmpi ne, %convert_element_type3A_31, %cond3A_32 : i32
    scf.if %cond3A_33 {
      %add3A_141 = arith.constant 0 : i32
      %add3A_142 = arith.addi %multiple_of3A, %add3A_141 : i32
      %multiple_of3A_143 = tpu.assume_multiple %add3A_142, 8 : i32
      "tpu.region"() ({
        %run_scoped3A = tpu.sem_alloc : memref<!tpu.dma_semaphore, #tpu.memory_space<semaphore_mem>>
        %dma_start3A_156 = arith.constant 0 : i32
        %dma_start3A_157 = tpu.memref_slice %arg18[%multiple_of3A_143, %dma_start3A_156] : memref<10000x128xf32, #tpu.memory_space<vmem_shared>> -> memref<80x128xf32, #tpu.memory_space<vmem_shared>>
        %dma_start3A_158 = arith.constant 0 : i32
        %dma_start3A_159 = tpu.memref_slice %arg18[%multiple_of3A_143, %dma_start3A_158] : memref<10000x128xf32, #tpu.memory_space<vmem_shared>> -> memref<80x128xf32, #tpu.memory_space<vmem_shared>>
        tpu.enqueue_dma source(%arg9 : memref<80x128xf32, #tpu.memory_space<vmem>>) target(%dma_start3A_159 : memref<80x128xf32, #tpu.memory_space<vmem_shared>>) target_semaphore(%run_scoped3A : memref<!tpu.dma_semaphore, #tpu.memory_space<semaphore_mem>>)
        %dma_wait3A = arith.constant 0 : i32
        %dma_wait3A_160 = tpu.memref_slice %arg18[%multiple_of3A_143, %dma_wait3A] : memref<10000x128xf32, #tpu.memory_space<vmem_shared>> -> memref<80x128xf32, #tpu.memory_space<vmem_shared>>
        %dma_wait3A_161 = arith.constant 0 : i32
        %dma_wait3A_162 = tpu.memref_slice %arg18[%multiple_of3A_143, %dma_wait3A_161] : memref<10000x128xf32, #tpu.memory_space<vmem_shared>> -> memref<80x128xf32, #tpu.memory_space<vmem_shared>>
        tpu.wait_dma2 semaphore(%run_scoped3A : memref<!tpu.dma_semaphore, #tpu.memory_space<semaphore_mem>>) src(%arg9 : memref<80x128xf32, #tpu.memory_space<vmem>>) dst(%dma_wait3A_162 : memref<80x128xf32, #tpu.memory_space<vmem_shared>>)
        tpu.yield
      }) : () -> ()
      %add3A_144 = arith.constant 80 : i32
      %add3A_145 = arith.addi %multiple_of3A, %add3A_144 : i32
      %multiple_of3A_146 = tpu.assume_multiple %add3A_145, 8 : i32
      "tpu.region"() ({
        %run_scoped3A = tpu.sem_alloc : memref<!tpu.dma_semaphore, #tpu.memory_space<semaphore_mem>>
        %dma_start3A_156 = arith.constant 0 : i32
        %dma_start3A_157 = tpu.memref_slice %arg18[%multiple_of3A_146, %dma_start3A_156] : memref<10000x128xf32, #tpu.memory_space<vmem_shared>> -> memref<80x128xf32, #tpu.memory_space<vmem_shared>>
        %dma_start3A_158 = arith.constant 0 : i32
        %dma_start3A_159 = tpu.memref_slice %arg18[%multiple_of3A_146, %dma_start3A_158] : memref<10000x128xf32, #tpu.memory_space<vmem_shared>> -> memref<80x128xf32, #tpu.memory_space<vmem_shared>>
        tpu.enqueue_dma source(%arg9 : memref<80x128xf32, #tpu.memory_space<vmem>>) target(%dma_start3A_159 : memref<80x128xf32, #tpu.memory_space<vmem_shared>>) target_semaphore(%run_scoped3A : memref<!tpu.dma_semaphore, #tpu.memory_space<semaphore_mem>>)
        %dma_wait3A = arith.constant 0 : i32
        %dma_wait3A_160 = tpu.memref_slice %arg18[%multiple_of3A_146, %dma_wait3A] : memref<10000x128xf32, #tpu.memory_space<vmem_shared>> -> memref<80x128xf32, #tpu.memory_space<vmem_shared>>
        %dma_wait3A_161 = arith.constant 0 : i32
        %dma_wait3A_162 = tpu.memref_slice %arg18[%multiple_of3A_146, %dma_wait3A_161] : memref<10000x128xf32, #tpu.memory_space<vmem_shared>> -> memref<80x128xf32, #tpu.memory_space<vmem_shared>>
        tpu.wait_dma2 semaphore(%run_scoped3A : memref<!tpu.dma_semaphore, #tpu.memory_space<semaphore_mem>>) src(%arg9 : memref<80x128xf32, #tpu.memory_space<vmem>>) dst(%dma_wait3A_162 : memref<80x128xf32, #tpu.memory_space<vmem_shared>>)
        tpu.yield
      }) : () -> ()
      %add3A_147 = arith.constant 160 : i32
      %add3A_148 = arith.addi %multiple_of3A, %add3A_147 : i32
      %multiple_of3A_149 = tpu.assume_multiple %add3A_148, 8 : i32
      "tpu.region"() ({
        %run_scoped3A = tpu.sem_alloc : memref<!tpu.dma_semaphore, #tpu.memory_space<semaphore_mem>>
        %dma_start3A_156 = arith.constant 0 : i32
        %dma_start3A_157 = tpu.memref_slice %arg18[%multiple_of3A_149, %dma_start3A_156] : memref<10000x128xf32, #tpu.memory_space<vmem_shared>> -> memref<80x128xf32, #tpu.memory_space<vmem_shared>>
        %dma_start3A_158 = arith.constant 0 : i32
        %dma_start3A_159 = tpu.memref_slice %arg18[%multiple_of3A_149, %dma_start3A_158] : memref<10000x128xf32, #tpu.memory_space<vmem_shared>> -> memref<80x128xf32, #tpu.memory_space<vmem_shared>>
        tpu.enqueue_dma source(%arg9 : memref<80x128xf32, #tpu.memory_space<vmem>>) target(%dma_start3A_159 : memref<80x128xf32, #tpu.memory_space<vmem_shared>>) target_semaphore(%run_scoped3A : memref<!tpu.dma_semaphore, #tpu.memory_space<semaphore_mem>>)
        %dma_wait3A = arith.constant 0 : i32
        %dma_wait3A_160 = tpu.memref_slice %arg18[%multiple_of3A_149, %dma_wait3A] : memref<10000x128xf32, #tpu.memory_space<vmem_shared>> -> memref<80x128xf32, #tpu.memory_space<vmem_shared>>
        %dma_wait3A_161 = arith.constant 0 : i32
        %dma_wait3A_162 = tpu.memref_slice %arg18[%multiple_of3A_149, %dma_wait3A_161] : memref<10000x128xf32, #tpu.memory_space<vmem_shared>> -> memref<80x128xf32, #tpu.memory_space<vmem_shared>>
        tpu.wait_dma2 semaphore(%run_scoped3A : memref<!tpu.dma_semaphore, #tpu.memory_space<semaphore_mem>>) src(%arg9 : memref<80x128xf32, #tpu.memory_space<vmem>>) dst(%dma_wait3A_162 : memref<80x128xf32, #tpu.memory_space<vmem_shared>>)
        tpu.yield
      }) : () -> ()
      %add3A_150 = arith.constant 240 : i32
      %add3A_151 = arith.addi %multiple_of3A, %add3A_150 : i32
      %multiple_of3A_152 = tpu.assume_multiple %add3A_151, 8 : i32
      "tpu.region"() ({
        %run_scoped3A = tpu.sem_alloc : memref<!tpu.dma_semaphore, #tpu.memory_space<semaphore_mem>>
        %dma_start3A_156 = arith.constant 0 : i32
        %dma_start3A_157 = tpu.memref_slice %arg18[%multiple_of3A_152, %dma_start3A_156] : memref<10000x128xf32, #tpu.memory_space<vmem_shared>> -> memref<80x128xf32, #tpu.memory_space<vmem_shared>>
        %dma_start3A_158 = arith.constant 0 : i32
        %dma_start3A_159 = tpu.memref_slice %arg18[%multiple_of3A_152, %dma_start3A_158] : memref<10000x128xf32, #tpu.memory_space<vmem_shared>> -> memref<80x128xf32, #tpu.memory_space<vmem_shared>>
        tpu.enqueue_dma source(%arg9 : memref<80x128xf32, #tpu.memory_space<vmem>>) target(%dma_start3A_159 : memref<80x128xf32, #tpu.memory_space<vmem_shared>>) target_semaphore(%run_scoped3A : memref<!tpu.dma_semaphore, #tpu.memory_space<semaphore_mem>>)
        %dma_wait3A = arith.constant 0 : i32
        %dma_wait3A_160 = tpu.memref_slice %arg18[%multiple_of3A_152, %dma_wait3A] : memref<10000x128xf32, #tpu.memory_space<vmem_shared>> -> memref<80x128xf32, #tpu.memory_space<vmem_shared>>
        %dma_wait3A_161 = arith.constant 0 : i32
        %dma_wait3A_162 = tpu.memref_slice %arg18[%multiple_of3A_152, %dma_wait3A_161] : memref<10000x128xf32, #tpu.memory_space<vmem_shared>> -> memref<80x128xf32, #tpu.memory_space<vmem_shared>>
        tpu.wait_dma2 semaphore(%run_scoped3A : memref<!tpu.dma_semaphore, #tpu.memory_space<semaphore_mem>>) src(%arg9 : memref<80x128xf32, #tpu.memory_space<vmem>>) dst(%dma_wait3A_162 : memref<80x128xf32, #tpu.memory_space<vmem_shared>>)
        tpu.yield
      }) : () -> ()
      %add3A_153 = arith.constant 320 : i32
      %add3A_154 = arith.addi %multiple_of3A, %add3A_153 : i32
      %multiple_of3A_155 = tpu.assume_multiple %add3A_154, 8 : i32
      "tpu.region"() ({
        %run_scoped3A = tpu.sem_alloc : memref<!tpu.dma_semaphore, #tpu.memory_space<semaphore_mem>>
        %dma_start3A_156 = arith.constant 0 : i32
        %dma_start3A_157 = tpu.memref_slice %arg18[%multiple_of3A_155, %dma_start3A_156] : memref<10000x128xf32, #tpu.memory_space<vmem_shared>> -> memref<80x128xf32, #tpu.memory_space<vmem_shared>>
        %dma_start3A_158 = arith.constant 0 : i32
        %dma_start3A_159 = tpu.memref_slice %arg18[%multiple_of3A_155, %dma_start3A_158] : memref<10000x128xf32, #tpu.memory_space<vmem_shared>> -> memref<80x128xf32, #tpu.memory_space<vmem_shared>>
        tpu.enqueue_dma source(%arg9 : memref<80x128xf32, #tpu.memory_space<vmem>>) target(%dma_start3A_159 : memref<80x128xf32, #tpu.memory_space<vmem_shared>>) target_semaphore(%run_scoped3A : memref<!tpu.dma_semaphore, #tpu.memory_space<semaphore_mem>>)
        %dma_wait3A = arith.constant 0 : i32
        %dma_wait3A_160 = tpu.memref_slice %arg18[%multiple_of3A_155, %dma_wait3A] : memref<10000x128xf32, #tpu.memory_space<vmem_shared>> -> memref<80x128xf32, #tpu.memory_space<vmem_shared>>
        %dma_wait3A_161 = arith.constant 0 : i32
        %dma_wait3A_162 = tpu.memref_slice %arg18[%multiple_of3A_155, %dma_wait3A_161] : memref<10000x128xf32, #tpu.memory_space<vmem_shared>> -> memref<80x128xf32, #tpu.memory_space<vmem_shared>>
        tpu.wait_dma2 semaphore(%run_scoped3A : memref<!tpu.dma_semaphore, #tpu.memory_space<semaphore_mem>>) src(%arg9 : memref<80x128xf32, #tpu.memory_space<vmem>>) dst(%dma_wait3A_162 : memref<80x128xf32, #tpu.memory_space<vmem_shared>>)
        tpu.yield
      }) : () -> ()
    } else {
    }
    %barrier3A = arith.constant 0 : index
    tpu.barrier barrier_id(%barrier3A)
    %mul3A_34 = arith.constant 10000 : i32
    %mul3A_35 = arith.muli %add3A, %mul3A_34 : i32
    %add3A_36 = arith.constant 0 : i32
    %add3A_37 = arith.addi %mul3A_35, %add3A_36 : i32
    %multiple_of3A_38 = tpu.assume_multiple %add3A_37, 8 : i32
    "tpu.region"() ({
      %run_scoped3A = tpu.sem_alloc : memref<!tpu.dma_semaphore, #tpu.memory_space<semaphore_mem>>
      %dma_start3A_141 = arith.constant 0 : i32
      %dma_start3A_142 = tpu.memref_slice %arg5[%dma_start3A_141] : memref<6000xi32, #tpu.memory_space<vmem>> -> memref<6000xi32, #tpu.memory_space<vmem>>
      %dma_start3A_143 = tpu.memref_slice %arg3[%multiple_of3A_38] : memref<640000xi32, #tpu.memory_space<hbm>> -> memref<6000xi32, #tpu.memory_space<hbm>>
      %dma_start3A_144 = arith.constant 0 : i32
      %dma_start3A_145 = tpu.memref_slice %arg5[%dma_start3A_144] : memref<6000xi32, #tpu.memory_space<vmem>> -> memref<6000xi32, #tpu.memory_space<vmem>>
      %dma_start3A_146 = tpu.memref_slice %arg3[%multiple_of3A_38] : memref<640000xi32, #tpu.memory_space<hbm>> -> memref<6000xi32, #tpu.memory_space<hbm>>
      tpu.enqueue_dma source(%dma_start3A_146 : memref<6000xi32, #tpu.memory_space<hbm>>) target(%dma_start3A_145 : memref<6000xi32, #tpu.memory_space<vmem>>) target_semaphore(%run_scoped3A : memref<!tpu.dma_semaphore, #tpu.memory_space<semaphore_mem>>)
      %dma_wait3A = arith.constant 0 : i32
      %dma_wait3A_147 = tpu.memref_slice %arg5[%dma_wait3A] : memref<6000xi32, #tpu.memory_space<vmem>> -> memref<6000xi32, #tpu.memory_space<vmem>>
      %dma_wait3A_148 = tpu.memref_slice %arg3[%multiple_of3A_38] : memref<640000xi32, #tpu.memory_space<hbm>> -> memref<6000xi32, #tpu.memory_space<hbm>>
      %dma_wait3A_149 = arith.constant 0 : i32
      %dma_wait3A_150 = tpu.memref_slice %arg5[%dma_wait3A_149] : memref<6000xi32, #tpu.memory_space<vmem>> -> memref<6000xi32, #tpu.memory_space<vmem>>
      %dma_wait3A_151 = tpu.memref_slice %arg3[%multiple_of3A_38] : memref<640000xi32, #tpu.memory_space<hbm>> -> memref<6000xi32, #tpu.memory_space<hbm>>
      tpu.wait_dma2 semaphore(%run_scoped3A : memref<!tpu.dma_semaphore, #tpu.memory_space<semaphore_mem>>) src(%dma_wait3A_151 : memref<6000xi32, #tpu.memory_space<hbm>>) dst(%dma_wait3A_150 : memref<6000xi32, #tpu.memory_space<vmem>>)
      tpu.yield
    }) : () -> ()
    %mul3A_39 = arith.constant 10000 : i32
    %mul3A_40 = arith.muli %add3A, %mul3A_39 : i32
    %add3A_41 = arith.constant 320000 : i32
    %add3A_42 = arith.addi %add3A_41, %mul3A_40 : i32
    %add3A_43 = arith.constant 0 : i32
    %add3A_44 = arith.addi %add3A_42, %add3A_43 : i32
    %multiple_of3A_45 = tpu.assume_multiple %add3A_44, 8 : i32
    %dma_start3A = tpu.memref_slice %arg3[%multiple_of3A_45] : memref<640000xi32, #tpu.memory_space<hbm>> -> memref<80xi32, #tpu.memory_space<hbm>>
    %dma_start3A_46 = tpu.memref_slice %arg3[%multiple_of3A_45] : memref<640000xi32, #tpu.memory_space<hbm>> -> memref<80xi32, #tpu.memory_space<hbm>>
    tpu.enqueue_dma source(%dma_start3A_46 : memref<80xi32, #tpu.memory_space<hbm>>) target(%arg6 : memref<80xi32, #tpu.memory_space<vmem>>) target_semaphore(%arg15 : memref<!tpu.dma_semaphore, #tpu.memory_space<semaphore_mem>>)
    %mul3A_47 = arith.constant 10000 : i32
    %mul3A_48 = arith.muli %add3A, %mul3A_47 : i32
    %add3A_49 = arith.constant 320000 : i32
    %add3A_50 = arith.addi %add3A_49, %mul3A_48 : i32
    %add3A_51 = arith.constant 80 : i32
    %add3A_52 = arith.addi %add3A_50, %add3A_51 : i32
    %multiple_of3A_53 = tpu.assume_multiple %add3A_52, 8 : i32
    %dma_start3A_54 = tpu.memref_slice %arg3[%multiple_of3A_53] : memref<640000xi32, #tpu.memory_space<hbm>> -> memref<80xi32, #tpu.memory_space<hbm>>
    %dma_start3A_55 = tpu.memref_slice %arg3[%multiple_of3A_53] : memref<640000xi32, #tpu.memory_space<hbm>> -> memref<80xi32, #tpu.memory_space<hbm>>
    tpu.enqueue_dma source(%dma_start3A_55 : memref<80xi32, #tpu.memory_space<hbm>>) target(%arg7 : memref<80xi32, #tpu.memory_space<vmem>>) target_semaphore(%arg16 : memref<!tpu.dma_semaphore, #tpu.memory_space<semaphore_mem>>)
    %dma_start3A_56 = arith.constant 0 : i32
    %dma_start3A_57 = tpu.memref_slice %arg5[%dma_start3A_56] : memref<6000xi32, #tpu.memory_space<vmem>> -> memref<80xi32, #tpu.memory_space<vmem>>
    %dma_start3A_58 = arith.constant 0 : i32
    %dma_start3A_59 = arith.constant 0 : i32
    %dma_start3A_60 = tpu.memref_slice %arg2[%dma_start3A_58, %dma_start3A_59] : memref<10000x128xf32, #tpu.memory_space<hbm>> -> memref<10000x128xf32, #tpu.memory_space<hbm>>
    tpu.enqueue_indirect_dma source(%dma_start3A_60 : memref<10000x128xf32, #tpu.memory_space<hbm>>) target(%arg9 : memref<80x128xf32, #tpu.memory_space<vmem>>) offsets(%dma_start3A_57 : memref<80xi32, #tpu.memory_space<vmem>>) semaphore(%arg12 : memref<!tpu.dma_semaphore, #tpu.memory_space<semaphore_mem>>)
    %dma_start3A_61 = arith.constant 80 : i32
    %dma_start3A_62 = tpu.memref_slice %arg5[%dma_start3A_61] : memref<6000xi32, #tpu.memory_space<vmem>> -> memref<80xi32, #tpu.memory_space<vmem>>
    %dma_start3A_63 = arith.constant 0 : i32
    %dma_start3A_64 = arith.constant 0 : i32
    %dma_start3A_65 = tpu.memref_slice %arg2[%dma_start3A_63, %dma_start3A_64] : memref<10000x128xf32, #tpu.memory_space<hbm>> -> memref<10000x128xf32, #tpu.memory_space<hbm>>
    tpu.enqueue_indirect_dma source(%dma_start3A_65 : memref<10000x128xf32, #tpu.memory_space<hbm>>) target(%arg10 : memref<80x128xf32, #tpu.memory_space<vmem>>) offsets(%dma_start3A_62 : memref<80xi32, #tpu.memory_space<vmem>>) semaphore(%arg13 : memref<!tpu.dma_semaphore, #tpu.memory_space<semaphore_mem>>)
    %mul3A_66 = arith.constant 10000 : i32
    %mul3A_67 = arith.muli %add3A, %mul3A_66 : i32
    %add3A_68 = arith.constant 320000 : i32
    %add3A_69 = arith.addi %add3A_68, %mul3A_67 : i32
    %add3A_70 = arith.constant 160 : i32
    %add3A_71 = arith.addi %add3A_69, %add3A_70 : i32
    %multiple_of3A_72 = tpu.assume_multiple %add3A_71, 8 : i32
    %dma_start3A_73 = tpu.memref_slice %arg3[%multiple_of3A_72] : memref<640000xi32, #tpu.memory_space<hbm>> -> memref<80xi32, #tpu.memory_space<hbm>>
    %dma_start3A_74 = tpu.memref_slice %arg3[%multiple_of3A_72] : memref<640000xi32, #tpu.memory_space<hbm>> -> memref<80xi32, #tpu.memory_space<hbm>>
    tpu.enqueue_dma source(%dma_start3A_74 : memref<80xi32, #tpu.memory_space<hbm>>) target(%arg8 : memref<80xi32, #tpu.memory_space<vmem>>) target_semaphore(%arg17 : memref<!tpu.dma_semaphore, #tpu.memory_space<semaphore_mem>>)
    %scan3A = arith.constant 0 : i32
    %scan3A_75 = arith.constant 0 : i32
    %scan3A_76 = arith.constant 25 : i32
    %scan3A_77 = arith.addi %scan3A_75, %scan3A_76 : i32
    %scan3A_78 = arith.constant 1 : i32
    %scan3A_79 = scf.for %scan3A_141 = %scan3A_75 to %scan3A_77 step %scan3A_78 iter_args(%scan3A_142 = %scan3A) -> (i32)  : i32 {
      %mul3A_143 = arith.constant 3 : i32
      %mul3A_144 = arith.muli %scan3A_141, %mul3A_143 : i32
      %add3A_145 = arith.constant 0 : i32
      %add3A_146 = arith.addi %mul3A_144, %add3A_145 : i32
      %add3A_147 = arith.constant 2 : i32
      %add3A_148 = arith.addi %add3A_146, %add3A_147 : i32
      %lt3A_149 = arith.constant 75 : i32
      %lt3A_150 = arith.cmpi slt, %add3A_148, %lt3A_149 : i32
      %convert_element_type3A_151 = arith.extui %lt3A_150 : i1 to i32
      %cond3A_152 = arith.constant 0 : i32
      %cond3A_153 = arith.cmpi ne, %convert_element_type3A_151, %cond3A_152 : i32
      scf.if %cond3A_153 {
        %add3A_213 = arith.constant 2 : i32
        %add3A_214 = arith.addi %add3A_146, %add3A_213 : i32
        %mul3A_215 = arith.constant 80 : i32
        %mul3A_216 = arith.muli %add3A_214, %mul3A_215 : i32
        %dma_start3A_217 = tpu.memref_slice %arg5[%mul3A_216] : memref<6000xi32, #tpu.memory_space<vmem>> -> memref<80xi32, #tpu.memory_space<vmem>>
        %dma_start3A_218 = arith.constant 0 : i32
        %dma_start3A_219 = arith.constant 0 : i32
        %dma_start3A_220 = tpu.memref_slice %arg2[%dma_start3A_218, %dma_start3A_219] : memref<10000x128xf32, #tpu.memory_space<hbm>> -> memref<10000x128xf32, #tpu.memory_space<hbm>>
        tpu.enqueue_indirect_dma source(%dma_start3A_220 : memref<10000x128xf32, #tpu.memory_space<hbm>>) target(%arg11 : memref<80x128xf32, #tpu.memory_space<vmem>>) offsets(%dma_start3A_217 : memref<80xi32, #tpu.memory_space<vmem>>) semaphore(%arg14 : memref<!tpu.dma_semaphore, #tpu.memory_space<semaphore_mem>>)
      } else {
      }
      %lt3A_154 = arith.constant 75 : i32
      %lt3A_155 = arith.cmpi slt, %add3A_146, %lt3A_154 : i32
      %convert_element_type3A_156 = arith.extui %lt3A_155 : i1 to i32
      %cond3A_157 = arith.constant 0 : i32
      %cond3A_158 = arith.cmpi ne, %convert_element_type3A_156, %cond3A_157 : i32
      scf.if %cond3A_158 {
        %mul3A_213 = arith.constant 80 : i32
        %mul3A_214 = arith.muli %add3A_146, %mul3A_213 : i32
        %dma_wait3A = tpu.memref_slice %arg5[%mul3A_214] : memref<6000xi32, #tpu.memory_space<vmem>> -> memref<80xi32, #tpu.memory_space<vmem>>
        %dma_wait3A_215 = arith.constant 0 : i32
        %dma_wait3A_216 = arith.constant 0 : i32
        %dma_wait3A_217 = tpu.memref_slice %arg2[%dma_wait3A_215, %dma_wait3A_216] : memref<10000x128xf32, #tpu.memory_space<hbm>> -> memref<10000x128xf32, #tpu.memory_space<hbm>>
        tpu.wait_indirect_dma semaphore(%arg12 : memref<!tpu.dma_semaphore, #tpu.memory_space<semaphore_mem>>) src(%dma_wait3A_217 : memref<10000x128xf32, #tpu.memory_space<hbm>>) dst(%arg9 : memref<80x128xf32, #tpu.memory_space<vmem>>)
        %add3A_218 = arith.constant 0 : i32
        %add3A_219 = arith.addi %add3A_218, %add3A_146 : i32
        %mul3A_220 = arith.constant 10000 : i32
        %mul3A_221 = arith.muli %add3A, %mul3A_220 : i32
        %add3A_222 = arith.constant 320000 : i32
        %add3A_223 = arith.addi %add3A_222, %mul3A_221 : i32
        %mul3A_224 = arith.constant 80 : i32
        %mul3A_225 = arith.muli %add3A_219, %mul3A_224 : i32
        %add3A_226 = arith.addi %add3A_223, %mul3A_225 : i32
        %multiple_of3A_227 = tpu.assume_multiple %add3A_226, 8 : i32
        %dma_wait3A_228 = tpu.memref_slice %arg3[%multiple_of3A_227] : memref<640000xi32, #tpu.memory_space<hbm>> -> memref<80xi32, #tpu.memory_space<hbm>>
        %dma_wait3A_229 = tpu.memref_slice %arg3[%multiple_of3A_227] : memref<640000xi32, #tpu.memory_space<hbm>> -> memref<80xi32, #tpu.memory_space<hbm>>
        tpu.wait_dma2 semaphore(%arg15 : memref<!tpu.dma_semaphore, #tpu.memory_space<semaphore_mem>>) src(%dma_wait3A_229 : memref<80xi32, #tpu.memory_space<hbm>>) dst(%arg6 : memref<80xi32, #tpu.memory_space<vmem>>)
        "tpu.region"() ({
          %run_scoped3A = tpu.sem_alloc : memref<!tpu.dma_semaphore, #tpu.memory_space<semaphore_mem>>
          %dma_start3A_230 = arith.constant 0 : i32
          %dma_start3A_231 = arith.constant 0 : i32
          %dma_start3A_232 = tpu.memref_slice %arg18[%dma_start3A_230, %dma_start3A_231] : memref<10000x128xf32, #tpu.memory_space<vmem_shared>> -> memref<10000x128xf32, #tpu.memory_space<vmem_shared>>
          tpu.enqueue_indirect_dma source(%arg9 : memref<80x128xf32, #tpu.memory_space<vmem>>) target(%dma_start3A_232 : memref<10000x128xf32, #tpu.memory_space<vmem_shared>>) offsets(%arg6 : memref<80xi32, #tpu.memory_space<vmem>>) semaphore(%run_scoped3A : memref<!tpu.dma_semaphore, #tpu.memory_space<semaphore_mem>>) {add = true}
          %dma_wait3A_233 = arith.constant 0 : i32
          %dma_wait3A_234 = arith.constant 0 : i32
          %dma_wait3A_235 = tpu.memref_slice %arg18[%dma_wait3A_233, %dma_wait3A_234] : memref<10000x128xf32, #tpu.memory_space<vmem_shared>> -> memref<10000x128xf32, #tpu.memory_space<vmem_shared>>
          tpu.wait_indirect_dma semaphore(%run_scoped3A : memref<!tpu.dma_semaphore, #tpu.memory_space<semaphore_mem>>) src(%arg9 : memref<80x128xf32, #tpu.memory_space<vmem>>) dst(%dma_wait3A_235 : memref<10000x128xf32, #tpu.memory_space<vmem_shared>>)
          tpu.yield
        }) : () -> ()
      } else {
      }
      %add3A_159 = arith.constant 3 : i32
      %add3A_160 = arith.addi %add3A_146, %add3A_159 : i32
      %lt3A_161 = arith.constant 75 : i32
      %lt3A_162 = arith.cmpi slt, %add3A_160, %lt3A_161 : i32
      %convert_element_type3A_163 = arith.extui %lt3A_162 : i1 to i32
      %cond3A_164 = arith.constant 0 : i32
      %cond3A_165 = arith.cmpi ne, %convert_element_type3A_163, %cond3A_164 : i32
      scf.if %cond3A_165 {
        %add3A_213 = arith.constant 0 : i32
        %add3A_214 = arith.addi %add3A_213, %add3A_146 : i32
        %add3A_215 = arith.constant 3 : i32
        %add3A_216 = arith.addi %add3A_214, %add3A_215 : i32
        %mul3A_217 = arith.constant 10000 : i32
        %mul3A_218 = arith.muli %add3A, %mul3A_217 : i32
        %add3A_219 = arith.constant 320000 : i32
        %add3A_220 = arith.addi %add3A_219, %mul3A_218 : i32
        %mul3A_221 = arith.constant 80 : i32
        %mul3A_222 = arith.muli %add3A_216, %mul3A_221 : i32
        %add3A_223 = arith.addi %add3A_220, %mul3A_222 : i32
        %multiple_of3A_224 = tpu.assume_multiple %add3A_223, 8 : i32
        %dma_start3A_225 = tpu.memref_slice %arg3[%multiple_of3A_224] : memref<640000xi32, #tpu.memory_space<hbm>> -> memref<80xi32, #tpu.memory_space<hbm>>
        %dma_start3A_226 = tpu.memref_slice %arg3[%multiple_of3A_224] : memref<640000xi32, #tpu.memory_space<hbm>> -> memref<80xi32, #tpu.memory_space<hbm>>
        tpu.enqueue_dma source(%dma_start3A_226 : memref<80xi32, #tpu.memory_space<hbm>>) target(%arg6 : memref<80xi32, #tpu.memory_space<vmem>>) target_semaphore(%arg15 : memref<!tpu.dma_semaphore, #tpu.memory_space<semaphore_mem>>)
      } else {
      }
      %mul3A_166 = arith.constant 3 : i32
      %mul3A_167 = arith.muli %scan3A_141, %mul3A_166 : i32
      %add3A_168 = arith.constant 1 : i32
      %add3A_169 = arith.addi %mul3A_167, %add3A_168 : i32
      %add3A_170 = arith.constant 2 : i32
      %add3A_171 = arith.addi %add3A_169, %add3A_170 : i32
      %lt3A_172 = arith.constant 75 : i32
      %lt3A_173 = arith.cmpi slt, %add3A_171, %lt3A_172 : i32
      %convert_element_type3A_174 = arith.extui %lt3A_173 : i1 to i32
      %cond3A_175 = arith.constant 0 : i32
      %cond3A_176 = arith.cmpi ne, %convert_element_type3A_174, %cond3A_175 : i32
      scf.if %cond3A_176 {
        %add3A_213 = arith.constant 2 : i32
        %add3A_214 = arith.addi %add3A_169, %add3A_213 : i32
        %mul3A_215 = arith.constant 80 : i32
        %mul3A_216 = arith.muli %add3A_214, %mul3A_215 : i32
        %dma_start3A_217 = tpu.memref_slice %arg5[%mul3A_216] : memref<6000xi32, #tpu.memory_space<vmem>> -> memref<80xi32, #tpu.memory_space<vmem>>
        %dma_start3A_218 = arith.constant 0 : i32
        %dma_start3A_219 = arith.constant 0 : i32
        %dma_start3A_220 = tpu.memref_slice %arg2[%dma_start3A_218, %dma_start3A_219] : memref<10000x128xf32, #tpu.memory_space<hbm>> -> memref<10000x128xf32, #tpu.memory_space<hbm>>
        tpu.enqueue_indirect_dma source(%dma_start3A_220 : memref<10000x128xf32, #tpu.memory_space<hbm>>) target(%arg9 : memref<80x128xf32, #tpu.memory_space<vmem>>) offsets(%dma_start3A_217 : memref<80xi32, #tpu.memory_space<vmem>>) semaphore(%arg12 : memref<!tpu.dma_semaphore, #tpu.memory_space<semaphore_mem>>)
      } else {
      }
      %lt3A_177 = arith.constant 75 : i32
      %lt3A_178 = arith.cmpi slt, %add3A_169, %lt3A_177 : i32
      %convert_element_type3A_179 = arith.extui %lt3A_178 : i1 to i32
      %cond3A_180 = arith.constant 0 : i32
      %cond3A_181 = arith.cmpi ne, %convert_element_type3A_179, %cond3A_180 : i32
      scf.if %cond3A_181 {
        %mul3A_213 = arith.constant 80 : i32
        %mul3A_214 = arith.muli %add3A_169, %mul3A_213 : i32
        %dma_wait3A = tpu.memref_slice %arg5[%mul3A_214] : memref<6000xi32, #tpu.memory_space<vmem>> -> memref<80xi32, #tpu.memory_space<vmem>>
        %dma_wait3A_215 = arith.constant 0 : i32
        %dma_wait3A_216 = arith.constant 0 : i32
        %dma_wait3A_217 = tpu.memref_slice %arg2[%dma_wait3A_215, %dma_wait3A_216] : memref<10000x128xf32, #tpu.memory_space<hbm>> -> memref<10000x128xf32, #tpu.memory_space<hbm>>
        tpu.wait_indirect_dma semaphore(%arg13 : memref<!tpu.dma_semaphore, #tpu.memory_space<semaphore_mem>>) src(%dma_wait3A_217 : memref<10000x128xf32, #tpu.memory_space<hbm>>) dst(%arg10 : memref<80x128xf32, #tpu.memory_space<vmem>>)
        %add3A_218 = arith.constant 0 : i32
        %add3A_219 = arith.addi %add3A_218, %add3A_169 : i32
        %mul3A_220 = arith.constant 10000 : i32
        %mul3A_221 = arith.muli %add3A, %mul3A_220 : i32
        %add3A_222 = arith.constant 320000 : i32
        %add3A_223 = arith.addi %add3A_222, %mul3A_221 : i32
        %mul3A_224 = arith.constant 80 : i32
        %mul3A_225 = arith.muli %add3A_219, %mul3A_224 : i32
        %add3A_226 = arith.addi %add3A_223, %mul3A_225 : i32
        %multiple_of3A_227 = tpu.assume_multiple %add3A_226, 8 : i32
        %dma_wait3A_228 = tpu.memref_slice %arg3[%multiple_of3A_227] : memref<640000xi32, #tpu.memory_space<hbm>> -> memref<80xi32, #tpu.memory_space<hbm>>
        %dma_wait3A_229 = tpu.memref_slice %arg3[%multiple_of3A_227] : memref<640000xi32, #tpu.memory_space<hbm>> -> memref<80xi32, #tpu.memory_space<hbm>>
        tpu.wait_dma2 semaphore(%arg16 : memref<!tpu.dma_semaphore, #tpu.memory_space<semaphore_mem>>) src(%dma_wait3A_229 : memref<80xi32, #tpu.memory_space<hbm>>) dst(%arg7 : memref<80xi32, #tpu.memory_space<vmem>>)
        "tpu.region"() ({
          %run_scoped3A = tpu.sem_alloc : memref<!tpu.dma_semaphore, #tpu.memory_space<semaphore_mem>>
          %dma_start3A_230 = arith.constant 0 : i32
          %dma_start3A_231 = arith.constant 0 : i32
          %dma_start3A_232 = tpu.memref_slice %arg18[%dma_start3A_230, %dma_start3A_231] : memref<10000x128xf32, #tpu.memory_space<vmem_shared>> -> memref<10000x128xf32, #tpu.memory_space<vmem_shared>>
          tpu.enqueue_indirect_dma source(%arg10 : memref<80x128xf32, #tpu.memory_space<vmem>>) target(%dma_start3A_232 : memref<10000x128xf32, #tpu.memory_space<vmem_shared>>) offsets(%arg7 : memref<80xi32, #tpu.memory_space<vmem>>) semaphore(%run_scoped3A : memref<!tpu.dma_semaphore, #tpu.memory_space<semaphore_mem>>) {add = true}
          %dma_wait3A_233 = arith.constant 0 : i32
          %dma_wait3A_234 = arith.constant 0 : i32
          %dma_wait3A_235 = tpu.memref_slice %arg18[%dma_wait3A_233, %dma_wait3A_234] : memref<10000x128xf32, #tpu.memory_space<vmem_shared>> -> memref<10000x128xf32, #tpu.memory_space<vmem_shared>>
          tpu.wait_indirect_dma semaphore(%run_scoped3A : memref<!tpu.dma_semaphore, #tpu.memory_space<semaphore_mem>>) src(%arg10 : memref<80x128xf32, #tpu.memory_space<vmem>>) dst(%dma_wait3A_235 : memref<10000x128xf32, #tpu.memory_space<vmem_shared>>)
          tpu.yield
        }) : () -> ()
      } else {
      }
      %add3A_182 = arith.constant 3 : i32
      %add3A_183 = arith.addi %add3A_169, %add3A_182 : i32
      %lt3A_184 = arith.constant 75 : i32
      %lt3A_185 = arith.cmpi slt, %add3A_183, %lt3A_184 : i32
      %convert_element_type3A_186 = arith.extui %lt3A_185 : i1 to i32
      %cond3A_187 = arith.constant 0 : i32
      %cond3A_188 = arith.cmpi ne, %convert_element_type3A_186, %cond3A_187 : i32
      scf.if %cond3A_188 {
        %add3A_213 = arith.constant 0 : i32
        %add3A_214 = arith.addi %add3A_213, %add3A_169 : i32
        %add3A_215 = arith.constant 3 : i32
        %add3A_216 = arith.addi %add3A_214, %add3A_215 : i32
        %mul3A_217 = arith.constant 10000 : i32
        %mul3A_218 = arith.muli %add3A, %mul3A_217 : i32
        %add3A_219 = arith.constant 320000 : i32
        %add3A_220 = arith.addi %add3A_219, %mul3A_218 : i32
        %mul3A_221 = arith.constant 80 : i32
        %mul3A_222 = arith.muli %add3A_216, %mul3A_221 : i32
        %add3A_223 = arith.addi %add3A_220, %mul3A_222 : i32
        %multiple_of3A_224 = tpu.assume_multiple %add3A_223, 8 : i32
        %dma_start3A_225 = tpu.memref_slice %arg3[%multiple_of3A_224] : memref<640000xi32, #tpu.memory_space<hbm>> -> memref<80xi32, #tpu.memory_space<hbm>>
        %dma_start3A_226 = tpu.memref_slice %arg3[%multiple_of3A_224] : memref<640000xi32, #tpu.memory_space<hbm>> -> memref<80xi32, #tpu.memory_space<hbm>>
        tpu.enqueue_dma source(%dma_start3A_226 : memref<80xi32, #tpu.memory_space<hbm>>) target(%arg7 : memref<80xi32, #tpu.memory_space<vmem>>) target_semaphore(%arg16 : memref<!tpu.dma_semaphore, #tpu.memory_space<semaphore_mem>>)
      } else {
      }
      %mul3A_189 = arith.constant 3 : i32
      %mul3A_190 = arith.muli %scan3A_141, %mul3A_189 : i32
      %add3A_191 = arith.constant 2 : i32
      %add3A_192 = arith.addi %mul3A_190, %add3A_191 : i32
      %add3A_193 = arith.constant 2 : i32
      %add3A_194 = arith.addi %add3A_192, %add3A_193 : i32
      %lt3A_195 = arith.constant 75 : i32
      %lt3A_196 = arith.cmpi slt, %add3A_194, %lt3A_195 : i32
      %convert_element_type3A_197 = arith.extui %lt3A_196 : i1 to i32
      %cond3A_198 = arith.constant 0 : i32
      %cond3A_199 = arith.cmpi ne, %convert_element_type3A_197, %cond3A_198 : i32
      scf.if %cond3A_199 {
        %add3A_213 = arith.constant 2 : i32
        %add3A_214 = arith.addi %add3A_192, %add3A_213 : i32
        %mul3A_215 = arith.constant 80 : i32
        %mul3A_216 = arith.muli %add3A_214, %mul3A_215 : i32
        %dma_start3A_217 = tpu.memref_slice %arg5[%mul3A_216] : memref<6000xi32, #tpu.memory_space<vmem>> -> memref<80xi32, #tpu.memory_space<vmem>>
        %dma_start3A_218 = arith.constant 0 : i32
        %dma_start3A_219 = arith.constant 0 : i32
        %dma_start3A_220 = tpu.memref_slice %arg2[%dma_start3A_218, %dma_start3A_219] : memref<10000x128xf32, #tpu.memory_space<hbm>> -> memref<10000x128xf32, #tpu.memory_space<hbm>>
        tpu.enqueue_indirect_dma source(%dma_start3A_220 : memref<10000x128xf32, #tpu.memory_space<hbm>>) target(%arg10 : memref<80x128xf32, #tpu.memory_space<vmem>>) offsets(%dma_start3A_217 : memref<80xi32, #tpu.memory_space<vmem>>) semaphore(%arg13 : memref<!tpu.dma_semaphore, #tpu.memory_space<semaphore_mem>>)
      } else {
      }
      %lt3A_200 = arith.constant 75 : i32
      %lt3A_201 = arith.cmpi slt, %add3A_192, %lt3A_200 : i32
      %convert_element_type3A_202 = arith.extui %lt3A_201 : i1 to i32
      %cond3A_203 = arith.constant 0 : i32
      %cond3A_204 = arith.cmpi ne, %convert_element_type3A_202, %cond3A_203 : i32
      scf.if %cond3A_204 {
        %mul3A_213 = arith.constant 80 : i32
        %mul3A_214 = arith.muli %add3A_192, %mul3A_213 : i32
        %dma_wait3A = tpu.memref_slice %arg5[%mul3A_214] : memref<6000xi32, #tpu.memory_space<vmem>> -> memref<80xi32, #tpu.memory_space<vmem>>
        %dma_wait3A_215 = arith.constant 0 : i32
        %dma_wait3A_216 = arith.constant 0 : i32
        %dma_wait3A_217 = tpu.memref_slice %arg2[%dma_wait3A_215, %dma_wait3A_216] : memref<10000x128xf32, #tpu.memory_space<hbm>> -> memref<10000x128xf32, #tpu.memory_space<hbm>>
        tpu.wait_indirect_dma semaphore(%arg14 : memref<!tpu.dma_semaphore, #tpu.memory_space<semaphore_mem>>) src(%dma_wait3A_217 : memref<10000x128xf32, #tpu.memory_space<hbm>>) dst(%arg11 : memref<80x128xf32, #tpu.memory_space<vmem>>)
        %add3A_218 = arith.constant 0 : i32
        %add3A_219 = arith.addi %add3A_218, %add3A_192 : i32
        %mul3A_220 = arith.constant 10000 : i32
        %mul3A_221 = arith.muli %add3A, %mul3A_220 : i32
        %add3A_222 = arith.constant 320000 : i32
        %add3A_223 = arith.addi %add3A_222, %mul3A_221 : i32
        %mul3A_224 = arith.constant 80 : i32
        %mul3A_225 = arith.muli %add3A_219, %mul3A_224 : i32
        %add3A_226 = arith.addi %add3A_223, %mul3A_225 : i32
        %multiple_of3A_227 = tpu.assume_multiple %add3A_226, 8 : i32
        %dma_wait3A_228 = tpu.memref_slice %arg3[%multiple_of3A_227] : memref<640000xi32, #tpu.memory_space<hbm>> -> memref<80xi32, #tpu.memory_space<hbm>>
        %dma_wait3A_229 = tpu.memref_slice %arg3[%multiple_of3A_227] : memref<640000xi32, #tpu.memory_space<hbm>> -> memref<80xi32, #tpu.memory_space<hbm>>
        tpu.wait_dma2 semaphore(%arg17 : memref<!tpu.dma_semaphore, #tpu.memory_space<semaphore_mem>>) src(%dma_wait3A_229 : memref<80xi32, #tpu.memory_space<hbm>>) dst(%arg8 : memref<80xi32, #tpu.memory_space<vmem>>)
        "tpu.region"() ({
          %run_scoped3A = tpu.sem_alloc : memref<!tpu.dma_semaphore, #tpu.memory_space<semaphore_mem>>
          %dma_start3A_230 = arith.constant 0 : i32
          %dma_start3A_231 = arith.constant 0 : i32
          %dma_start3A_232 = tpu.memref_slice %arg18[%dma_start3A_230, %dma_start3A_231] : memref<10000x128xf32, #tpu.memory_space<vmem_shared>> -> memref<10000x128xf32, #tpu.memory_space<vmem_shared>>
          tpu.enqueue_indirect_dma source(%arg11 : memref<80x128xf32, #tpu.memory_space<vmem>>) target(%dma_start3A_232 : memref<10000x128xf32, #tpu.memory_space<vmem_shared>>) offsets(%arg8 : memref<80xi32, #tpu.memory_space<vmem>>) semaphore(%run_scoped3A : memref<!tpu.dma_semaphore, #tpu.memory_space<semaphore_mem>>) {add = true}
          %dma_wait3A_233 = arith.constant 0 : i32
          %dma_wait3A_234 = arith.constant 0 : i32
          %dma_wait3A_235 = tpu.memref_slice %arg18[%dma_wait3A_233, %dma_wait3A_234] : memref<10000x128xf32, #tpu.memory_space<vmem_shared>> -> memref<10000x128xf32, #tpu.memory_space<vmem_shared>>
          tpu.wait_indirect_dma semaphore(%run_scoped3A : memref<!tpu.dma_semaphore, #tpu.memory_space<semaphore_mem>>) src(%arg11 : memref<80x128xf32, #tpu.memory_space<vmem>>) dst(%dma_wait3A_235 : memref<10000x128xf32, #tpu.memory_space<vmem_shared>>)
          tpu.yield
        }) : () -> ()
      } else {
      }
      %add3A_205 = arith.constant 3 : i32
      %add3A_206 = arith.addi %add3A_192, %add3A_205 : i32
      %lt3A_207 = arith.constant 75 : i32
      %lt3A_208 = arith.cmpi slt, %add3A_206, %lt3A_207 : i32
      %convert_element_type3A_209 = arith.extui %lt3A_208 : i1 to i32
      %cond3A_210 = arith.constant 0 : i32
      %cond3A_211 = arith.cmpi ne, %convert_element_type3A_209, %cond3A_210 : i32
      scf.if %cond3A_211 {
        %add3A_213 = arith.constant 0 : i32
        %add3A_214 = arith.addi %add3A_213, %add3A_192 : i32
        %add3A_215 = arith.constant 3 : i32
        %add3A_216 = arith.addi %add3A_214, %add3A_215 : i32
        %mul3A_217 = arith.constant 10000 : i32
        %mul3A_218 = arith.muli %add3A, %mul3A_217 : i32
        %add3A_219 = arith.constant 320000 : i32
        %add3A_220 = arith.addi %add3A_219, %mul3A_218 : i32
        %mul3A_221 = arith.constant 80 : i32
        %mul3A_222 = arith.muli %add3A_216, %mul3A_221 : i32
        %add3A_223 = arith.addi %add3A_220, %mul3A_222 : i32
        %multiple_of3A_224 = tpu.assume_multiple %add3A_223, 8 : i32
        %dma_start3A_225 = tpu.memref_slice %arg3[%multiple_of3A_224] : memref<640000xi32, #tpu.memory_space<hbm>> -> memref<80xi32, #tpu.memory_space<hbm>>
        %dma_start3A_226 = tpu.memref_slice %arg3[%multiple_of3A_224] : memref<640000xi32, #tpu.memory_space<hbm>> -> memref<80xi32, #tpu.memory_space<hbm>>
        tpu.enqueue_dma source(%dma_start3A_226 : memref<80xi32, #tpu.memory_space<hbm>>) target(%arg8 : memref<80xi32, #tpu.memory_space<vmem>>) target_semaphore(%arg17 : memref<!tpu.dma_semaphore, #tpu.memory_space<semaphore_mem>>)
      } else {
      }
      %scan3A_212 = arith.constant 0 : i32
      scf.yield %scan3A_212 : i32
    }
    %scan3A_80 = arith.constant 25 : i32
    %mul3A_81 = arith.constant 10000 : i32
    %mul3A_82 = arith.muli %add3A, %mul3A_81 : i32
    %add3A_83 = arith.constant 6000 : i32
    %add3A_84 = arith.addi %mul3A_82, %add3A_83 : i32
    %multiple_of3A_85 = tpu.assume_multiple %add3A_84, 8 : i32
    "tpu.region"() ({
      %run_scoped3A = tpu.sem_alloc : memref<!tpu.dma_semaphore, #tpu.memory_space<semaphore_mem>>
      %dma_start3A_141 = arith.constant 0 : i32
      %dma_start3A_142 = tpu.memref_slice %arg5[%dma_start3A_141] : memref<6000xi32, #tpu.memory_space<vmem>> -> memref<4000xi32, #tpu.memory_space<vmem>>
      %dma_start3A_143 = tpu.memref_slice %arg3[%multiple_of3A_85] : memref<640000xi32, #tpu.memory_space<hbm>> -> memref<4000xi32, #tpu.memory_space<hbm>>
      %dma_start3A_144 = arith.constant 0 : i32
      %dma_start3A_145 = tpu.memref_slice %arg5[%dma_start3A_144] : memref<6000xi32, #tpu.memory_space<vmem>> -> memref<4000xi32, #tpu.memory_space<vmem>>
      %dma_start3A_146 = tpu.memref_slice %arg3[%multiple_of3A_85] : memref<640000xi32, #tpu.memory_space<hbm>> -> memref<4000xi32, #tpu.memory_space<hbm>>
      tpu.enqueue_dma source(%dma_start3A_146 : memref<4000xi32, #tpu.memory_space<hbm>>) target(%dma_start3A_145 : memref<4000xi32, #tpu.memory_space<vmem>>) target_semaphore(%run_scoped3A : memref<!tpu.dma_semaphore, #tpu.memory_space<semaphore_mem>>)
      %dma_wait3A = arith.constant 0 : i32
      %dma_wait3A_147 = tpu.memref_slice %arg5[%dma_wait3A] : memref<6000xi32, #tpu.memory_space<vmem>> -> memref<4000xi32, #tpu.memory_space<vmem>>
      %dma_wait3A_148 = tpu.memref_slice %arg3[%multiple_of3A_85] : memref<640000xi32, #tpu.memory_space<hbm>> -> memref<4000xi32, #tpu.memory_space<hbm>>
      %dma_wait3A_149 = arith.constant 0 : i32
      %dma_wait3A_150 = tpu.memref_slice %arg5[%dma_wait3A_149] : memref<6000xi32, #tpu.memory_space<vmem>> -> memref<4000xi32, #tpu.memory_space<vmem>>
      %dma_wait3A_151 = tpu.memref_slice %arg3[%multiple_of3A_85] : memref<640000xi32, #tpu.memory_space<hbm>> -> memref<4000xi32, #tpu.memory_space<hbm>>
      tpu.wait_dma2 semaphore(%run_scoped3A : memref<!tpu.dma_semaphore, #tpu.memory_space<semaphore_mem>>) src(%dma_wait3A_151 : memref<4000xi32, #tpu.memory_space<hbm>>) dst(%dma_wait3A_150 : memref<4000xi32, #tpu.memory_space<vmem>>)
      tpu.yield
    }) : () -> ()
    %mul3A_86 = arith.constant 10000 : i32
    %mul3A_87 = arith.muli %add3A, %mul3A_86 : i32
    %add3A_88 = arith.constant 320000 : i32
    %add3A_89 = arith.addi %add3A_88, %mul3A_87 : i32
    %add3A_90 = arith.constant 6000 : i32
    %add3A_91 = arith.addi %add3A_89, %add3A_90 : i32
    %multiple_of3A_92 = tpu.assume_multiple %add3A_91, 8 : i32
    %dma_start3A_93 = tpu.memref_slice %arg3[%multiple_of3A_92] : memref<640000xi32, #tpu.memory_space<hbm>> -> memref<80xi32, #tpu.memory_space<hbm>>
    %dma_start3A_94 = tpu.memref_slice %arg3[%multiple_of3A_92] : memref<640000xi32, #tpu.memory_space<hbm>> -> memref<80xi32, #tpu.memory_space<hbm>>
    tpu.enqueue_dma source(%dma_start3A_94 : memref<80xi32, #tpu.memory_space<hbm>>) target(%arg6 : memref<80xi32, #tpu.memory_space<vmem>>) target_semaphore(%arg15 : memref<!tpu.dma_semaphore, #tpu.memory_space<semaphore_mem>>)
    %mul3A_95 = arith.constant 10000 : i32
    %mul3A_96 = arith.muli %add3A, %mul3A_95 : i32
    %add3A_97 = arith.constant 320000 : i32
    %add3A_98 = arith.addi %add3A_97, %mul3A_96 : i32
    %add3A_99 = arith.constant 6080 : i32
    %add3A_100 = arith.addi %add3A_98, %add3A_99 : i32
    %multiple_of3A_101 = tpu.assume_multiple %add3A_100, 8 : i32
    %dma_start3A_102 = tpu.memref_slice %arg3[%multiple_of3A_101] : memref<640000xi32, #tpu.memory_space<hbm>> -> memref<80xi32, #tpu.memory_space<hbm>>
    %dma_start3A_103 = tpu.memref_slice %arg3[%multiple_of3A_101] : memref<640000xi32, #tpu.memory_space<hbm>> -> memref<80xi32, #tpu.memory_space<hbm>>
    tpu.enqueue_dma source(%dma_start3A_103 : memref<80xi32, #tpu.memory_space<hbm>>) target(%arg7 : memref<80xi32, #tpu.memory_space<vmem>>) target_semaphore(%arg16 : memref<!tpu.dma_semaphore, #tpu.memory_space<semaphore_mem>>)
    %dma_start3A_104 = arith.constant 0 : i32
    %dma_start3A_105 = tpu.memref_slice %arg5[%dma_start3A_104] : memref<6000xi32, #tpu.memory_space<vmem>> -> memref<80xi32, #tpu.memory_space<vmem>>
    %dma_start3A_106 = arith.constant 0 : i32
    %dma_start3A_107 = arith.constant 0 : i32
    %dma_start3A_108 = tpu.memref_slice %arg2[%dma_start3A_106, %dma_start3A_107] : memref<10000x128xf32, #tpu.memory_space<hbm>> -> memref<10000x128xf32, #tpu.memory_space<hbm>>
    tpu.enqueue_indirect_dma source(%dma_start3A_108 : memref<10000x128xf32, #tpu.memory_space<hbm>>) target(%arg9 : memref<80x128xf32, #tpu.memory_space<vmem>>) offsets(%dma_start3A_105 : memref<80xi32, #tpu.memory_space<vmem>>) semaphore(%arg12 : memref<!tpu.dma_semaphore, #tpu.memory_space<semaphore_mem>>)
    %dma_start3A_109 = arith.constant 80 : i32
    %dma_start3A_110 = tpu.memref_slice %arg5[%dma_start3A_109] : memref<6000xi32, #tpu.memory_space<vmem>> -> memref<80xi32, #tpu.memory_space<vmem>>
    %dma_start3A_111 = arith.constant 0 : i32
    %dma_start3A_112 = arith.constant 0 : i32
    %dma_start3A_113 = tpu.memref_slice %arg2[%dma_start3A_111, %dma_start3A_112] : memref<10000x128xf32, #tpu.memory_space<hbm>> -> memref<10000x128xf32, #tpu.memory_space<hbm>>
    tpu.enqueue_indirect_dma source(%dma_start3A_113 : memref<10000x128xf32, #tpu.memory_space<hbm>>) target(%arg10 : memref<80x128xf32, #tpu.memory_space<vmem>>) offsets(%dma_start3A_110 : memref<80xi32, #tpu.memory_space<vmem>>) semaphore(%arg13 : memref<!tpu.dma_semaphore, #tpu.memory_space<semaphore_mem>>)
    %mul3A_114 = arith.constant 10000 : i32
    %mul3A_115 = arith.muli %add3A, %mul3A_114 : i32
    %add3A_116 = arith.constant 320000 : i32
    %add3A_117 = arith.addi %add3A_116, %mul3A_115 : i32
    %add3A_118 = arith.constant 6160 : i32
    %add3A_119 = arith.addi %add3A_117, %add3A_118 : i32
    %multiple_of3A_120 = tpu.assume_multiple %add3A_119, 8 : i32
    %dma_start3A_121 = tpu.memref_slice %arg3[%multiple_of3A_120] : memref<640000xi32, #tpu.memory_space<hbm>> -> memref<80xi32, #tpu.memory_space<hbm>>
    %dma_start3A_122 = tpu.memref_slice %arg3[%multiple_of3A_120] : memref<640000xi32, #tpu.memory_space<hbm>> -> memref<80xi32, #tpu.memory_space<hbm>>
    tpu.enqueue_dma source(%dma_start3A_122 : memref<80xi32, #tpu.memory_space<hbm>>) target(%arg8 : memref<80xi32, #tpu.memory_space<vmem>>) target_semaphore(%arg17 : memref<!tpu.dma_semaphore, #tpu.memory_space<semaphore_mem>>)
    %scan3A_123 = arith.constant 0 : i32
    %scan3A_124 = arith.constant 0 : i32
    %scan3A_125 = arith.constant 17 : i32
    %scan3A_126 = arith.addi %scan3A_124, %scan3A_125 : i32
    %scan3A_127 = arith.constant 1 : i32
    %scan3A_128 = scf.for %scan3A_141 = %scan3A_124 to %scan3A_126 step %scan3A_127 iter_args(%scan3A_142 = %scan3A_123) -> (i32)  : i32 {
      %mul3A_143 = arith.constant 3 : i32
      %mul3A_144 = arith.muli %scan3A_141, %mul3A_143 : i32
      %add3A_145 = arith.constant 0 : i32
      %add3A_146 = arith.addi %mul3A_144, %add3A_145 : i32
      %add3A_147 = arith.constant 2 : i32
      %add3A_148 = arith.addi %add3A_146, %add3A_147 : i32
      %lt3A_149 = arith.constant 50 : i32
      %lt3A_150 = arith.cmpi slt, %add3A_148, %lt3A_149 : i32
      %convert_element_type3A_151 = arith.extui %lt3A_150 : i1 to i32
      %cond3A_152 = arith.constant 0 : i32
      %cond3A_153 = arith.cmpi ne, %convert_element_type3A_151, %cond3A_152 : i32
      scf.if %cond3A_153 {
        %add3A_213 = arith.constant 2 : i32
        %add3A_214 = arith.addi %add3A_146, %add3A_213 : i32
        %mul3A_215 = arith.constant 80 : i32
        %mul3A_216 = arith.muli %add3A_214, %mul3A_215 : i32
        %dma_start3A_217 = tpu.memref_slice %arg5[%mul3A_216] : memref<6000xi32, #tpu.memory_space<vmem>> -> memref<80xi32, #tpu.memory_space<vmem>>
        %dma_start3A_218 = arith.constant 0 : i32
        %dma_start3A_219 = arith.constant 0 : i32
        %dma_start3A_220 = tpu.memref_slice %arg2[%dma_start3A_218, %dma_start3A_219] : memref<10000x128xf32, #tpu.memory_space<hbm>> -> memref<10000x128xf32, #tpu.memory_space<hbm>>
        tpu.enqueue_indirect_dma source(%dma_start3A_220 : memref<10000x128xf32, #tpu.memory_space<hbm>>) target(%arg11 : memref<80x128xf32, #tpu.memory_space<vmem>>) offsets(%dma_start3A_217 : memref<80xi32, #tpu.memory_space<vmem>>) semaphore(%arg14 : memref<!tpu.dma_semaphore, #tpu.memory_space<semaphore_mem>>)
      } else {
      }
      %lt3A_154 = arith.constant 50 : i32
      %lt3A_155 = arith.cmpi slt, %add3A_146, %lt3A_154 : i32
      %convert_element_type3A_156 = arith.extui %lt3A_155 : i1 to i32
      %cond3A_157 = arith.constant 0 : i32
      %cond3A_158 = arith.cmpi ne, %convert_element_type3A_156, %cond3A_157 : i32
      scf.if %cond3A_158 {
        %mul3A_213 = arith.constant 80 : i32
        %mul3A_214 = arith.muli %add3A_146, %mul3A_213 : i32
        %dma_wait3A = tpu.memref_slice %arg5[%mul3A_214] : memref<6000xi32, #tpu.memory_space<vmem>> -> memref<80xi32, #tpu.memory_space<vmem>>
        %dma_wait3A_215 = arith.constant 0 : i32
        %dma_wait3A_216 = arith.constant 0 : i32
        %dma_wait3A_217 = tpu.memref_slice %arg2[%dma_wait3A_215, %dma_wait3A_216] : memref<10000x128xf32, #tpu.memory_space<hbm>> -> memref<10000x128xf32, #tpu.memory_space<hbm>>
        tpu.wait_indirect_dma semaphore(%arg12 : memref<!tpu.dma_semaphore, #tpu.memory_space<semaphore_mem>>) src(%dma_wait3A_217 : memref<10000x128xf32, #tpu.memory_space<hbm>>) dst(%arg9 : memref<80x128xf32, #tpu.memory_space<vmem>>)
        %add3A_218 = arith.constant 75 : i32
        %add3A_219 = arith.addi %add3A_218, %add3A_146 : i32
        %mul3A_220 = arith.constant 10000 : i32
        %mul3A_221 = arith.muli %add3A, %mul3A_220 : i32
        %add3A_222 = arith.constant 320000 : i32
        %add3A_223 = arith.addi %add3A_222, %mul3A_221 : i32
        %mul3A_224 = arith.constant 80 : i32
        %mul3A_225 = arith.muli %add3A_219, %mul3A_224 : i32
        %add3A_226 = arith.addi %add3A_223, %mul3A_225 : i32
        %multiple_of3A_227 = tpu.assume_multiple %add3A_226, 8 : i32
        %dma_wait3A_228 = tpu.memref_slice %arg3[%multiple_of3A_227] : memref<640000xi32, #tpu.memory_space<hbm>> -> memref<80xi32, #tpu.memory_space<hbm>>
        %dma_wait3A_229 = tpu.memref_slice %arg3[%multiple_of3A_227] : memref<640000xi32, #tpu.memory_space<hbm>> -> memref<80xi32, #tpu.memory_space<hbm>>
        tpu.wait_dma2 semaphore(%arg15 : memref<!tpu.dma_semaphore, #tpu.memory_space<semaphore_mem>>) src(%dma_wait3A_229 : memref<80xi32, #tpu.memory_space<hbm>>) dst(%arg6 : memref<80xi32, #tpu.memory_space<vmem>>)
        "tpu.region"() ({
          %run_scoped3A = tpu.sem_alloc : memref<!tpu.dma_semaphore, #tpu.memory_space<semaphore_mem>>
          %dma_start3A_230 = arith.constant 0 : i32
          %dma_start3A_231 = arith.constant 0 : i32
          %dma_start3A_232 = tpu.memref_slice %arg18[%dma_start3A_230, %dma_start3A_231] : memref<10000x128xf32, #tpu.memory_space<vmem_shared>> -> memref<10000x128xf32, #tpu.memory_space<vmem_shared>>
          tpu.enqueue_indirect_dma source(%arg9 : memref<80x128xf32, #tpu.memory_space<vmem>>) target(%dma_start3A_232 : memref<10000x128xf32, #tpu.memory_space<vmem_shared>>) offsets(%arg6 : memref<80xi32, #tpu.memory_space<vmem>>) semaphore(%run_scoped3A : memref<!tpu.dma_semaphore, #tpu.memory_space<semaphore_mem>>) {add = true}
          %dma_wait3A_233 = arith.constant 0 : i32
          %dma_wait3A_234 = arith.constant 0 : i32
          %dma_wait3A_235 = tpu.memref_slice %arg18[%dma_wait3A_233, %dma_wait3A_234] : memref<10000x128xf32, #tpu.memory_space<vmem_shared>> -> memref<10000x128xf32, #tpu.memory_space<vmem_shared>>
          tpu.wait_indirect_dma semaphore(%run_scoped3A : memref<!tpu.dma_semaphore, #tpu.memory_space<semaphore_mem>>) src(%arg9 : memref<80x128xf32, #tpu.memory_space<vmem>>) dst(%dma_wait3A_235 : memref<10000x128xf32, #tpu.memory_space<vmem_shared>>)
          tpu.yield
        }) : () -> ()
      } else {
      }
      %add3A_159 = arith.constant 3 : i32
      %add3A_160 = arith.addi %add3A_146, %add3A_159 : i32
      %lt3A_161 = arith.constant 50 : i32
      %lt3A_162 = arith.cmpi slt, %add3A_160, %lt3A_161 : i32
      %convert_element_type3A_163 = arith.extui %lt3A_162 : i1 to i32
      %cond3A_164 = arith.constant 0 : i32
      %cond3A_165 = arith.cmpi ne, %convert_element_type3A_163, %cond3A_164 : i32
      scf.if %cond3A_165 {
        %add3A_213 = arith.constant 75 : i32
        %add3A_214 = arith.addi %add3A_213, %add3A_146 : i32
        %add3A_215 = arith.constant 3 : i32
        %add3A_216 = arith.addi %add3A_214, %add3A_215 : i32
        %mul3A_217 = arith.constant 10000 : i32
        %mul3A_218 = arith.muli %add3A, %mul3A_217 : i32
        %add3A_219 = arith.constant 320000 : i32
        %add3A_220 = arith.addi %add3A_219, %mul3A_218 : i32
        %mul3A_221 = arith.constant 80 : i32
        %mul3A_222 = arith.muli %add3A_216, %mul3A_221 : i32
        %add3A_223 = arith.addi %add3A_220, %mul3A_222 : i32
        %multiple_of3A_224 = tpu.assume_multiple %add3A_223, 8 : i32
        %dma_start3A_225 = tpu.memref_slice %arg3[%multiple_of3A_224] : memref<640000xi32, #tpu.memory_space<hbm>> -> memref<80xi32, #tpu.memory_space<hbm>>
        %dma_start3A_226 = tpu.memref_slice %arg3[%multiple_of3A_224] : memref<640000xi32, #tpu.memory_space<hbm>> -> memref<80xi32, #tpu.memory_space<hbm>>
        tpu.enqueue_dma source(%dma_start3A_226 : memref<80xi32, #tpu.memory_space<hbm>>) target(%arg6 : memref<80xi32, #tpu.memory_space<vmem>>) target_semaphore(%arg15 : memref<!tpu.dma_semaphore, #tpu.memory_space<semaphore_mem>>)
      } else {
      }
      %mul3A_166 = arith.constant 3 : i32
      %mul3A_167 = arith.muli %scan3A_141, %mul3A_166 : i32
      %add3A_168 = arith.constant 1 : i32
      %add3A_169 = arith.addi %mul3A_167, %add3A_168 : i32
      %add3A_170 = arith.constant 2 : i32
      %add3A_171 = arith.addi %add3A_169, %add3A_170 : i32
      %lt3A_172 = arith.constant 50 : i32
      %lt3A_173 = arith.cmpi slt, %add3A_171, %lt3A_172 : i32
      %convert_element_type3A_174 = arith.extui %lt3A_173 : i1 to i32
      %cond3A_175 = arith.constant 0 : i32
      %cond3A_176 = arith.cmpi ne, %convert_element_type3A_174, %cond3A_175 : i32
      scf.if %cond3A_176 {
        %add3A_213 = arith.constant 2 : i32
        %add3A_214 = arith.addi %add3A_169, %add3A_213 : i32
        %mul3A_215 = arith.constant 80 : i32
        %mul3A_216 = arith.muli %add3A_214, %mul3A_215 : i32
        %dma_start3A_217 = tpu.memref_slice %arg5[%mul3A_216] : memref<6000xi32, #tpu.memory_space<vmem>> -> memref<80xi32, #tpu.memory_space<vmem>>
        %dma_start3A_218 = arith.constant 0 : i32
        %dma_start3A_219 = arith.constant 0 : i32
        %dma_start3A_220 = tpu.memref_slice %arg2[%dma_start3A_218, %dma_start3A_219] : memref<10000x128xf32, #tpu.memory_space<hbm>> -> memref<10000x128xf32, #tpu.memory_space<hbm>>
        tpu.enqueue_indirect_dma source(%dma_start3A_220 : memref<10000x128xf32, #tpu.memory_space<hbm>>) target(%arg9 : memref<80x128xf32, #tpu.memory_space<vmem>>) offsets(%dma_start3A_217 : memref<80xi32, #tpu.memory_space<vmem>>) semaphore(%arg12 : memref<!tpu.dma_semaphore, #tpu.memory_space<semaphore_mem>>)
      } else {
      }
      %lt3A_177 = arith.constant 50 : i32
      %lt3A_178 = arith.cmpi slt, %add3A_169, %lt3A_177 : i32
      %convert_element_type3A_179 = arith.extui %lt3A_178 : i1 to i32
      %cond3A_180 = arith.constant 0 : i32
      %cond3A_181 = arith.cmpi ne, %convert_element_type3A_179, %cond3A_180 : i32
      scf.if %cond3A_181 {
        %mul3A_213 = arith.constant 80 : i32
        %mul3A_214 = arith.muli %add3A_169, %mul3A_213 : i32
        %dma_wait3A = tpu.memref_slice %arg5[%mul3A_214] : memref<6000xi32, #tpu.memory_space<vmem>> -> memref<80xi32, #tpu.memory_space<vmem>>
        %dma_wait3A_215 = arith.constant 0 : i32
        %dma_wait3A_216 = arith.constant 0 : i32
        %dma_wait3A_217 = tpu.memref_slice %arg2[%dma_wait3A_215, %dma_wait3A_216] : memref<10000x128xf32, #tpu.memory_space<hbm>> -> memref<10000x128xf32, #tpu.memory_space<hbm>>
        tpu.wait_indirect_dma semaphore(%arg13 : memref<!tpu.dma_semaphore, #tpu.memory_space<semaphore_mem>>) src(%dma_wait3A_217 : memref<10000x128xf32, #tpu.memory_space<hbm>>) dst(%arg10 : memref<80x128xf32, #tpu.memory_space<vmem>>)
        %add3A_218 = arith.constant 75 : i32
        %add3A_219 = arith.addi %add3A_218, %add3A_169 : i32
        %mul3A_220 = arith.constant 10000 : i32
        %mul3A_221 = arith.muli %add3A, %mul3A_220 : i32
        %add3A_222 = arith.constant 320000 : i32
        %add3A_223 = arith.addi %add3A_222, %mul3A_221 : i32
        %mul3A_224 = arith.constant 80 : i32
        %mul3A_225 = arith.muli %add3A_219, %mul3A_224 : i32
        %add3A_226 = arith.addi %add3A_223, %mul3A_225 : i32
        %multiple_of3A_227 = tpu.assume_multiple %add3A_226, 8 : i32
        %dma_wait3A_228 = tpu.memref_slice %arg3[%multiple_of3A_227] : memref<640000xi32, #tpu.memory_space<hbm>> -> memref<80xi32, #tpu.memory_space<hbm>>
        %dma_wait3A_229 = tpu.memref_slice %arg3[%multiple_of3A_227] : memref<640000xi32, #tpu.memory_space<hbm>> -> memref<80xi32, #tpu.memory_space<hbm>>
        tpu.wait_dma2 semaphore(%arg16 : memref<!tpu.dma_semaphore, #tpu.memory_space<semaphore_mem>>) src(%dma_wait3A_229 : memref<80xi32, #tpu.memory_space<hbm>>) dst(%arg7 : memref<80xi32, #tpu.memory_space<vmem>>)
        "tpu.region"() ({
          %run_scoped3A = tpu.sem_alloc : memref<!tpu.dma_semaphore, #tpu.memory_space<semaphore_mem>>
          %dma_start3A_230 = arith.constant 0 : i32
          %dma_start3A_231 = arith.constant 0 : i32
          %dma_start3A_232 = tpu.memref_slice %arg18[%dma_start3A_230, %dma_start3A_231] : memref<10000x128xf32, #tpu.memory_space<vmem_shared>> -> memref<10000x128xf32, #tpu.memory_space<vmem_shared>>
          tpu.enqueue_indirect_dma source(%arg10 : memref<80x128xf32, #tpu.memory_space<vmem>>) target(%dma_start3A_232 : memref<10000x128xf32, #tpu.memory_space<vmem_shared>>) offsets(%arg7 : memref<80xi32, #tpu.memory_space<vmem>>) semaphore(%run_scoped3A : memref<!tpu.dma_semaphore, #tpu.memory_space<semaphore_mem>>) {add = true}
          %dma_wait3A_233 = arith.constant 0 : i32
          %dma_wait3A_234 = arith.constant 0 : i32
          %dma_wait3A_235 = tpu.memref_slice %arg18[%dma_wait3A_233, %dma_wait3A_234] : memref<10000x128xf32, #tpu.memory_space<vmem_shared>> -> memref<10000x128xf32, #tpu.memory_space<vmem_shared>>
          tpu.wait_indirect_dma semaphore(%run_scoped3A : memref<!tpu.dma_semaphore, #tpu.memory_space<semaphore_mem>>) src(%arg10 : memref<80x128xf32, #tpu.memory_space<vmem>>) dst(%dma_wait3A_235 : memref<10000x128xf32, #tpu.memory_space<vmem_shared>>)
          tpu.yield
        }) : () -> ()
      } else {
      }
      %add3A_182 = arith.constant 3 : i32
      %add3A_183 = arith.addi %add3A_169, %add3A_182 : i32
      %lt3A_184 = arith.constant 50 : i32
      %lt3A_185 = arith.cmpi slt, %add3A_183, %lt3A_184 : i32
      %convert_element_type3A_186 = arith.extui %lt3A_185 : i1 to i32
      %cond3A_187 = arith.constant 0 : i32
      %cond3A_188 = arith.cmpi ne, %convert_element_type3A_186, %cond3A_187 : i32
      scf.if %cond3A_188 {
        %add3A_213 = arith.constant 75 : i32
        %add3A_214 = arith.addi %add3A_213, %add3A_169 : i32
        %add3A_215 = arith.constant 3 : i32
        %add3A_216 = arith.addi %add3A_214, %add3A_215 : i32
        %mul3A_217 = arith.constant 10000 : i32
        %mul3A_218 = arith.muli %add3A, %mul3A_217 : i32
        %add3A_219 = arith.constant 320000 : i32
        %add3A_220 = arith.addi %add3A_219, %mul3A_218 : i32
        %mul3A_221 = arith.constant 80 : i32
        %mul3A_222 = arith.muli %add3A_216, %mul3A_221 : i32
        %add3A_223 = arith.addi %add3A_220, %mul3A_222 : i32
        %multiple_of3A_224 = tpu.assume_multiple %add3A_223, 8 : i32
        %dma_start3A_225 = tpu.memref_slice %arg3[%multiple_of3A_224] : memref<640000xi32, #tpu.memory_space<hbm>> -> memref<80xi32, #tpu.memory_space<hbm>>
        %dma_start3A_226 = tpu.memref_slice %arg3[%multiple_of3A_224] : memref<640000xi32, #tpu.memory_space<hbm>> -> memref<80xi32, #tpu.memory_space<hbm>>
        tpu.enqueue_dma source(%dma_start3A_226 : memref<80xi32, #tpu.memory_space<hbm>>) target(%arg7 : memref<80xi32, #tpu.memory_space<vmem>>) target_semaphore(%arg16 : memref<!tpu.dma_semaphore, #tpu.memory_space<semaphore_mem>>)
      } else {
      }
      %mul3A_189 = arith.constant 3 : i32
      %mul3A_190 = arith.muli %scan3A_141, %mul3A_189 : i32
      %add3A_191 = arith.constant 2 : i32
      %add3A_192 = arith.addi %mul3A_190, %add3A_191 : i32
      %add3A_193 = arith.constant 2 : i32
      %add3A_194 = arith.addi %add3A_192, %add3A_193 : i32
      %lt3A_195 = arith.constant 50 : i32
      %lt3A_196 = arith.cmpi slt, %add3A_194, %lt3A_195 : i32
      %convert_element_type3A_197 = arith.extui %lt3A_196 : i1 to i32
      %cond3A_198 = arith.constant 0 : i32
      %cond3A_199 = arith.cmpi ne, %convert_element_type3A_197, %cond3A_198 : i32
      scf.if %cond3A_199 {
        %add3A_213 = arith.constant 2 : i32
        %add3A_214 = arith.addi %add3A_192, %add3A_213 : i32
        %mul3A_215 = arith.constant 80 : i32
        %mul3A_216 = arith.muli %add3A_214, %mul3A_215 : i32
        %dma_start3A_217 = tpu.memref_slice %arg5[%mul3A_216] : memref<6000xi32, #tpu.memory_space<vmem>> -> memref<80xi32, #tpu.memory_space<vmem>>
        %dma_start3A_218 = arith.constant 0 : i32
        %dma_start3A_219 = arith.constant 0 : i32
        %dma_start3A_220 = tpu.memref_slice %arg2[%dma_start3A_218, %dma_start3A_219] : memref<10000x128xf32, #tpu.memory_space<hbm>> -> memref<10000x128xf32, #tpu.memory_space<hbm>>
        tpu.enqueue_indirect_dma source(%dma_start3A_220 : memref<10000x128xf32, #tpu.memory_space<hbm>>) target(%arg10 : memref<80x128xf32, #tpu.memory_space<vmem>>) offsets(%dma_start3A_217 : memref<80xi32, #tpu.memory_space<vmem>>) semaphore(%arg13 : memref<!tpu.dma_semaphore, #tpu.memory_space<semaphore_mem>>)
      } else {
      }
      %lt3A_200 = arith.constant 50 : i32
      %lt3A_201 = arith.cmpi slt, %add3A_192, %lt3A_200 : i32
      %convert_element_type3A_202 = arith.extui %lt3A_201 : i1 to i32
      %cond3A_203 = arith.constant 0 : i32
      %cond3A_204 = arith.cmpi ne, %convert_element_type3A_202, %cond3A_203 : i32
      scf.if %cond3A_204 {
        %mul3A_213 = arith.constant 80 : i32
        %mul3A_214 = arith.muli %add3A_192, %mul3A_213 : i32
        %dma_wait3A = tpu.memref_slice %arg5[%mul3A_214] : memref<6000xi32, #tpu.memory_space<vmem>> -> memref<80xi32, #tpu.memory_space<vmem>>
        %dma_wait3A_215 = arith.constant 0 : i32
        %dma_wait3A_216 = arith.constant 0 : i32
        %dma_wait3A_217 = tpu.memref_slice %arg2[%dma_wait3A_215, %dma_wait3A_216] : memref<10000x128xf32, #tpu.memory_space<hbm>> -> memref<10000x128xf32, #tpu.memory_space<hbm>>
        tpu.wait_indirect_dma semaphore(%arg14 : memref<!tpu.dma_semaphore, #tpu.memory_space<semaphore_mem>>) src(%dma_wait3A_217 : memref<10000x128xf32, #tpu.memory_space<hbm>>) dst(%arg11 : memref<80x128xf32, #tpu.memory_space<vmem>>)
        %add3A_218 = arith.constant 75 : i32
        %add3A_219 = arith.addi %add3A_218, %add3A_192 : i32
        %mul3A_220 = arith.constant 10000 : i32
        %mul3A_221 = arith.muli %add3A, %mul3A_220 : i32
        %add3A_222 = arith.constant 320000 : i32
        %add3A_223 = arith.addi %add3A_222, %mul3A_221 : i32
        %mul3A_224 = arith.constant 80 : i32
        %mul3A_225 = arith.muli %add3A_219, %mul3A_224 : i32
        %add3A_226 = arith.addi %add3A_223, %mul3A_225 : i32
        %multiple_of3A_227 = tpu.assume_multiple %add3A_226, 8 : i32
        %dma_wait3A_228 = tpu.memref_slice %arg3[%multiple_of3A_227] : memref<640000xi32, #tpu.memory_space<hbm>> -> memref<80xi32, #tpu.memory_space<hbm>>
        %dma_wait3A_229 = tpu.memref_slice %arg3[%multiple_of3A_227] : memref<640000xi32, #tpu.memory_space<hbm>> -> memref<80xi32, #tpu.memory_space<hbm>>
        tpu.wait_dma2 semaphore(%arg17 : memref<!tpu.dma_semaphore, #tpu.memory_space<semaphore_mem>>) src(%dma_wait3A_229 : memref<80xi32, #tpu.memory_space<hbm>>) dst(%arg8 : memref<80xi32, #tpu.memory_space<vmem>>)
        "tpu.region"() ({
          %run_scoped3A = tpu.sem_alloc : memref<!tpu.dma_semaphore, #tpu.memory_space<semaphore_mem>>
          %dma_start3A_230 = arith.constant 0 : i32
          %dma_start3A_231 = arith.constant 0 : i32
          %dma_start3A_232 = tpu.memref_slice %arg18[%dma_start3A_230, %dma_start3A_231] : memref<10000x128xf32, #tpu.memory_space<vmem_shared>> -> memref<10000x128xf32, #tpu.memory_space<vmem_shared>>
          tpu.enqueue_indirect_dma source(%arg11 : memref<80x128xf32, #tpu.memory_space<vmem>>) target(%dma_start3A_232 : memref<10000x128xf32, #tpu.memory_space<vmem_shared>>) offsets(%arg8 : memref<80xi32, #tpu.memory_space<vmem>>) semaphore(%run_scoped3A : memref<!tpu.dma_semaphore, #tpu.memory_space<semaphore_mem>>) {add = true}
          %dma_wait3A_233 = arith.constant 0 : i32
          %dma_wait3A_234 = arith.constant 0 : i32
          %dma_wait3A_235 = tpu.memref_slice %arg18[%dma_wait3A_233, %dma_wait3A_234] : memref<10000x128xf32, #tpu.memory_space<vmem_shared>> -> memref<10000x128xf32, #tpu.memory_space<vmem_shared>>
          tpu.wait_indirect_dma semaphore(%run_scoped3A : memref<!tpu.dma_semaphore, #tpu.memory_space<semaphore_mem>>) src(%arg11 : memref<80x128xf32, #tpu.memory_space<vmem>>) dst(%dma_wait3A_235 : memref<10000x128xf32, #tpu.memory_space<vmem_shared>>)
          tpu.yield
        }) : () -> ()
      } else {
      }
      %add3A_205 = arith.constant 3 : i32
      %add3A_206 = arith.addi %add3A_192, %add3A_205 : i32
      %lt3A_207 = arith.constant 50 : i32
      %lt3A_208 = arith.cmpi slt, %add3A_206, %lt3A_207 : i32
      %convert_element_type3A_209 = arith.extui %lt3A_208 : i1 to i32
      %cond3A_210 = arith.constant 0 : i32
      %cond3A_211 = arith.cmpi ne, %convert_element_type3A_209, %cond3A_210 : i32
      scf.if %cond3A_211 {
        %add3A_213 = arith.constant 75 : i32
        %add3A_214 = arith.addi %add3A_213, %add3A_192 : i32
        %add3A_215 = arith.constant 3 : i32
        %add3A_216 = arith.addi %add3A_214, %add3A_215 : i32
        %mul3A_217 = arith.constant 10000 : i32
        %mul3A_218 = arith.muli %add3A, %mul3A_217 : i32
        %add3A_219 = arith.constant 320000 : i32
        %add3A_220 = arith.addi %add3A_219, %mul3A_218 : i32
        %mul3A_221 = arith.constant 80 : i32
        %mul3A_222 = arith.muli %add3A_216, %mul3A_221 : i32
        %add3A_223 = arith.addi %add3A_220, %mul3A_222 : i32
        %multiple_of3A_224 = tpu.assume_multiple %add3A_223, 8 : i32
        %dma_start3A_225 = tpu.memref_slice %arg3[%multiple_of3A_224] : memref<640000xi32, #tpu.memory_space<hbm>> -> memref<80xi32, #tpu.memory_space<hbm>>
        %dma_start3A_226 = tpu.memref_slice %arg3[%multiple_of3A_224] : memref<640000xi32, #tpu.memory_space<hbm>> -> memref<80xi32, #tpu.memory_space<hbm>>
        tpu.enqueue_dma source(%dma_start3A_226 : memref<80xi32, #tpu.memory_space<hbm>>) target(%arg8 : memref<80xi32, #tpu.memory_space<vmem>>) target_semaphore(%arg17 : memref<!tpu.dma_semaphore, #tpu.memory_space<semaphore_mem>>)
      } else {
      }
      %scan3A_212 = arith.constant 0 : i32
      scf.yield %scan3A_212 : i32
    }
    %scan3A_129 = arith.constant 17 : i32
    %barrier3A_130 = arith.constant 0 : index
    tpu.barrier barrier_id(%barrier3A_130)
    %lt3A_131 = arith.constant 15 : i32
    %lt3A_132 = arith.cmpi slt, %arg1, %lt3A_131 : i32
    %convert_element_type3A_133 = arith.extui %lt3A_132 : i1 to i32
    %cond3A_134 = arith.constant 0 : i32
    %cond3A_135 = arith.cmpi ne, %convert_element_type3A_133, %cond3A_134 : i32
    scf.if %cond3A_135 {
      "tpu.region"() ({
        %run_scoped3A = tpu.sem_alloc : memref<!tpu.dma_semaphore, #tpu.memory_space<semaphore_mem>>
        %dma_start3A_141 = arith.constant 0 : i32
        %dma_start3A_142 = tpu.memref_slice %arg4[%arg0, %multiple_of3A, %dma_start3A_141] : memref<2x10000x128xf32, #tpu.memory_space<hbm>> -> memref<1x640x128xf32, #tpu.memory_space<hbm>>
        %dma_start3A_143 = tpu.memref_squeeze %dma_start3A_142 : memref<1x640x128xf32, #tpu.memory_space<hbm>> -> memref<640x128xf32, #tpu.memory_space<hbm>>
        %dma_start3A_144 = arith.constant 0 : i32
        %dma_start3A_145 = tpu.memref_slice %arg18[%multiple_of3A, %dma_start3A_144] : memref<10000x128xf32, #tpu.memory_space<vmem_shared>> -> memref<640x128xf32, #tpu.memory_space<vmem_shared>>
        tpu.enqueue_dma source(%dma_start3A_145 : memref<640x128xf32, #tpu.memory_space<vmem_shared>>) target(%dma_start3A_143 : memref<640x128xf32, #tpu.memory_space<hbm>>) target_semaphore(%run_scoped3A : memref<!tpu.dma_semaphore, #tpu.memory_space<semaphore_mem>>)
        %dma_wait3A = arith.constant 0 : i32
        %dma_wait3A_146 = tpu.memref_slice %arg4[%arg0, %multiple_of3A, %dma_wait3A] : memref<2x10000x128xf32, #tpu.memory_space<hbm>> -> memref<1x640x128xf32, #tpu.memory_space<hbm>>
        %dma_wait3A_147 = tpu.memref_squeeze %dma_wait3A_146 : memref<1x640x128xf32, #tpu.memory_space<hbm>> -> memref<640x128xf32, #tpu.memory_space<hbm>>
        %dma_wait3A_148 = arith.constant 0 : i32
        %dma_wait3A_149 = tpu.memref_slice %arg18[%multiple_of3A, %dma_wait3A_148] : memref<10000x128xf32, #tpu.memory_space<vmem_shared>> -> memref<640x128xf32, #tpu.memory_space<vmem_shared>>
        tpu.wait_dma2 semaphore(%run_scoped3A : memref<!tpu.dma_semaphore, #tpu.memory_space<semaphore_mem>>) src(%dma_wait3A_149 : memref<640x128xf32, #tpu.memory_space<vmem_shared>>) dst(%dma_wait3A_147 : memref<640x128xf32, #tpu.memory_space<hbm>>)
        tpu.yield
      }) : () -> ()
    } else {
    }
    %eq3A_136 = arith.constant 15 : i32
    %eq3A_137 = arith.cmpi eq, %arg1, %eq3A_136 : i32
    %convert_element_type3A_138 = arith.extui %eq3A_137 : i1 to i32
    %cond3A_139 = arith.constant 0 : i32
    %cond3A_140 = arith.cmpi ne, %convert_element_type3A_138, %cond3A_139 : i32
    scf.if %cond3A_140 {
      "tpu.region"() ({
        %run_scoped3A = tpu.sem_alloc : memref<!tpu.dma_semaphore, #tpu.memory_space<semaphore_mem>>
        %dma_start3A_141 = arith.constant 0 : i32
        %dma_start3A_142 = tpu.memref_slice %arg4[%arg0, %multiple_of3A, %dma_start3A_141] : memref<2x10000x128xf32, #tpu.memory_space<hbm>> -> memref<1x400x128xf32, #tpu.memory_space<hbm>>
        %dma_start3A_143 = tpu.memref_squeeze %dma_start3A_142 : memref<1x400x128xf32, #tpu.memory_space<hbm>> -> memref<400x128xf32, #tpu.memory_space<hbm>>
        %dma_start3A_144 = arith.constant 0 : i32
        %dma_start3A_145 = tpu.memref_slice %arg18[%multiple_of3A, %dma_start3A_144] : memref<10000x128xf32, #tpu.memory_space<vmem_shared>> -> memref<400x128xf32, #tpu.memory_space<vmem_shared>>
        tpu.enqueue_dma source(%dma_start3A_145 : memref<400x128xf32, #tpu.memory_space<vmem_shared>>) target(%dma_start3A_143 : memref<400x128xf32, #tpu.memory_space<hbm>>) target_semaphore(%run_scoped3A : memref<!tpu.dma_semaphore, #tpu.memory_space<semaphore_mem>>)
        %dma_wait3A = arith.constant 0 : i32
        %dma_wait3A_146 = tpu.memref_slice %arg4[%arg0, %multiple_of3A, %dma_wait3A] : memref<2x10000x128xf32, #tpu.memory_space<hbm>> -> memref<1x400x128xf32, #tpu.memory_space<hbm>>
        %dma_wait3A_147 = tpu.memref_squeeze %dma_wait3A_146 : memref<1x400x128xf32, #tpu.memory_space<hbm>> -> memref<400x128xf32, #tpu.memory_space<hbm>>
        %dma_wait3A_148 = arith.constant 0 : i32
        %dma_wait3A_149 = tpu.memref_slice %arg18[%multiple_of3A, %dma_wait3A_148] : memref<10000x128xf32, #tpu.memory_space<vmem_shared>> -> memref<400x128xf32, #tpu.memory_space<vmem_shared>>
        tpu.wait_dma2 semaphore(%run_scoped3A : memref<!tpu.dma_semaphore, #tpu.memory_space<semaphore_mem>>) src(%dma_wait3A_149 : memref<400x128xf32, #tpu.memory_space<vmem_shared>>) dst(%dma_wait3A_147 : memref<400x128xf32, #tpu.memory_space<hbm>>)
        tpu.yield
      }) : () -> ()
    } else {
    }
    return
  }
}

module attributes {stable_mosaic.version = 14 : i64} {
  func.func @_k6_body(%arg0: i32, %arg1: memref<2x1000x128xf32, #tpu.memory_space<vmem>>, %arg2: memref<1000x8xf32, #tpu.memory_space<vmem>>, %arg3: memref<128x64xf32, #tpu.memory_space<vmem>>, %arg4: memref<1x64xf32, #tpu.memory_space<vmem>>, %arg5: memref<128x64xf32, #tpu.memory_space<vmem>>, %arg6: memref<1x64xf32, #tpu.memory_space<vmem>>, %arg7: memref<1000x64xf32, #tpu.memory_space<vmem>>, %arg8: memref<1000x64xf32, #tpu.memory_space<vmem>>) attributes {dimension_semantics = [#tpu.dimension_semantics<arbitrary>], iteration_bounds = array<i64: 10>, scalar_prefetch = 0 : i64, scratch_operands = 0 : i64, tpu.core_type = #tpu.core_type<tc>, window_params = [{transform_indices = @transform_0, window_bounds = array<i64: 2, 1000, 128>}, {transform_indices = @transform_1, window_bounds = array<i64: 1000, 8>}, {pipeline_mode = #tpu.pipeline_mode<synchronous>, transform_indices = @transform_2, window_bounds = array<i64: 128, 64>}, {pipeline_mode = #tpu.pipeline_mode<synchronous>, transform_indices = @transform_3, window_bounds = array<i64: 1, 64>}, {pipeline_mode = #tpu.pipeline_mode<synchronous>, transform_indices = @transform_4, window_bounds = array<i64: 128, 64>}, {pipeline_mode = #tpu.pipeline_mode<synchronous>, transform_indices = @transform_5, window_bounds = array<i64: 1, 64>}, {transform_indices = @transform_6, window_bounds = array<i64: 1000, 64>}, {transform_indices = @transform_7, window_bounds = array<i64: 1000, 64>}]} {
    %get3A = arith.constant 0 : index
    %get3A_0 = arith.constant 0 : index
    %get3A_1 = vector.load %arg2[%get3A, %get3A_0] : memref<1000x8xf32, #tpu.memory_space<vmem>>, vector<1000x1xf32>
    %get3A_2 = vector.shape_cast %get3A_1 : vector<1000x1xf32> to vector<1000xf32>
    %get3A_3 = arith.constant 0 : index
    %get3A_4 = arith.constant 0 : index
    %get3A_5 = arith.constant 0 : index
    %get3A_6 = vector.load %arg1[%get3A_3, %get3A_4, %get3A_5] : memref<2x1000x128xf32, #tpu.memory_space<vmem>>, vector<1x1000x128xf32>
    %get3A_7 = vector.shape_cast %get3A_6 : vector<1x1000x128xf32> to vector<1000x128xf32>
    %get3A_8 = arith.constant 1 : index
    %get3A_9 = arith.constant 0 : index
    %get3A_10 = arith.constant 0 : index
    %get3A_11 = vector.load %arg1[%get3A_8, %get3A_9, %get3A_10] : memref<2x1000x128xf32, #tpu.memory_space<vmem>>, vector<1x1000x128xf32>
    %get3A_12 = vector.shape_cast %get3A_11 : vector<1x1000x128xf32> to vector<1000x128xf32>
    %add3A = arith.addf %get3A_7, %get3A_12 : vector<1000x128xf32>
    %broadcast_in_dim3A = vector.shape_cast %get3A_2 : vector<1000xf32> to vector<1000x1xf32>
    %mul3A = vector.broadcast %broadcast_in_dim3A : vector<1000x1xf32> to vector<1000x128xf32>
    %mul3A_13 = arith.mulf %add3A, %mul3A : vector<1000x128xf32>
    %get3A_14 = arith.constant 0 : index
    %get3A_15 = arith.constant 0 : index
    %get3A_16 = vector.load %arg3[%get3A_14, %get3A_15] : memref<128x64xf32, #tpu.memory_space<vmem>>, vector<128x64xf32>
    %dot_general3A = arith.constant dense<0.000000e+00> : vector<1000x64xf32>
    %dot_general3A_17 = tpu.matmul %mul3A_13, %get3A_16, %dot_general3A {dimension_numbers = #tpu.dot_dimension_numbers<[1], [0], [0], [1], [0, 0, 1, 1], [], []>, transpose_lhs_hint = false} : vector<1000x128xf32>, vector<128x64xf32>, vector<1000x64xf32> -> vector<1000x64xf32>
    %get3A_18 = arith.constant 0 : index
    %get3A_19 = arith.constant 0 : index
    %get3A_20 = vector.load %arg4[%get3A_18, %get3A_19] : memref<1x64xf32, #tpu.memory_space<vmem>>, vector<1x64xf32>
    %add3A_21 = vector.broadcast %get3A_20 : vector<1x64xf32> to vector<1000x64xf32>
    %add3A_22 = arith.addf %dot_general3A_17, %add3A_21 : vector<1000x64xf32>
    %swap3A = arith.constant 0 : index
    %swap3A_23 = arith.constant 0 : index
    %swap3A_24 = vector.load %arg7[%swap3A, %swap3A_23] : memref<1000x64xf32, #tpu.memory_space<vmem>>, vector<1000x64xf32>
    tpu.vector_store %arg7[%swap3A, %swap3A_23], %add3A_22 {strides = array<i32>} : memref<1000x64xf32, #tpu.memory_space<vmem>>, vector<1000x64xf32>,
    %get3A_25 = arith.constant 0 : index
    %get3A_26 = arith.constant 0 : index
    %get3A_27 = vector.load %arg5[%get3A_25, %get3A_26] : memref<128x64xf32, #tpu.memory_space<vmem>>, vector<128x64xf32>
    %dot_general3A_28 = arith.constant dense<0.000000e+00> : vector<1000x64xf32>
    %dot_general3A_29 = tpu.matmul %mul3A_13, %get3A_27, %dot_general3A_28 {dimension_numbers = #tpu.dot_dimension_numbers<[1], [0], [0], [1], [0, 0, 1, 1], [], []>, transpose_lhs_hint = false} : vector<1000x128xf32>, vector<128x64xf32>, vector<1000x64xf32> -> vector<1000x64xf32>
    %get3A_30 = arith.constant 0 : index
    %get3A_31 = arith.constant 0 : index
    %get3A_32 = vector.load %arg6[%get3A_30, %get3A_31] : memref<1x64xf32, #tpu.memory_space<vmem>>, vector<1x64xf32>
    %add3A_33 = vector.broadcast %get3A_32 : vector<1x64xf32> to vector<1000x64xf32>
    %add3A_34 = arith.addf %dot_general3A_29, %add3A_33 : vector<1000x64xf32>
    %swap3A_35 = arith.constant 0 : index
    %swap3A_36 = arith.constant 0 : index
    %swap3A_37 = vector.load %arg8[%swap3A_35, %swap3A_36] : memref<1000x64xf32, #tpu.memory_space<vmem>>, vector<1000x64xf32>
    tpu.vector_store %arg8[%swap3A_35, %swap3A_36], %add3A_34 {strides = array<i32>} : memref<1000x64xf32, #tpu.memory_space<vmem>>, vector<1000x64xf32>,
    return
  }
  func.func @transform_0(%arg0: i32) -> (i32, i32, i32) {
    %c0_i32 = arith.constant 0 : i32
    %c0_i32_0 = arith.constant 0 : i32
    %c0_i32_1 = arith.constant 0 : i32
    return %c0_i32, %arg0, %c0_i32_0 : i32, i32, i32
  }
  func.func @transform_1(%arg0: i32) -> (i32, i32) {
    %c0_i32 = arith.constant 0 : i32
    %c0_i32_0 = arith.constant 0 : i32
    return %arg0, %c0_i32 : i32, i32
  }
  func.func @transform_2(%arg0: i32) -> (i32, i32) {
    %c0_i32 = arith.constant 0 : i32
    %c0_i32_0 = arith.constant 0 : i32
    %c0_i32_1 = arith.constant 0 : i32
    return %c0_i32, %c0_i32_0 : i32, i32
  }
  func.func @transform_3(%arg0: i32) -> (i32, i32) {
    %c0_i32 = arith.constant 0 : i32
    %c0_i32_0 = arith.constant 0 : i32
    %c0_i32_1 = arith.constant 0 : i32
    return %c0_i32, %c0_i32_0 : i32, i32
  }
  func.func @transform_4(%arg0: i32) -> (i32, i32) {
    %c0_i32 = arith.constant 0 : i32
    %c0_i32_0 = arith.constant 0 : i32
    %c0_i32_1 = arith.constant 0 : i32
    return %c0_i32, %c0_i32_0 : i32, i32
  }
  func.func @transform_5(%arg0: i32) -> (i32, i32) {
    %c0_i32 = arith.constant 0 : i32
    %c0_i32_0 = arith.constant 0 : i32
    %c0_i32_1 = arith.constant 0 : i32
    return %c0_i32, %c0_i32_0 : i32, i32
  }
  func.func @transform_6(%arg0: i32) -> (i32, i32) {
    %c0_i32 = arith.constant 0 : i32
    %c0_i32_0 = arith.constant 0 : i32
    return %arg0, %c0_i32 : i32, i32
  }
  func.func @transform_7(%arg0: i32) -> (i32, i32) {
    %c0_i32 = arith.constant 0 : i32
    %c0_i32_0 = arith.constant 0 : i32
    return %arg0, %c0_i32 : i32, i32
  }
}

module attributes {stable_mosaic.version = 14 : i64} {
  func.func @_k4_body(%arg0: i32, %arg1: memref<2x1000x128xf32, #tpu.memory_space<vmem>>, %arg2: memref<1000x8xf32, #tpu.memory_space<vmem>>, %arg3: memref<1x128xf32, #tpu.memory_space<vmem>>, %arg4: memref<1000x128xf32, #tpu.memory_space<vmem>>) attributes {dimension_semantics = [#tpu.dimension_semantics<arbitrary>], iteration_bounds = array<i64: 10>, scalar_prefetch = 0 : i64, scratch_operands = 0 : i64, tpu.core_type = #tpu.core_type<tc>, window_params = [{transform_indices = @transform_0, window_bounds = array<i64: 2, 1000, 128>}, {transform_indices = @transform_1, window_bounds = array<i64: 1000, 8>}, {pipeline_mode = #tpu.pipeline_mode<synchronous>, transform_indices = @transform_2, window_bounds = array<i64: 1, 128>}, {transform_indices = @transform_3, window_bounds = array<i64: 1000, 128>}]} {
    %get3A = arith.constant 0 : index
    %get3A_0 = arith.constant 0 : index
    %get3A_1 = vector.load %arg2[%get3A, %get3A_0] : memref<1000x8xf32, #tpu.memory_space<vmem>>, vector<1000x1xf32>
    %get3A_2 = vector.shape_cast %get3A_1 : vector<1000x1xf32> to vector<1000xf32>
    %get3A_3 = arith.constant 0 : index
    %get3A_4 = arith.constant 0 : index
    %get3A_5 = arith.constant 0 : index
    %get3A_6 = vector.load %arg1[%get3A_3, %get3A_4, %get3A_5] : memref<2x1000x128xf32, #tpu.memory_space<vmem>>, vector<1x1000x128xf32>
    %get3A_7 = vector.shape_cast %get3A_6 : vector<1x1000x128xf32> to vector<1000x128xf32>
    %get3A_8 = arith.constant 1 : index
    %get3A_9 = arith.constant 0 : index
    %get3A_10 = arith.constant 0 : index
    %get3A_11 = vector.load %arg1[%get3A_8, %get3A_9, %get3A_10] : memref<2x1000x128xf32, #tpu.memory_space<vmem>>, vector<1x1000x128xf32>
    %get3A_12 = vector.shape_cast %get3A_11 : vector<1x1000x128xf32> to vector<1000x128xf32>
    %add3A = arith.addf %get3A_7, %get3A_12 : vector<1000x128xf32>
    %broadcast_in_dim3A = vector.shape_cast %get3A_2 : vector<1000xf32> to vector<1000x1xf32>
    %mul3A = vector.broadcast %broadcast_in_dim3A : vector<1000x1xf32> to vector<1000x128xf32>
    %mul3A_13 = arith.mulf %add3A, %mul3A : vector<1000x128xf32>
    %get3A_14 = arith.constant 0 : index
    %get3A_15 = arith.constant 0 : index
    %get3A_16 = vector.load %arg3[%get3A_14, %get3A_15] : memref<1x128xf32, #tpu.memory_space<vmem>>, vector<1x128xf32>
    %add3A_17 = vector.broadcast %get3A_16 : vector<1x128xf32> to vector<1000x128xf32>
    %add3A_18 = arith.addf %mul3A_13, %add3A_17 : vector<1000x128xf32>
    %max3A = arith.constant 0.000000e+00 : f32
    %max3A_19 = vector.broadcast %max3A : f32 to vector<1000x128xf32>
    %max3A_20 = arith.maximumf %add3A_18, %max3A_19 : vector<1000x128xf32>
    %broadcast_in_dim3A_21 = vector.shape_cast %get3A_2 : vector<1000xf32> to vector<1000x1xf32>
    %mul3A_22 = vector.broadcast %broadcast_in_dim3A_21 : vector<1000x1xf32> to vector<1000x128xf32>
    %mul3A_23 = arith.mulf %max3A_20, %mul3A_22 : vector<1000x128xf32>
    %swap3A = arith.constant 0 : index
    %swap3A_24 = arith.constant 0 : index
    %swap3A_25 = vector.load %arg4[%swap3A, %swap3A_24] : memref<1000x128xf32, #tpu.memory_space<vmem>>, vector<1000x128xf32>
    tpu.vector_store %arg4[%swap3A, %swap3A_24], %mul3A_23 {strides = array<i32>} : memref<1000x128xf32, #tpu.memory_space<vmem>>, vector<1000x128xf32>,
    return
  }
  func.func @transform_0(%arg0: i32) -> (i32, i32, i32) {
    %c0_i32 = arith.constant 0 : i32
    %c0_i32_0 = arith.constant 0 : i32
    %c0_i32_1 = arith.constant 0 : i32
    return %c0_i32, %arg0, %c0_i32_0 : i32, i32, i32
  }
  func.func @transform_1(%arg0: i32) -> (i32, i32) {
    %c0_i32 = arith.constant 0 : i32
    %c0_i32_0 = arith.constant 0 : i32
    return %arg0, %c0_i32 : i32, i32
  }
  func.func @transform_2(%arg0: i32) -> (i32, i32) {
    %c0_i32 = arith.constant 0 : i32
    %c0_i32_0 = arith.constant 0 : i32
    %c0_i32_1 = arith.constant 0 : i32
    return %c0_i32, %c0_i32_0 : i32, i32
  }
  func.func @transform_3(%arg0: i32) -> (i32, i32) {
    %c0_i32 = arith.constant 0 : i32
    %c0_i32_0 = arith.constant 0 : i32
    return %arg0, %c0_i32 : i32, i32
  }
}

module attributes {stable_mosaic.version = 14 : i64} {
  func.func @_k2_body(%arg0: i32, %arg1: memref<32x10240xf32, #tpu.memory_space<vmem>>, %arg2: memref<1024x128xf32, #tpu.memory_space<vmem>>, %arg3: memref<128x128xf32, #tpu.memory_space<vmem>>, %arg4: memref<1024x128xf32, #tpu.memory_space<vmem>>, %arg5: memref<1024x8xf32, #tpu.memory_space<vmem>>) attributes {dimension_semantics = [#tpu.dimension_semantics<arbitrary>], iteration_bounds = array<i64: 10>, scalar_prefetch = 0 : i64, scratch_operands = 0 : i64, tpu.core_type = #tpu.core_type<tc>, window_params = [{pipeline_mode = #tpu.pipeline_mode<synchronous>, transform_indices = @transform_0, window_bounds = array<i64: 32, 10240>}, {transform_indices = @transform_1, window_bounds = array<i64: 1024, 128>}, {pipeline_mode = #tpu.pipeline_mode<synchronous>, transform_indices = @transform_2, window_bounds = array<i64: 128, 128>}, {transform_indices = @transform_3, window_bounds = array<i64: 1024, 128>}, {transform_indices = @transform_4, window_bounds = array<i64: 1024, 8>}]} {
    %mul3A = arith.constant 1024 : i32
    %mul3A_0 = arith.muli %arg0, %mul3A : i32
    %multiple_of3A = tpu.assume_multiple %mul3A_0, 128 : i32
    %get3A = arith.constant 0 : index
    %get3A_1 = arith.index_cast %multiple_of3A : i32 to index
    %get3A_2 = vector.load %arg1[%get3A, %get3A_1] : memref<32x10240xf32, #tpu.memory_space<vmem>>, vector<32x1024xf32>
    %reduce_sum3A = arith.constant dense<0.000000e+00> : vector<1024xf32>
    %reduce_sum3A_3 = vector.multi_reduction <add>, %get3A_2, %reduce_sum3A [0] : vector<32x1024xf32> to vector<1024xf32>
    %add3A = arith.constant 1.000000e+00 : f32
    %add3A_4 = vector.broadcast %add3A : f32 to vector<1024xf32>
    %add3A_5 = arith.addf %add3A_4, %reduce_sum3A_3 : vector<1024xf32>
    %rsqrt3A = math.rsqrt %add3A_5 : vector<1024xf32>
    %get3A_6 = arith.constant 0 : index
    %get3A_7 = arith.constant 0 : index
    %get3A_8 = vector.load %arg2[%get3A_6, %get3A_7] : memref<1024x128xf32, #tpu.memory_space<vmem>>, vector<1024x128xf32>
    %get3A_9 = arith.constant 0 : index
    %get3A_10 = arith.constant 0 : index
    %get3A_11 = vector.load %arg3[%get3A_9, %get3A_10] : memref<128x128xf32, #tpu.memory_space<vmem>>, vector<128x128xf32>
    %dot_general3A = arith.constant dense<0.000000e+00> : vector<1024x128xf32>
    %dot_general3A_12 = tpu.matmul %get3A_8, %get3A_11, %dot_general3A {dimension_numbers = #tpu.dot_dimension_numbers<[1], [0], [0], [1], [0, 0, 1, 1], [], []>, transpose_lhs_hint = false} : vector<1024x128xf32>, vector<128x128xf32>, vector<1024x128xf32> -> vector<1024x128xf32>
    %broadcast_in_dim3A = vector.shape_cast %rsqrt3A : vector<1024xf32> to vector<1024x1xf32>
    %mul3A_13 = vector.broadcast %broadcast_in_dim3A : vector<1024x1xf32> to vector<1024x128xf32>
    %mul3A_14 = arith.mulf %dot_general3A_12, %mul3A_13 : vector<1024x128xf32>
    %swap3A = arith.constant 0 : index
    %swap3A_15 = arith.constant 0 : index
    %swap3A_16 = vector.load %arg4[%swap3A, %swap3A_15] : memref<1024x128xf32, #tpu.memory_space<vmem>>, vector<1024x128xf32>
    tpu.vector_store %arg4[%swap3A, %swap3A_15], %mul3A_14 {strides = array<i32>} : memref<1024x128xf32, #tpu.memory_space<vmem>>, vector<1024x128xf32>,
    %broadcast_in_dim3A_17 = vector.shape_cast %rsqrt3A : vector<1024xf32> to vector<1024x1xf32>
    %broadcast_in_dim3A_18 = vector.shape_cast %broadcast_in_dim3A_17 : vector<1024x1xf32> to vector<1024x1xf32>
    %broadcast_in_dim3A_19 = vector.broadcast %broadcast_in_dim3A_18 : vector<1024x1xf32> to vector<1024x8xf32>
    %swap3A_20 = arith.constant 0 : index
    %swap3A_21 = arith.constant 0 : index
    %swap3A_22 = vector.load %arg5[%swap3A_20, %swap3A_21] : memref<1024x8xf32, #tpu.memory_space<vmem>>, vector<1024x8xf32>
    tpu.vector_store %arg5[%swap3A_20, %swap3A_21], %broadcast_in_dim3A_19 {strides = array<i32>} : memref<1024x8xf32, #tpu.memory_space<vmem>>, vector<1024x8xf32>,
    return
  }
  func.func @transform_0(%arg0: i32) -> (i32, i32) {
    %c0_i32 = arith.constant 0 : i32
    %c0_i32_0 = arith.constant 0 : i32
    %c0_i32_1 = arith.constant 0 : i32
    return %c0_i32, %c0_i32_0 : i32, i32
  }
  func.func @transform_1(%arg0: i32) -> (i32, i32) {
    %c0_i32 = arith.constant 0 : i32
    %c0_i32_0 = arith.constant 0 : i32
    return %arg0, %c0_i32 : i32, i32
  }
  func.func @transform_2(%arg0: i32) -> (i32, i32) {
    %c0_i32 = arith.constant 0 : i32
    %c0_i32_0 = arith.constant 0 : i32
    %c0_i32_1 = arith.constant 0 : i32
    return %c0_i32, %c0_i32_0 : i32, i32
  }
  func.func @transform_3(%arg0: i32) -> (i32, i32) {
    %c0_i32 = arith.constant 0 : i32
    %c0_i32_0 = arith.constant 0 : i32
    return %arg0, %c0_i32 : i32, i32
  }
  func.func @transform_4(%arg0: i32) -> (i32, i32) {
    %c0_i32 = arith.constant 0 : i32
    %c0_i32_0 = arith.constant 0 : i32
    return %arg0, %c0_i32 : i32, i32
  }
}

</mosaic_0001>

<sc_bundles>
// kernel: kernel.11.cloned.1.call-start
scs
__scs_entry_jumppad:
0x0: {  	(pc) =	sbr.rel $0x88, $3  }
0x1: {  	(tag) =	ssettag $0x0;
	lr =	simm.s32 $0x1  }
0x2: {  	[smem:$0x3F99] =	sst lr;
	_ =	strace $0xD0000000  }
0x3: {  	_ = 	snop  }
0x4: {  	_ = 	snop  }
0x5: {  	_ = 	snop  }
0x6: {  	_ = 	snop  }
0x7: {  	_ = 	snop  }
__scs_overlays_trampoline_lowered:
0x8: {  	[smem:$0x3FA8] =	sst s0  }
0x9: {  	[smem:$0x3FA9] =	sst s1  }
0xa: {  	[smem:$0x3FAA] =	sst s2  }
0xb: {  	[smem:$0x3FAB] =	sst s3  }
0xc: {  	[smem:$0x3FAC] =	sst s4  }
0xd: {  	[smem:$0x3FAD] =	sst s5  }
0xe: {  	[smem:$0x3FAE] =	sst s6  }
0xf: {  	[smem:$0x3FAF] =	sst s7  }
0x10: {  	[smem:$0x3FB0] =	sst s8  }
0x11: {  	[smem:$0x3FB1] =	sst s9;
	s0 =	simm.s32 @!p0 $0x0  }
0x12: {  	s1 =	sld [smem:$0x3F97];
	s0 =	simm.s32 @p0 $0x1  }
0x13: {  	[smem:$0x3FB2] =	sst s0;
	s0 =	simm.s32 @!p1 $0x0  }
0x14: {  	s2 =	sld [smem:$0x3F96];
	s0 =	simm.s32 @p1 $0x1  }
0x15: {  	[smem:$0x3FB3] =	sst s0;
	s0 =	simm.s32 @!p2 $0x0  }
0x16: {  	s3 =	sld [smem:$0x3FDB];
	s0 =	simm.s32 @p2 $0x1  }
0x17: {  	s4 =	simm.s32 $0x1BF5;
	[smem:$0x3FB5] =	sst s0  }
0x18: {  	s0 =	sld [smem:$0x3F98];
	_ =	swait.ge [sflag:s4], $0x0  }
0x19: {  	s7 =	sld [smem:$0x3F99]  }
0x1a: {  	s8 =	sadd.s32 $0xFFFFE003, lr  }
0x1b: {  	s9 =	sadd.s32 $0xFFFFFEF7, lr;
	s5 =	simm.s32 $0xFFFFFFFF;
	p2 =	slt.u32 s8, $0xFFFFF086  }
0x1c: {  	p1 =	slt.u32 s9, $0xF7A;
	s5 =	simm.s32 @!p2 $0x0  }
0x1d: {  	s5 =	simm.s32 @p1 $0x1;
	p0 =	seq.s32 s7, s2  }
0x1e: {  	s7 =	smul.u32 @!p0 $0xF7A, s2;
	p2 =	seq.s32 @!p0 s5, $0x0  }
0x1f: {  	s9 =	smul.u32 $0xF7A, s1;
	s8 =	simm.s32 @!p0 $0x1BF5;
	p2 =	por !p2, p0  }
0x20: {  	[sflag:s8] =	ssyncset.s32 @!p0 $0xFFFFF086;
	s6 =	sadd.s32 @!p0 s3, s7;
	s7 =	simm.s32 @!p0 $0x108  }
0x21: {  	s3 =	sadd.s32 s3, s9;
	s6 =	sadd.s32 @!p0 $0x88, s6;
	s7 =	simm.s32 @p2 $0x1082  }
0x22: {  	[simem:s7], [sflag:s8] =	dma.local @!p0 [hbm:s6], $0xF7A  }
0x23: {  	s9 =	sor.u32 $0xD0000000, s2;
	s6 =	simm.s32 $0x108;
	_ =	swait.ge @!p0 [sflag:s8], $0x0  }
0x24: {  	s3 =	sadd.s32 $0x88, s3;
	s6 =	simm.s32 @!p1 $0x1082;
	[sflag:s4] =	ssyncset.s32 $0xFFFFF086  }
0x25: {  	[simem:s6], [sflag:s4] =	dma.local [hbm:s3], $0xF7A  }
0x26: {  	[smem:$0x3F99] =	sst s1;
	(tag) =	ssettag s2;
	_ =	strace s9  }
0x27: {  	s1 =	sld [smem:$0x3FA9]  }
0x28: {  	s2 =	sld [smem:$0x3FAA]  }
0x29: {  	s4 =	sld [smem:$0x3FAC]  }
0x2a: {  	p0 =	seq.s32 s5, $0x0;
	s5 =	sld [smem:$0x3FAD]  }
0x2b: {  	s6 =	sld [smem:$0x3FAE]  }
0x2c: {  	s7 =	sld [smem:$0x3FAF]  }
0x2d: {  	s3 =	simm.s32 $0x108;
	s8 =	sld [smem:$0x3FB0]  }
0x2e: {  	s3 =	simm.s32 @!p0 $0x1082;
	s9 =	sld [smem:$0x3FB1]  }
0x2f: {  	lr =	sadd.s32 s0, s3;
	s0 =	sld [smem:$0x3FA8]  }
0x30: {  	s3 =	sld [smem:$0x3FAB]  }
0x31: {  	[smem:$0x3FB4] =	sst s10  }
0x32: {  	s10 =	sld [smem:$0x3FB2];
	_ =	sdelay $0x3  }
0x33: {  	p0 =	seq.s32 s10, $0x1;
	s10 =	sld [smem:$0x3FB4];
	_ =	sdelay $0x3  }
0x34: {  	[smem:$0x3FB4] =	sst s10  }
0x35: {  	s10 =	sld [smem:$0x3FB3];
	_ =	sdelay $0x3  }
0x36: {  	p1 =	seq.s32 s10, $0x1;
	s10 =	sld [smem:$0x3FB4];
	_ =	sdelay $0x3  }
0x37: {  	[smem:$0x3FB4] =	sst s10  }
0x38: {  	s10 =	sld [smem:$0x3FB5]  }
0x39: {  	_ = 	snop;
	(pc) =	sbr.ind lr, $3  }
0x3a: {  	_ = 	snop  }
0x3b: {  	_ = 	snop  }
0x3c: {  	p2 =	seq.s32 s10, $0x1;
	s10 =	sld [smem:$0x3FB4]  }
0x3d: {  	_ =	shalt  }
0x3e: {  	_ =	shalt  }
0x3f: {  	_ =	shalt  }
0x40: {  	_ =	shalt  }
0x41: {  	_ =	shalt  }
0x42: {  	_ =	shalt  }
0x43: {  	_ =	shalt  }
0x44: {  	_ =	shalt  }
0x45: {  	_ =	shalt  }
0x46: {  	_ =	shalt  }
0x47: {  	_ =	shalt  }
0x48: {  	_ =	shalt  }
0x49: {  	_ =	shalt  }
0x4a: {  	_ =	shalt  }
0x4b: {  	_ =	shalt  }
0x4c: {  	_ =	shalt  }
0x4d: {  	_ =	shalt  }
0x4e: {  	_ =	shalt  }
0x4f: {  	_ =	shalt  }
0x50: {  	_ =	shalt  }
0x51: {  	_ =	shalt  }
0x52: {  	_ =	shalt  }
0x53: {  	_ =	shalt  }
0x54: {  	_ =	shalt  }
0x55: {  	_ =	shalt  }
0x56: {  	_ =	shalt  }
0x57: {  	_ =	shalt  }
0x58: {  	_ =	shalt  }
0x59: {  	_ =	shalt  }
0x5a: {  	_ =	shalt  }
0x5b: {  	_ =	shalt  }
0x5c: {  	_ =	shalt  }
0x5d: {  	_ =	shalt  }
0x5e: {  	_ =	shalt  }
0x5f: {  	_ =	shalt  }
0x60: {  	_ =	shalt  }
0x61: {  	_ =	shalt  }
0x62: {  	_ =	shalt  }
0x63: {  	_ =	shalt  }
0x64: {  	_ =	shalt  }
0x65: {  	_ =	shalt  }
0x66: {  	_ =	shalt  }
0x67: {  	_ =	shalt  }
0x68: {  	_ =	shalt  }
0x69: {  	_ =	shalt  }
0x6a: {  	_ =	shalt  }
0x6b: {  	_ =	shalt  }
0x6c: {  	_ =	shalt  }
0x6d: {  	_ =	shalt  }
0x6e: {  	_ =	shalt  }
0x6f: {  	_ =	shalt  }
0x70: {  	_ =	shalt  }
0x71: {  	_ =	shalt  }
0x72: {  	_ =	shalt  }
0x73: {  	_ =	shalt  }
0x74: {  	_ =	shalt  }
0x75: {  	_ =	shalt  }
0x76: {  	_ =	shalt  }
0x77: {  	_ =	shalt  }
0x78: {  	_ =	shalt  }
0x79: {  	_ =	shalt  }
0x7a: {  	_ =	shalt  }
0x7b: {  	_ =	shalt  }
0x7c: {  	_ =	shalt  }
0x7d: {  	_ =	shalt  }
0x7e: {  	_ =	shalt  }
0x7f: {  	_ =	shalt  }
0x80: {  	_ =	shalt  }
0x81: {  	_ =	shalt  }
0x82: {  	_ =	shalt  }
0x83: {  	_ =	shalt  }
0x84: {  	_ =	shalt  }
0x85: {  	_ =	shalt  }
0x86: {  	_ =	shalt  }
0x87: {  	_ =	shalt  }
.Lfunc_end0:
.L_simem_size_0:
called_computation.1_lowered:
.L_overlay_start_0:
0x88: {  	s2 =	sld [smem:$0x3FD9]  }
0x89: {  	s3 =	sld [smem:$0x3FFE];
	_ =	sdelay $0x1  }
0x8a: {  	s1 =	srdreg.scid  }
0x8b: {  	s0 =	sand.u32 $0x1, s1  }
0x8c: {  	s14 =	sshll.u32 s0, $0xA;
	s2 =	sadd.s32 s3, s2  }
0x8d: {  	s2 =	sadd.s32 s2, s14  }
0x8e: {  	[smem:$0x3FC0] =	sst s2  }
0x8f: {  	_ = 	snop  }
0x90: {  	s2 =	sld [smem:$0x3FD0];
	_ =	sdelay $0x2  }
0x91: {  	s15 =	simm.s32 $0xA;
	s4 =	simm.s32 $0x10  }
0x92: {  	[smem:s4], [sflag:s15] =	dma.local [hbm:s2], $0x1  }
0x93: {  	_ =	swait.eq [sflag:s15], $0x1  }
0x94: {  	[sflag:s15] =	ssyncset.done $0x0  }
0x95: {  	[sflag:s15] =	ssyncadd.s32 $0xFFFFFFFF  }
0x96: {  	s16 =	sld [smem:$0x11];
	(tm) =	ssettm $0x1  }
0x97: {  	s17 =	sld [smem:$0x3FFB];
	_ =	sdelay $0x3  }
0x98: {  	_ =	strace s17  }
0x99: {  	s3 =	sld [smem:$0x3FFC];
	_ =	sdelay $0x3  }
0x9a: {  	_ =	strace s3  }
0x9b: {  	s3 =	sld [smem:$0x3FFD];
	_ =	sdelay $0x3  }
0x9c: {  	_ =	strace s3  }
0x9d: {  	_ =	strace $0x8FFFFFFF  }
0x9e: {  	s18 =	sld [smem:$0x3FDB];
	_ =	sdelay $0x1  }
0x9f: {  	s19 =	simm.s32 $_scs_section_size  }
0xa0: {  	s5 =	simm.s32 $_size__tile_overlayer_lowered;
	s6 =	simm.s32 $_tile_overlayer_lowered  }
0xa1: {  	s22 =	simm.s32 $0x1BFF;
	s21 =	sshll.u32 s6, $0x1;
	s3 =	sadd.s32 s19, s18  }
0xa2: {  	s7 =	simm.s32 $0x0;
	s20 =	sshll.u32 s5, $0x1;
	s5 =	sadd.s32 s21, s3  }
0xa3: {  	[timem:s7], [sflag:s22] =	dma.local [hbm:s5], s20  }
0xa4: {  	_ =	swait.ge [sflag:s22], s20  }
0xa5: {  	s4 =	ssub.s32 $0x0, s20;
	[sflag:s22] =	ssyncset.done $0x0  }
0xa6: {  	[sflag:s22] =	ssyncadd.s32 s4;
	_ =	sdelay $0x1  }
0xa7: {  	s23 =	simm.s32 $0x1B8B  }
0xa8: {  	_ =	swait.ge [sflag:s23], $0x1  }
0xa9: {  	[sflag:s23] =	ssyncset.done $0x0  }
0xaa: {  	s25 =	simm.s32 $0x1B8E;
	s24 =	sld [smem:$0x3FFE];
	[sflag:s23] =	ssyncadd.s32 $0xFFFFFFFF  }
0xab: {  	s26 =	simm.s32 $execute0_lowered;
	[smem:$0x3FD2] =	sst s25  }
0xac: {  	s5 =	sshll.u32 s26, $0x1;
	_ =	strace $0x80000049;
	[dreg:$0x1] =	wrdreg $0xFFFFFFFF  }
0xad: {  	s28 =	simm.s32 $_size_execute0_lowered;
	s3 =	sadd.s32 s3, s5;
	[dreg:$0x0] =	wrdreg $0x0  }
0xae: {  	s5 =	sshll.u32 s28, $0x1;
	[dreg:$0x2] =	wrdreg s3  }
0xaf: {  	[dreg:$0x3] =	wrdreg s5  }
0xb0: {  	[dreg:$0x4] =	wrdreg $0xC0  }
0xb1: {  	_ =	task [dreg:s7], $0x5FFFF  }
0xb2: {  	[dreg:$0x1] =	wrdreg $0xFFFFFFFF  }
0xb3: {  	[dreg:$0x0] =	wrdreg $0x60  }
0xb4: {  	[dreg:$0x2] =	wrdreg s24  }
0xb5: {  	[dreg:$0x3] =	wrdreg s16  }
0xb6: {  	[dreg:$0x4] =	wrdreg $0x91000  }
0xb7: {  	[dreg:$0x5] =	wrdreg $0x9  }
0xb8: {  	_ =	task.clear_ibuf [dreg:s7], $0x6FFFF;
	_ =	strace $0x90000049  }
0xb9: {  	s29 =	simm.s32 $0x9;
	_ =	strace $0x8000004B  }
0xba: {  	_ =	swait.ge [sflag:s29], $0x1  }
0xbb: {  	[sflag:s29] =	ssyncadd.s32 $0xFFFFFFFF  }
0xbc: {  	_ =	strace $0x9000004B  }
0xbd: {  	_ =	sfence  }
0xbe: {  	s30 =	sld [smem:$0x0];
	_ =	sdelay $0x2  }
0xbf: {  	s31 =	sshll.u32 s1, $0xD;
	s1 =	sshrl.u32 s1, $0x2  }
0xc0: {  	s3 =	sand.u32 $0x4000, s31;
	s1 =	sadd.s32 s1, s30  }
0xc1: {  	s0 =	sor.u32 s3, s0;
	s1 =	sshll.u32 s1, $0x11  }
0xc2: {  	s0 =	sor.u32 s1, s0  }
0xc3: {  	s0 =	sadd.s32 $0x8F2B, s0  }
0xc4: {  	[sflag:s0] =	ssyncadd.remote.s32 $0x1  }
0xc5: {  	_ =	sfence.sel $0xFFFF  }
0xc6: {  	[dreg:$0x0] =	wrdreg $0xFFFFFFFF;
	(pc) =	sbr.abs _section_cstart, $3  }
0xc7: {  	[dreg:$0x1] =	wrdreg $0xFFFFFFFF  }
0xc8: {  	_ =	task.clear_ibuf [dreg:s7], $0x2FFFF;
	_ =	strace $0x9FFFFFFF  }
0xc9: {  	(tm) =	ssettm $0x7FFFFFFF  }
tec
execute0_lowered:
.L_overlay_start_1:
0x0: {  	(tag) =	ssettag $0x1  }
0x1: {  	s6 =	rddreg [dreg:$0x0]  }
0x2: {  	s0 =	rddreg [dreg:$0x1]  }
0x3: {  	s1 =	rddreg [dreg:$0x2];
	s3 =	srdreg.scid  }
0x4: {  	s2 =	simm.s32 $0x0;
	s15 =	stileid.u32;
	s28 =	simm.s32 $0x50  }
0x5: {  	s29 =	simm.s32 $0x1900;
	s30 =	simm.s32 $0x4100;
	s31 =	simm.s32 $0x6  }
0x6: {  	s8 =	sand.u32 $0x1, s3;
	[smem:$0x7FF] =	sst s2;
	s4 =	sadd.s32 $0x2C00, s6  }
0x7: {  	s9 =	sadd.s32 $0x29E00, s6;
	s14 =	sshll.u32 s15, $0x1;
	s16 =	smul.u32 $0x50000, s15  }
0x8: {  	p0 =	sne.s32 s15, $0xF;
	s12 =	smul.u32 $0x2800, s15;
	s17 =	sadd.s32 $0x28400, s6  }
0x9: {  	s25 =	smul.u32 $0x14000, s15;
	s5 =	ssub.s32 $0x2, s8;
	_ =	strace $0x8000004A  }
0xa: {  	p2 =	seq.s32 s8, $0x0;
	s11 =	sor.u32 s8, s14;
	[dreg:$0x5] =	wrdreg s17  }
0xb: {  	s22 =	smul.u32 $0x138800, s8;
	s7 =	sshrl.u32 s5, $0x1;
	p1 =	por !p2, !p0  }
0xc: {  	p0 =	seq.s32 s15, $0xF;
	s18 =	sadd.s32 s4, s12;
	s10 =	ssub.s32 s5, s7  }
0xd: {  	s7 =	sshrl.u32 s16, $0x2;
	s5 =	sadd.s32 $0x12C000, s1;
	[dreg:$0x7] =	wrdreg s18  }
0xe: {  	s19 =	smul.u32 $0x2710, s11;
	s7 =	sadd.s32 s7, s1;
	[dreg:$0x4] =	wrdreg s5  }
0xf: {  	p1 =	por !p1, !p1;
	s20 =	sadd.s32 $0x2800, s7;
	[dreg:$0x6] =	wrdreg s7  }
0x10: {  	p2 =	por !p2, !p0;
	s21 =	sadd.s32 $0x5000, s7;
	[dreg:$0x8] =	wrdreg s20  }
0x11: {  	s12 =	sadd.s32 s25, s22;
	s23 =	sadd.s32 $0x7800, s7;
	[dreg:$0x9] =	wrdreg s21  }
0x12: {  	s11 =	sshrl.u32 s22, $0x3;
	s24 =	sadd.s32 $0xA000, s7;
	[dreg:$0xa] =	wrdreg s23  }
0x13: {  	s6 =	sshrl.u32 s19, $0x3;
	s26 =	sadd.s32 $0xC800, s7;
	[dreg:$0xb] =	wrdreg s24  }
0x14: {  	s14 =	sshrl.u32 s12, $0x3;
	s13 =	sadd.s32 $0xF000, s7;
	[dreg:$0xc] =	wrdreg s26  }
0x15: {  	s3 =	sadd.s32 s0, s6;
	s6 =	sadd.s32 s9, s14;
	[dreg:$0xd] =	wrdreg s13  }
0x16: {  	p3 =	por !p2, !p2;
	p2 =	seq.s32 s8, $0x1;
	[dreg:$0xf] =	wrdreg s6  }
0x17: {  	s16 =	sadd.s32 s9, s11;
	s26 =	sadd.s32 $0x11800, s7;
	[dreg:$0xe] =	wrdreg s3  }
0x18: {  	s8 =	smul.u32 $0x2710, s8;
	s6 =	sadd.s32 $0x25800, s16;
	[dreg:$0x10] =	wrdreg s26  }
0x19: {  	p3 =	por !p3, p1;
	s14 =	sadd.s32 $0x9C4A, s3;
	[dreg:$0x11] =	wrdreg s6  }
0x1a: {  	s13 =	smul.u32 $0x4E20, s15;
	s16 =	sadd.s32 $0x9C54, s3;
	[dreg:$0x18] =	wrdreg s14  }
0x1b: {  	[dreg:$0x19] =	wrdreg s16;
	s26 =	sadd.s32 $0x9F42, s3;
	s14 =	simm.s32 $0x7  }
0x1c: {  	s6 =	simm.s32 $0x1880;
	s16 =	simm.s32 $0x1;
	s8 =	sadd.s32 s8, s13  }
0x1d: {  	s13 =	sadd.s32 $0x9C40, s3;
	[dreg:$0x1d] =	wrdreg s26;
	s26 =	simm.s32 $0x1800  }
0x1e: {  	s21 =	sadd.s32 $0x4E390, s8;
	s22 =	sadd.s32 $0x4E2F0, s8;
	s23 =	sadd.s32 $0x4E340, s8  }
0x1f: {  	s24 =	sadd.s32 $0x4FB00, s8;
	s25 =	sadd.s32 $0x4FAB0, s8;
	s8 =	sadd.s32 $0x4FA60, s8  }
0x20: {  	[dreg:$0x17] =	wrdreg s13;
	s9 =	sshrl.u32 s21, $0x3;
	s11 =	sshrl.u32 s22, $0x3  }
0x21: {  	s12 =	sshrl.u32 s23, $0x3;
	s8 =	sshrl.u32 s8, $0x3;
	s23 =	sadd.s32 $0x2EE, s3  }
0x22: {  	s17 =	sadd.s32 s9, s0;
	s18 =	sadd.s32 s11, s0;
	s19 =	sadd.s32 s12, s0  }
0x23: {  	s22 =	sadd.s32 s8, s0;
	s8 =	smax.u32 s10, $0x1;
	[dreg:$0x1a] =	wrdreg s23  }
0x24: {  	s9 =	sshrl.u32 s24, $0x3;
	s10 =	sadd.s32 $0x131000, s1;
	[dreg:$0x12] =	wrdreg s8  }
0x25: {  	s11 =	sshrl.u32 s25, $0x3;
	s12 =	sadd.s32 $0x136000, s1;
	[dreg:$0x14] =	wrdreg s10  }
0x26: {  	s24 =	sadd.s32 $0x9F2E, s3;
	s25 =	sadd.s32 $0x9F38, s3;
	[dreg:$0x16] =	wrdreg s12  }
0x27: {  	s20 =	sadd.s32 s9, s0;
	s21 =	sadd.s32 s11, s0;
	[dreg:$0x1b] =	wrdreg s24  }
0x28: {  	s9 =	sadd.s32 $0x12E800, s1;
	s11 =	sadd.s32 $0x133800, s1;
	[dreg:$0x1c] =	wrdreg s25  }
0x29: {  	s10 =	simm.s32 $0x1780;
	s8 =	simm.s32 $0x6900;
	s24 =	simm.s32 $0x4  }
0x2a: {  	s25 =	simm.s32 $0x3;
	s0 =	simm.s32 $0x2;
	[dreg:$0x13] =	wrdreg s9  }
0x2b: {  	v0 =	vimm.f32 $0.0e+00;
	[dreg:$0x15] =	wrdreg s11;
	s9 =	simm.s32 $0x5;
	s11 =	simm.s32 $0x0  }
.LBB2_1:
0x2c: {  	[dreg:$0x1e] =	wrdreg s11  }
0x2d: {  	s11 =	sshrl.u32 @!p3 s5, $0x3;
	s12 =	simm.s32 @!p3 $0x1FC7;
	s3 =	rddreg [dreg:$0x5]  }
0x2e: {  	[spmem:s11], [sflag:s12] =	dma.local @!p3 [hbm:s3], $0x1900  }
0x2f: {  	s11 =	simm.s32 @!p3 $0x7  }
0x30: {  	_ =	swait.ge @!p3 [sflag:s11], $0x1900  }
0x31: {  	s12 =	sshll.u32 @p1 s15, $0x6;
	[sflag:s11] =	ssyncset.done @!p3 $0x0;
	s3 =	rddreg [dreg:$0x7]  }
0x32: {  	[sflag:s11] =	ssyncadd.s32 @!p3 $0xFFFFE700;
	s11 =	sor.u32 @p1 $0x1C07, s12;
	s12 =	sshrl.u32 @p1 s7, $0x3  }
0x33: {  	[spmem:s12], [sflag:s11] =	dma.local @p1 [hbm:s3], $0x2800  }
.Ltmp0:
0x34: {  	_ = 	snop;
	(pc) =	sbr.rel @!p2 .LBB2_5-.Ltmp0, $4  }
0x35: {  	s11 =	simm.s32 @p1 $0x7  }
0x36: {  	p4 =	por @!p3 $0x1, $0x1;
	p5 =	por p0, p0;
	_ =	swait.ge @p1 [sflag:s11], $0x2800  }
0x37: {  	p5 =	por @!p3 p4, p4;
	p4 =	por @p1 $0x0, $0x0;
	[sflag:s11] =	ssyncset.done @p1 $0x0  }
0x38: {  	p4 =	por @!p1 p5, p5;
	[sflag:s11] =	ssyncadd.s32 @p1 $0xFFFFD800  }
0x39: {  	s11 =	sand.u32 $0xFE00, s2  }
0x3a: {  	s12 =	sand.u32 $0x70, s2;
	s13 =	sshrl.u32 s11, $0x2  }
0x3b: {  	s11 =	simm.s32 $0x40;
	s13 =	sor.u32 s12, s13;
	s12 =	simm.s32 $0x0  }
.LBB2_3:
0x3c: {  	p5 =	sne.s32 s11, $0x9FC0  }
0x3d: {  	[tilespmem:s13+$0x1900] =	vst v0;
	s12 =	sadd.s32 $0x10, s12;
	s13 =	smov.u32 s11;
	s11 =	sadd.s32 $0x40, s11  }
.Ltmp1:
0x3e: {  	(pc) =	sbr.rel @p5 .LBB2_3-.Ltmp1, $4  }
0x3f: {  	_ = 	snop  }
0x40: {  	s13 =	sand.u32 $0xFE00, s13  }
0x41: {  	s15 =	sand.u32 $0x70, s12;
	s13 =	sshrl.u32 s13, $0x2  }
0x42: {  	s13 =	sor.u32 s15, s13  }
0x43: {  	[tilespmem:s13+$0x1900] =	vst v0;
	s11 =	simm.s32 @!p0 $0x1900;
	s12 =	simm.s32 @!p0 $0x7  }
0x44: {  	[spmem:s7] =	stream.linear.scatter @!p0 [tilespmem:s11], [sflag:$0x7], $0x2800, $0x38;
	[tilespmem:$0x1C980] =	vst v63  }
0x45: {  	_ =	swait.ge @!p0 [sflag:s12], $0x2800  }
0x46: {  	[sflag:s12] =	ssyncset.done @!p0 $0x0  }
0x47: {  	s3 =	rddreg [dreg:$0x8];
	[sflag:s12] =	ssyncadd.s32 @!p0 $0xFFFFD800  }
0x48: {  	[spmem:s3] =	stream.linear.scatter @!p0 [tilespmem:s11], [sflag:$0x7], $0x2800, $0x38;
	[tilespmem:$0x1C980] =	vst v63  }
0x49: {  	_ =	swait.ge @!p0 [sflag:s12], $0x2800  }
0x4a: {  	[sflag:s12] =	ssyncset.done @!p0 $0x0  }
0x4b: {  	s3 =	rddreg [dreg:$0x9];
	[sflag:s12] =	ssyncadd.s32 @!p0 $0xFFFFD800  }
0x4c: {  	[spmem:s3] =	stream.linear.scatter @!p0 [tilespmem:s11], [sflag:$0x7], $0x2800, $0x38;
	[tilespmem:$0x1C980] =	vst v63  }
0x4d: {  	_ =	swait.ge @!p0 [sflag:s12], $0x2800  }
0x4e: {  	[sflag:s12] =	ssyncset.done @!p0 $0x0  }
0x4f: {  	s3 =	rddreg [dreg:$0xa];
	[sflag:s12] =	ssyncadd.s32 @!p0 $0xFFFFD800  }
0x50: {  	[spmem:s3] =	stream.linear.scatter @!p0 [tilespmem:s11], [sflag:$0x7], $0x2800, $0x38;
	[tilespmem:$0x1C980] =	vst v63  }
0x51: {  	_ =	swait.ge @!p0 [sflag:s12], $0x2800  }
0x52: {  	[sflag:s12] =	ssyncset.done @!p0 $0x0  }
0x53: {  	s3 =	rddreg [dreg:$0xb];
	[sflag:s12] =	ssyncadd.s32 @!p0 $0xFFFFD800  }
0x54: {  	[spmem:s3] =	stream.linear.scatter @!p0 [tilespmem:s11], [sflag:$0x7], $0x2800, $0x38;
	[tilespmem:$0x1C980] =	vst v63  }
0x55: {  	_ =	swait.ge @!p0 [sflag:s12], $0x2800  }
0x56: {  	[sflag:s12] =	ssyncset.done @!p0 $0x0  }
0x57: {  	s3 =	rddreg [dreg:$0xc];
	[sflag:s12] =	ssyncadd.s32 @!p0 $0xFFFFD800  }
0x58: {  	[spmem:s3] =	stream.linear.scatter @!p0 [tilespmem:s11], [sflag:$0x7], $0x2800, $0x38;
	[tilespmem:$0x1C980] =	vst v63  }
0x59: {  	_ =	swait.ge @!p0 [sflag:s12], $0x2800  }
0x5a: {  	[sflag:s12] =	ssyncset.done @!p0 $0x0  }
0x5b: {  	s3 =	rddreg [dreg:$0xd];
	[sflag:s12] =	ssyncadd.s32 @!p0 $0xFFFFD800  }
0x5c: {  	[spmem:s3] =	stream.linear.scatter @!p0 [tilespmem:s11], [sflag:$0x7], $0x2800, $0x38;
	[tilespmem:$0x1C980] =	vst v63  }
0x5d: {  	_ =	swait.ge @!p0 [sflag:s12], $0x2800  }
0x5e: {  	[sflag:s12] =	ssyncset.done @!p0 $0x0  }
0x5f: {  	s3 =	rddreg [dreg:$0x10];
	[sflag:s12] =	ssyncadd.s32 @!p0 $0xFFFFD800  }
0x60: {  	[spmem:s3] =	stream.linear.scatter @!p0 [tilespmem:s11], [sflag:$0x7], $0x2800, $0x38;
	[tilespmem:$0x1C980] =	vst v63  }
0x61: {  	_ =	swait.ge @!p0 [sflag:s12], $0x2800  }
0x62: {  	[sflag:s12] =	ssyncset.done @!p0 $0x0  }
0x63: {  	s11 =	simm.s32 @p4 $0x1900;
	[sflag:s12] =	ssyncadd.s32 @!p0 $0xFFFFD800;
	s12 =	simm.s32 @p4 $0x7  }
0x64: {  	[spmem:s5] =	stream.linear.scatter @p4 [tilespmem:s11], [sflag:$0x7], $0x2800, $0x38;
	[tilespmem:$0x1C980] =	vst v63  }
0x65: {  	_ =	swait.ge @p4 [sflag:s12], $0x2800  }
0x66: {  	[sflag:s12] =	ssyncset.done @p4 $0x0  }
0x67: {  	s3 =	rddreg [dreg:$0x13];
	[sflag:s12] =	ssyncadd.s32 @p4 $0xFFFFD800  }
0x68: {  	[spmem:s3] =	stream.linear.scatter @p4 [tilespmem:s11], [sflag:$0x7], $0x2800, $0x38;
	[tilespmem:$0x1C980] =	vst v63  }
0x69: {  	_ =	swait.ge @p4 [sflag:s12], $0x2800  }
0x6a: {  	[sflag:s12] =	ssyncset.done @p4 $0x0  }
0x6b: {  	s3 =	rddreg [dreg:$0x14];
	[sflag:s12] =	ssyncadd.s32 @p4 $0xFFFFD800  }
0x6c: {  	[spmem:s3] =	stream.linear.scatter @p4 [tilespmem:s11], [sflag:$0x7], $0x2800, $0x38;
	[tilespmem:$0x1C980] =	vst v63  }
0x6d: {  	_ =	swait.ge @p4 [sflag:s12], $0x2800  }
0x6e: {  	[sflag:s12] =	ssyncset.done @p4 $0x0  }
0x6f: {  	s3 =	rddreg [dreg:$0x15];
	[sflag:s12] =	ssyncadd.s32 @p4 $0xFFFFD800  }
0x70: {  	[spmem:s3] =	stream.linear.scatter @p4 [tilespmem:s11], [sflag:$0x7], $0x2800, $0x38;
	[tilespmem:$0x1C980] =	vst v63  }
0x71: {  	_ =	swait.ge @p4 [sflag:s12], $0x2800  }
0x72: {  	[sflag:s12] =	ssyncset.done @p4 $0x0  }
0x73: {  	s3 =	rddreg [dreg:$0x16];
	[sflag:s12] =	ssyncadd.s32 @p4 $0xFFFFD800  }
0x74: {  	[spmem:s3] =	stream.linear.scatter @p4 [tilespmem:s11], [sflag:$0x7], $0x2800, $0x38;
	[tilespmem:$0x1C980] =	vst v63  }
0x75: {  	_ =	swait.ge @p4 [sflag:s12], $0x2800  }
0x76: {  	[sflag:s12] =	ssyncset.done @p4 $0x0  }
0x77: {  	[sflag:s12] =	ssyncadd.s32 @p4 $0xFFFFD800  }
.LBB2_5:
0x78: {  	[bflag:$0x0] =	sbarrier.arrive $0xFFFF  }
0x79: {  	s11 =	simm.s32 $0x0;
	s3 =	rddreg [dreg:$0xe]  }
0x7a: {  	[tilespmem:s11], [sflag:$0x7] =	stream.linear.gather [hbm4b:s3+s11], $0x1770, $0x38;
	[tilespmem:$0x1C980] =	vst v63  }
0x7b: {  	_ =	swait.ge [sflag:s14], $0x1770  }
0x7c: {  	[sflag:s14] =	ssyncset.done $0x0  }
0x7d: {  	s13 =	rddreg [dreg:$0x17];
	[sflag:s14] =	ssyncadd.s32 $0xFFFFE890  }
0x7e: {  	[tilespmem:s10], [sflag:$0x4] =	stream.linear.gather [hbm4b:s13+s11], $0x50, $0x38;
	[tilespmem:$0x1C980] =	vst v63  }
0x7f: {  	s15 =	rddreg [dreg:$0x18]  }
0x80: {  	[tilespmem:s26], [sflag:$0x5] =	stream.linear.gather [hbm4b:s15+s11], $0x50, $0x38;
	[tilespmem:$0x1C980] =	vst v63  }
0x81: {  	_ = 	snop  }
0x82: {  	[tilespmem:s29], [sflag:$0x1] =	stream.indirect.gather [hbm4b:s4+s28], $0x80, s11, s28, $0xb8;
	[tilespmem:$0x1C980] =	vst v63  }
0x83: {  	_ = 	snop  }
0x84: {  	[tilespmem:s30], [sflag:$0x2] =	stream.indirect.gather [hbm4b:s4+s28], $0x80, s28, s28, $0xb8;
	[tilespmem:$0x1C980] =	vst v63  }
0x85: {  	s12 =	simm.s32 $0x140;
	s23 =	rddreg [dreg:$0x19]  }
0x86: {  	[tilespmem:s6], [sflag:$0x6] =	stream.linear.gather [hbm4b:s23+s11], $0x50, $0x38;
	[tilespmem:$0x1C980] =	vst v63  }
.LBB2_6:
0x87: {  	s13 =	sadd.s32 $0xFFFFFF60, s12  }
0x88: {  	[tilespmem:s8], [sflag:$0x3] =	stream.indirect.gather [hbm4b:s4+s28], $0x80, s13, s28, $0xb8;
	[tilespmem:$0x1C980] =	vst v63  }
0x89: {  	_ =	swait.ge [sflag:s16], $0x2800  }
0x8a: {  	[sflag:s16] =	ssyncset.done $0x0  }
0x8b: {  	[sflag:s16] =	ssyncadd.s32 $0xFFFFD800  }
0x8c: {  	_ =	swait.ge [sflag:s24], $0x50  }
0x8d: {  	[sflag:s24] =	ssyncset.done $0x0  }
0x8e: {  	[sflag:s24] =	ssyncadd.s32 $0xFFFFFFB0  }
0x8f: {  	[spmem:s1] =	stream.indirect.scatter.add.f32 [tilespmem:s29], [sflag:$0x7], $0x80, s10, s28, $0xb8;
	[tilespmem:$0x1C980] =	vst v63  }
0x90: {  	_ =	swait.ge [sflag:s14], $0x2800  }
0x91: {  	p5 =	seq.s32 s11, $0x2D0;
	[sflag:s14] =	ssyncset.done $0x0  }
0x92: {  	s13 =	simm.s32 @p5 $0x2;
	[sflag:s14] =	ssyncadd.s32 $0xFFFFD800  }
0x93: {  	_ =	swait.ge @p5 [sflag:s13], $0x2800  }
0x94: {  	[sflag:s13] =	ssyncset.done @p5 $0x0  }
0x95: {  	[sflag:s13] =	ssyncadd.s32 @p5 $0xFFFFD800;
	s13 =	simm.s32 @p5 $0x5  }
0x96: {  	_ =	swait.ge @p5 [sflag:s13], $0x50  }
0x97: {  	s15 =	simm.s32 @p5 $0x1800;
	[sflag:s13] =	ssyncset.done @p5 $0x0  }
0x98: {  	s3 =	simm.s32 @p5 $0x4100;
	[sflag:s13] =	ssyncadd.s32 @p5 $0xFFFFFFB0;
	s13 =	simm.s32 @p5 $0x50  }
0x99: {  	[spmem:s1] =	stream.indirect.scatter.add.f32 @p5 [tilespmem:s3], [sflag:$0x7], $0x80, s15, s13, $0xb8;
	[tilespmem:$0x1C980] =	vst v63  }
0x9a: {  	s3 =	simm.s32 @p5 $0x7  }
0x9b: {  	_ =	swait.ge @p5 [sflag:s3], $0x2800  }
0x9c: {  	s13 =	simm.s32 @!p5 $0x0;
	[sflag:s3] =	ssyncset.done @p5 $0x0  }
0x9d: {  	s15 =	simm.s32 @!p5 $0x1780;
	[sflag:s3] =	ssyncadd.s32 @p5 $0xFFFFD800;
	s3 =	sadd.s32 @!p5 s11, s18  }
0x9e: {  	[tilespmem:s15], [sflag:$0x4] =	stream.linear.gather @!p5 [hbm4b:s3+s13], $0x50, $0x38;
	[tilespmem:$0x1C980] =	vst v63  }
0x9f: {  	s5 =	simm.s32 @!p5 $0x1900;
	s3 =	sadd.s32 @!p5 $0xFFFFFFB0, s12;
	s15 =	simm.s32 @!p5 $0x50  }
0xa0: {  	[tilespmem:s5], [sflag:$0x1] =	stream.indirect.gather @!p5 [hbm4b:s4+s15], $0x80, s3, s15, $0xb8;
	[tilespmem:$0x1C980] =	vst v63  }
0xa1: {  	s3 =	simm.s32 @!p5 $0x2  }
0xa2: {  	_ =	swait.ge @!p5 [sflag:s3], $0x2800  }
0xa3: {  	[sflag:s3] =	ssyncset.done @!p5 $0x0  }
0xa4: {  	[sflag:s3] =	ssyncadd.s32 @!p5 $0xFFFFD800;
	s3 =	simm.s32 @!p5 $0x5  }
0xa5: {  	_ =	swait.ge @!p5 [sflag:s3], $0x50  }
0xa6: {  	s7 =	simm.s32 @!p5 $0x7;
	[sflag:s3] =	ssyncset.done @!p5 $0x0  }
0xa7: {  	s5 =	simm.s32 @!p5 $0x4100;
	[sflag:s3] =	ssyncadd.s32 @!p5 $0xFFFFFFB0;
	s3 =	simm.s32 @!p5 $0x1800  }
0xa8: {  	[spmem:s1] =	stream.indirect.scatter.add.f32 @!p5 [tilespmem:s5], [sflag:$0x7], $0x80, s3, s15, $0xb8;
	[tilespmem:$0x1C980] =	vst v63  }
0xa9: {  	_ =	swait.ge @!p5 [sflag:s7], $0x2800  }
0xaa: {  	[sflag:s7] =	ssyncset.done @!p5 $0x0  }
0xab: {  	[sflag:s7] =	ssyncadd.s32 @!p5 $0xFFFFD800;
	s7 =	sadd.s32 @!p5 s11, s19  }
0xac: {  	[tilespmem:s3], [sflag:$0x5] =	stream.linear.gather @!p5 [hbm4b:s7+s13], $0x50, $0x38;
	[tilespmem:$0x1C980] =	vst v63  }
0xad: {  	_ = 	snop  }
0xae: {  	[tilespmem:s5], [sflag:$0x2] =	stream.indirect.gather @!p5 [hbm4b:s4+s15], $0x80, s12, s15, $0xb8;
	[tilespmem:$0x1C980] =	vst v63  }
0xaf: {  	_ =	swait.ge [sflag:s25], $0x2800  }
0xb0: {  	[sflag:s25] =	ssyncset.done $0x0  }
0xb1: {  	[sflag:s25] =	ssyncadd.s32 $0xFFFFD800  }
0xb2: {  	_ =	swait.ge [sflag:s31], $0x50  }
0xb3: {  	[sflag:s31] =	ssyncset.done $0x0  }
.Ltmp2:
0xb4: {  	[sflag:s31] =	ssyncadd.s32 $0xFFFFFFB0;
	(pc) =	sbr.rel @p5 .LBB2_8-.Ltmp2, $4  }
0xb5: {  	[spmem:s1] =	stream.indirect.scatter.add.f32 [tilespmem:s8], [sflag:$0x7], $0x80, s6, s28, $0xb8;
	[tilespmem:$0x1C980] =	vst v63  }
0xb6: {  	_ =	swait.ge [sflag:s14], $0x2800  }
0xb7: {  	[sflag:s14] =	ssyncset.done $0x0  }
0xb8: {  	[sflag:s14] =	ssyncadd.s32 $0xFFFFD800  }
.Ltmp3:
0xb9: {  	(pc) =	sbr.rel .LBB2_6-.Ltmp3, $3  }
0xba: {  	_ =	sdelay $0x1  }
0xbb: {  	s3 =	sadd.s32 s11, s17;
	s11 =	sadd.s32 $0x1E, s11;
	s12 =	sadd.s32 $0xF0, s12  }
0xbc: {  	[tilespmem:s6], [sflag:$0x6] =	stream.linear.gather [hbm4b:s3+s2], $0x50, $0x38;
	[tilespmem:$0x1C980] =	vst v63  }
.LBB2_8:
0xbd: {  	s11 =	simm.s32 $0x0;
	s2 =	rddreg [dreg:$0x1a]  }
0xbe: {  	[tilespmem:s11], [sflag:$0x7] =	stream.linear.gather [hbm4b:s2+s11], $0xFA0, $0x38;
	[tilespmem:$0x1C980] =	vst v63  }
0xbf: {  	_ =	swait.ge [sflag:s14], $0xFA0  }
0xc0: {  	[sflag:s14] =	ssyncset.done $0x0  }
0xc1: {  	s13 =	rddreg [dreg:$0x1b];
	[sflag:s14] =	ssyncadd.s32 $0xFFFFF060  }
0xc2: {  	[tilespmem:s10], [sflag:$0x4] =	stream.linear.gather [hbm4b:s13+s11], $0x50, $0x38;
	[tilespmem:$0x1C980] =	vst v63  }
0xc3: {  	s15 =	rddreg [dreg:$0x1c]  }
0xc4: {  	[tilespmem:s26], [sflag:$0x5] =	stream.linear.gather [hbm4b:s15+s11], $0x50, $0x38;
	[tilespmem:$0x1C980] =	vst v63  }
0xc5: {  	_ = 	snop  }
0xc6: {  	[tilespmem:s29], [sflag:$0x1] =	stream.indirect.gather [hbm4b:s4+s28], $0x80, s11, s28, $0xb8;
	[tilespmem:$0x1C980] =	vst v63  }
0xc7: {  	_ = 	snop  }
0xc8: {  	[tilespmem:s30], [sflag:$0x2] =	stream.indirect.gather [hbm4b:s4+s28], $0x80, s28, s28, $0xb8;
	[tilespmem:$0x1C980] =	vst v63  }
0xc9: {  	s12 =	simm.s32 $0x140;
	s23 =	rddreg [dreg:$0x1d];
	s13 =	simm.s32 $0x0  }
0xca: {  	[tilespmem:s6], [sflag:$0x6] =	stream.linear.gather [hbm4b:s23+s11], $0x50, $0x38;
	[tilespmem:$0x1C980] =	vst v63  }
.LBB2_9:
0xcb: {  	p5 =	seq.s32 s11, $0x1E0  }
0xcc: {  	s3 =	simm.s32 @p5 $0x1  }
0xcd: {  	_ =	swait.ge @p5 [sflag:s3], $0x2800  }
0xce: {  	[sflag:s3] =	ssyncset.done @p5 $0x0  }
0xcf: {  	[sflag:s3] =	ssyncadd.s32 @p5 $0xFFFFD800;
	s3 =	simm.s32 @p5 $0x4  }
0xd0: {  	_ =	swait.ge @p5 [sflag:s3], $0x50  }
0xd1: {  	s5 =	simm.s32 @p5 $0x1780;
	[sflag:s3] =	ssyncset.done @p5 $0x0  }
0xd2: {  	s7 =	simm.s32 @p5 $0x1900;
	[sflag:s3] =	ssyncadd.s32 @p5 $0xFFFFFFB0;
	s3 =	simm.s32 @p5 $0x50  }
0xd3: {  	[spmem:s1] =	stream.indirect.scatter.add.f32 @p5 [tilespmem:s7], [sflag:$0x7], $0x80, s5, s3, $0xb8;
	[tilespmem:$0x1C980] =	vst v63  }
0xd4: {  	s3 =	simm.s32 @p5 $0x7  }
0xd5: {  	_ =	swait.ge @p5 [sflag:s3], $0x2800  }
0xd6: {  	s5 =	simm.s32 @!p5 $0x50;
	[sflag:s3] =	ssyncset.done @p5 $0x0  }
0xd7: {  	s7 =	simm.s32 @!p5 $0x6900;
	[sflag:s3] =	ssyncadd.s32 @p5 $0xFFFFD800;
	s3 =	sadd.s32 @!p5 $0xFFFFFF60, s12  }
0xd8: {  	[tilespmem:s7], [sflag:$0x3] =	stream.indirect.gather @!p5 [hbm4b:s4+s5], $0x80, s3, s5, $0xb8;
	[tilespmem:$0x1C980] =	vst v63  }
0xd9: {  	s3 =	simm.s32 @!p5 $0x1  }
0xda: {  	_ =	swait.ge @!p5 [sflag:s3], $0x2800  }
0xdb: {  	[sflag:s3] =	ssyncset.done @!p5 $0x0  }
0xdc: {  	[sflag:s3] =	ssyncadd.s32 @!p5 $0xFFFFD800;
	s3 =	simm.s32 @!p5 $0x4  }
0xdd: {  	_ =	swait.ge @!p5 [sflag:s3], $0x50  }
0xde: {  	s15 =	simm.s32 @!p5 $0x1900;
	[sflag:s3] =	ssyncset.done @!p5 $0x0  }
0xdf: {  	s10 =	simm.s32 @!p5 $0x7;
	[sflag:s3] =	ssyncadd.s32 @!p5 $0xFFFFFFB0;
	s3 =	simm.s32 @!p5 $0x1780  }
0xe0: {  	[spmem:s1] =	stream.indirect.scatter.add.f32 @!p5 [tilespmem:s15], [sflag:$0x7], $0x80, s3, s5, $0xb8;
	[tilespmem:$0x1C980] =	vst v63  }
0xe1: {  	_ =	swait.ge @!p5 [sflag:s10], $0x2800  }
0xe2: {  	[sflag:s10] =	ssyncset.done @!p5 $0x0  }
0xe3: {  	s2 =	sadd.s32 @!p5 s11, s22;
	s23 =	simm.s32 @!p5 $0x0;
	[sflag:s10] =	ssyncadd.s32 @!p5 $0xFFFFD800  }
0xe4: {  	[tilespmem:s3], [sflag:$0x4] =	stream.linear.gather @!p5 [hbm4b:s2+s23], $0x50, $0x38;
	[tilespmem:$0x1C980] =	vst v63  }
0xe5: {  	s2 =	sadd.s32 @!p5 $0xFFFFFFB0, s12  }
0xe6: {  	[tilespmem:s15], [sflag:$0x1] =	stream.indirect.gather @!p5 [hbm4b:s4+s5], $0x80, s2, s5, $0xb8;
	[tilespmem:$0x1C980] =	vst v63  }
0xe7: {  	_ =	swait.ge [sflag:s0], $0x2800  }
0xe8: {  	[sflag:s0] =	ssyncset.done $0x0  }
0xe9: {  	[sflag:s0] =	ssyncadd.s32 $0xFFFFD800  }
0xea: {  	_ =	swait.ge [sflag:s9], $0x50  }
0xeb: {  	[sflag:s9] =	ssyncset.done $0x0  }
0xec: {  	[sflag:s9] =	ssyncadd.s32 $0xFFFFFFB0  }
0xed: {  	[spmem:s1] =	stream.indirect.scatter.add.f32 [tilespmem:s30], [sflag:$0x7], $0x80, s26, s28, $0xb8;
	[tilespmem:$0x1C980] =	vst v63  }
0xee: {  	_ =	swait.ge [sflag:s14], $0x2800  }
0xef: {  	[sflag:s14] =	ssyncset.done $0x0  }
0xf0: {  	s3 =	simm.s32 @!p5 $0x1800;
	s2 =	sadd.s32 @!p5 s11, s21;
	[sflag:s14] =	ssyncadd.s32 $0xFFFFD800  }
0xf1: {  	[tilespmem:s3], [sflag:$0x5] =	stream.linear.gather @!p5 [hbm4b:s2+s23], $0x50, $0x38;
	[tilespmem:$0x1C980] =	vst v63  }
0xf2: {  	s2 =	simm.s32 @!p5 $0x4100  }
0xf3: {  	[tilespmem:s2], [sflag:$0x2] =	stream.indirect.gather @!p5 [hbm4b:s4+s5], $0x80, s12, s5, $0xb8;
	[tilespmem:$0x1C980] =	vst v63  }
0xf4: {  	s2 =	simm.s32 @!p5 $0x3  }
0xf5: {  	_ =	swait.ge @!p5 [sflag:s2], $0x2800  }
0xf6: {  	[sflag:s2] =	ssyncset.done @!p5 $0x0  }
0xf7: {  	[sflag:s2] =	ssyncadd.s32 @!p5 $0xFFFFD800;
	s2 =	simm.s32 @!p5 $0x6  }
0xf8: {  	_ =	swait.ge @!p5 [sflag:s2], $0x50  }
0xf9: {  	[sflag:s2] =	ssyncset.done @!p5 $0x0  }
0xfa: {  	p6 =	sgt.u32 @!p5 s13, $0xE;
	[sflag:s2] =	ssyncadd.s32 @!p5 $0xFFFFFFB0;
	s2 =	simm.s32 @!p5 $0x1880  }
0xfb: {  	[spmem:s1] =	stream.indirect.scatter.add.f32 @!p5 [tilespmem:s7], [sflag:$0x7], $0x80, s2, s5, $0xb8;
	[tilespmem:$0x1C980] =	vst v63  }
0xfc: {  	p6 =	por p6, p5;
	_ =	swait.ge @!p5 [sflag:s10], $0x2800  }
0xfd: {  	s3 =	simm.s32 @!p6 $0x0;
	s2 =	sadd.s32 @!p6 s11, s20;
	[sflag:s10] =	ssyncset.done @!p5 $0x0  }
0xfe: {  	s5 =	simm.s32 @!p6 $0x1880;
	s11 =	sadd.s32 @!p5 $0x1E, s11;
	[sflag:s10] =	ssyncadd.s32 @!p5 $0xFFFFD800  }
0xff: {  	[tilespmem:s5], [sflag:$0x6] =	stream.linear.gather @!p6 [hbm4b:s2+s3], $0x50, $0x38;
	[tilespmem:$0x1C980] =	vst v63  }
0x100: {  	p6 =	sne.s32 @!p5 s11, $0x1FE  }
0x101: {  	p6 =	por p5, !p6  }
.Ltmp4:
0x102: {  	_ = 	snop;
	(pc) =	sbr.rel @!p6 .LBB2_9-.Ltmp4, $2  }
0x103: {  	_ =	sdelay $0x2  }
0x104: {  	s13 =	sadd.s32 @!p5 $0x1, s13;
	s12 =	sadd.s32 @!p5 $0xF0, s12  }
0x105: {  	s15 =	stileid.u32;
	[bflag:$0x0] =	sbarrier.arrive $0xFFFF  }
0x106: {  	s2 =	sshll.u32 @!p0 s15, $0x6;
	s7 =	rddreg [dreg:$0x6]  }
0x107: {  	s5 =	rddreg [dreg:$0xf];
	s2 =	sor.u32 @!p0 $0x1C07, s2;
	s3 =	sshrl.u32 @!p0 s7, $0x3  }
0x108: {  	[hbm:s5], [sflag:s2] =	dma.local @!p0 [spmem:s3], $0x2800  }
0x109: {  	s2 =	simm.s32 @!p0 $0x7  }
0x10a: {  	_ =	swait.ge @!p0 [sflag:s2], $0x2800  }
0x10b: {  	s5 =	rddreg [dreg:$0x4]  }
0x10c: {  	s3 =	sshll.u32 @p4 s15, $0x6;
	[sflag:s2] =	ssyncset.done @!p0 $0x0;
	s10 =	rddreg [dreg:$0x11]  }
0x10d: {  	[sflag:s2] =	ssyncadd.s32 @!p0 $0xFFFFD800;
	s2 =	sor.u32 @p4 $0x1C07, s3;
	s3 =	sshrl.u32 @p4 s5, $0x3  }
0x10e: {  	[hbm:s10], [sflag:s2] =	dma.local @p4 [spmem:s3], $0x1900  }
0x10f: {  	s2 =	simm.s32 @p4 $0x7  }
0x110: {  	_ =	swait.ge @p4 [sflag:s2], $0x1900  }
0x111: {  	s11 =	rddreg [dreg:$0x1e]  }
0x112: {  	s23 =	rddreg [dreg:$0x12];
	s11 =	sadd.s32 $0x1, s11  }
0x113: {  	p5 =	sne.s32 s11, s23  }
.Ltmp5:
0x114: {  	_ = 	snop;
	(pc) =	sbr.rel @p5 .LBB2_1-.Ltmp5, $3  }
0x115: {  	_ =	sdelay $0x1  }
0x116: {  	[sflag:s2] =	ssyncset.done @p4 $0x0  }
0x117: {  	s10 =	simm.s32 $0x1780;
	[sflag:s2] =	ssyncadd.s32 @p4 $0xFFFFE700;
	s2 =	simm.s32 $0x0  }
0x118: {  	_ =	sfence.sel $0x180000  }
0x119: {  	[bflag:$0x0] =	sbarrier.arrive $0xFFFF  }
0x11a: {  	_ =	strace $0x9000004A  }
0x11b: {  	[bflag:$0x2] =	sbarrier.arrive $0xFFFF  }
0x11c: {  	p0 =	sne.s32 s15, $0x0;
	s0 =	rddreg [dreg:$0x3]  }
0x11d: {  	s0 =	sadd.s32 @!p0 $0x100000, s0  }
0x11e: {  	[sflag:s0] =	ssyncadd.tile.s32 @!p0 $0x1;
	_ =	shalt  }
.Lfunc_end2:
_tile_overlayer_lowered:
.L_overlay_start_2:
0x11f: {  	(tag) =	ssettag $0x2  }
0x120: {  	s0 =	rddreg [dreg:$0x0];
	s2 =	stileid.u32  }
0x121: {  	s1 =	rddreg [dreg:$0x1];
	p0 =	sne.s32 s2, $0x0  }
0x122: {  	s3 =	rddreg [dreg:$0x2];
	[bflag:$0x3] =	sbarrier.arrive $0xFFFF;
	s2 =	simm.s32 @!p0 $0x1C07  }
0x123: {  	[timem:s3], [sflag:s2] =	dma.local @!p0 [hbm:s0], s1  }
0x124: {  	s0 =	simm.s32 @!p0 $0x7  }
0x125: {  	_ =	swait.ge @!p0 [sflag:s0], s1  }
0x126: {  	s1 =	ssub.s32 @!p0 $0x0, s1;
	[sflag:s0] =	ssyncset.done @!p0 $0x0  }
0x127: {  	[sflag:s0] =	ssyncadd.s32 @!p0 s1  }
0x128: {  	[bflag:$0x3] =	sbarrier.arrive $0xFFFF  }
0x129: {  	_ =	shalt  }

// kernel: kernel.14.cloned.1.call-start
scs
__scs_entry_jumppad:
0x0: {  	(pc) =	sbr.rel $0x88, $3  }
0x1: {  	(tag) =	ssettag $0x0;
	lr =	simm.s32 $0x1  }
0x2: {  	[smem:$0x3F99] =	sst lr;
	_ =	strace $0xD0000000  }
0x3: {  	_ = 	snop  }
0x4: {  	_ = 	snop  }
0x5: {  	_ = 	snop  }
0x6: {  	_ = 	snop  }
0x7: {  	_ = 	snop  }
__scs_overlays_trampoline_lowered:
0x8: {  	[smem:$0x3FA8] =	sst s0  }
0x9: {  	[smem:$0x3FA9] =	sst s1  }
0xa: {  	[smem:$0x3FAA] =	sst s2  }
0xb: {  	[smem:$0x3FAB] =	sst s3  }
0xc: {  	[smem:$0x3FAC] =	sst s4  }
0xd: {  	[smem:$0x3FAD] =	sst s5  }
0xe: {  	[smem:$0x3FAE] =	sst s6  }
0xf: {  	[smem:$0x3FAF] =	sst s7  }
0x10: {  	[smem:$0x3FB0] =	sst s8  }
0x11: {  	[smem:$0x3FB1] =	sst s9;
	s0 =	simm.s32 @!p0 $0x0  }
0x12: {  	s1 =	sld [smem:$0x3F97];
	s0 =	simm.s32 @p0 $0x1  }
0x13: {  	[smem:$0x3FB2] =	sst s0;
	s0 =	simm.s32 @!p1 $0x0  }
0x14: {  	s2 =	sld [smem:$0x3F96];
	s0 =	simm.s32 @p1 $0x1  }
0x15: {  	[smem:$0x3FB3] =	sst s0;
	s0 =	simm.s32 @!p2 $0x0  }
0x16: {  	s3 =	sld [smem:$0x3FDB];
	s0 =	simm.s32 @p2 $0x1  }
0x17: {  	s4 =	simm.s32 $0x1BF5;
	[smem:$0x3FB5] =	sst s0  }
0x18: {  	s0 =	sld [smem:$0x3F98];
	_ =	swait.ge [sflag:s4], $0x0  }
0x19: {  	s7 =	sld [smem:$0x3F99]  }
0x1a: {  	s8 =	sadd.s32 $0xFFFFE003, lr  }
0x1b: {  	s9 =	sadd.s32 $0xFFFFFEF7, lr;
	s5 =	simm.s32 $0xFFFFFFFF;
	p2 =	slt.u32 s8, $0xFFFFF086  }
0x1c: {  	p1 =	slt.u32 s9, $0xF7A;
	s5 =	simm.s32 @!p2 $0x0  }
0x1d: {  	s5 =	simm.s32 @p1 $0x1;
	p0 =	seq.s32 s7, s2  }
0x1e: {  	s7 =	smul.u32 @!p0 $0xF7A, s2;
	p2 =	seq.s32 @!p0 s5, $0x0  }
0x1f: {  	s9 =	smul.u32 $0xF7A, s1;
	s8 =	simm.s32 @!p0 $0x1BF5;
	p2 =	por !p2, p0  }
0x20: {  	[sflag:s8] =	ssyncset.s32 @!p0 $0xFFFFF086;
	s6 =	sadd.s32 @!p0 s3, s7;
	s7 =	simm.s32 @!p0 $0x108  }
0x21: {  	s3 =	sadd.s32 s3, s9;
	s6 =	sadd.s32 @!p0 $0x88, s6;
	s7 =	simm.s32 @p2 $0x1082  }
0x22: {  	[simem:s7], [sflag:s8] =	dma.local @!p0 [hbm:s6], $0xF7A  }
0x23: {  	s9 =	sor.u32 $0xD0000000, s2;
	s6 =	simm.s32 $0x108;
	_ =	swait.ge @!p0 [sflag:s8], $0x0  }
0x24: {  	s3 =	sadd.s32 $0x88, s3;
	s6 =	simm.s32 @!p1 $0x1082;
	[sflag:s4] =	ssyncset.s32 $0xFFFFF086  }
0x25: {  	[simem:s6], [sflag:s4] =	dma.local [hbm:s3], $0xF7A  }
0x26: {  	[smem:$0x3F99] =	sst s1;
	(tag) =	ssettag s2;
	_ =	strace s9  }
0x27: {  	s1 =	sld [smem:$0x3FA9]  }
0x28: {  	s2 =	sld [smem:$0x3FAA]  }
0x29: {  	s4 =	sld [smem:$0x3FAC]  }
0x2a: {  	p0 =	seq.s32 s5, $0x0;
	s5 =	sld [smem:$0x3FAD]  }
0x2b: {  	s6 =	sld [smem:$0x3FAE]  }
0x2c: {  	s7 =	sld [smem:$0x3FAF]  }
0x2d: {  	s3 =	simm.s32 $0x108;
	s8 =	sld [smem:$0x3FB0]  }
0x2e: {  	s3 =	simm.s32 @!p0 $0x1082;
	s9 =	sld [smem:$0x3FB1]  }
0x2f: {  	lr =	sadd.s32 s0, s3;
	s0 =	sld [smem:$0x3FA8]  }
0x30: {  	s3 =	sld [smem:$0x3FAB]  }
0x31: {  	[smem:$0x3FB4] =	sst s10  }
0x32: {  	s10 =	sld [smem:$0x3FB2];
	_ =	sdelay $0x3  }
0x33: {  	p0 =	seq.s32 s10, $0x1;
	s10 =	sld [smem:$0x3FB4];
	_ =	sdelay $0x3  }
0x34: {  	[smem:$0x3FB4] =	sst s10  }
0x35: {  	s10 =	sld [smem:$0x3FB3];
	_ =	sdelay $0x3  }
0x36: {  	p1 =	seq.s32 s10, $0x1;
	s10 =	sld [smem:$0x3FB4];
	_ =	sdelay $0x3  }
0x37: {  	[smem:$0x3FB4] =	sst s10  }
0x38: {  	s10 =	sld [smem:$0x3FB5]  }
0x39: {  	_ = 	snop;
	(pc) =	sbr.ind lr, $3  }
0x3a: {  	_ = 	snop  }
0x3b: {  	_ = 	snop  }
0x3c: {  	p2 =	seq.s32 s10, $0x1;
	s10 =	sld [smem:$0x3FB4]  }
0x3d: {  	_ =	shalt  }
0x3e: {  	_ =	shalt  }
0x3f: {  	_ =	shalt  }
0x40: {  	_ =	shalt  }
0x41: {  	_ =	shalt  }
0x42: {  	_ =	shalt  }
0x43: {  	_ =	shalt  }
0x44: {  	_ =	shalt  }
0x45: {  	_ =	shalt  }
0x46: {  	_ =	shalt  }
0x47: {  	_ =	shalt  }
0x48: {  	_ =	shalt  }
0x49: {  	_ =	shalt  }
0x4a: {  	_ =	shalt  }
0x4b: {  	_ =	shalt  }
0x4c: {  	_ =	shalt  }
0x4d: {  	_ =	shalt  }
0x4e: {  	_ =	shalt  }
0x4f: {  	_ =	shalt  }
0x50: {  	_ =	shalt  }
0x51: {  	_ =	shalt  }
0x52: {  	_ =	shalt  }
0x53: {  	_ =	shalt  }
0x54: {  	_ =	shalt  }
0x55: {  	_ =	shalt  }
0x56: {  	_ =	shalt  }
0x57: {  	_ =	shalt  }
0x58: {  	_ =	shalt  }
0x59: {  	_ =	shalt  }
0x5a: {  	_ =	shalt  }
0x5b: {  	_ =	shalt  }
0x5c: {  	_ =	shalt  }
0x5d: {  	_ =	shalt  }
0x5e: {  	_ =	shalt  }
0x5f: {  	_ =	shalt  }
0x60: {  	_ =	shalt  }
0x61: {  	_ =	shalt  }
0x62: {  	_ =	shalt  }
0x63: {  	_ =	shalt  }
0x64: {  	_ =	shalt  }
0x65: {  	_ =	shalt  }
0x66: {  	_ =	shalt  }
0x67: {  	_ =	shalt  }
0x68: {  	_ =	shalt  }
0x69: {  	_ =	shalt  }
0x6a: {  	_ =	shalt  }
0x6b: {  	_ =	shalt  }
0x6c: {  	_ =	shalt  }
0x6d: {  	_ =	shalt  }
0x6e: {  	_ =	shalt  }
0x6f: {  	_ =	shalt  }
0x70: {  	_ =	shalt  }
0x71: {  	_ =	shalt  }
0x72: {  	_ =	shalt  }
0x73: {  	_ =	shalt  }
0x74: {  	_ =	shalt  }
0x75: {  	_ =	shalt  }
0x76: {  	_ =	shalt  }
0x77: {  	_ =	shalt  }
0x78: {  	_ =	shalt  }
0x79: {  	_ =	shalt  }
0x7a: {  	_ =	shalt  }
0x7b: {  	_ =	shalt  }
0x7c: {  	_ =	shalt  }
0x7d: {  	_ =	shalt  }
0x7e: {  	_ =	shalt  }
0x7f: {  	_ =	shalt  }
0x80: {  	_ =	shalt  }
0x81: {  	_ =	shalt  }
0x82: {  	_ =	shalt  }
0x83: {  	_ =	shalt  }
0x84: {  	_ =	shalt  }
0x85: {  	_ =	shalt  }
0x86: {  	_ =	shalt  }
0x87: {  	_ =	shalt  }
.Lfunc_end0:
.L_simem_size_0:
called_computation.2_lowered:
.L_overlay_start_0:
0x88: {  	s2 =	sld [smem:$0x3FD9]  }
0x89: {  	s3 =	sld [smem:$0x3FFE];
	_ =	sdelay $0x1  }
0x8a: {  	s1 =	srdreg.scid  }
0x8b: {  	s0 =	sand.u32 $0x1, s1  }
0x8c: {  	s14 =	sshll.u32 s0, $0xA;
	s2 =	sadd.s32 s3, s2  }
0x8d: {  	s2 =	sadd.s32 s2, s14  }
0x8e: {  	[smem:$0x3FC0] =	sst s2  }
0x8f: {  	_ = 	snop  }
0x90: {  	s2 =	sld [smem:$0x3FD0];
	_ =	sdelay $0x2  }
0x91: {  	s15 =	simm.s32 $0xA;
	s4 =	simm.s32 $0x10  }
0x92: {  	[smem:s4], [sflag:s15] =	dma.local [hbm:s2], $0x1  }
0x93: {  	_ =	swait.eq [sflag:s15], $0x1  }
0x94: {  	[sflag:s15] =	ssyncset.done $0x0  }
0x95: {  	[sflag:s15] =	ssyncadd.s32 $0xFFFFFFFF  }
0x96: {  	s16 =	sld [smem:$0x11];
	(tm) =	ssettm $0x1  }
0x97: {  	s17 =	sld [smem:$0x3FFB];
	_ =	sdelay $0x3  }
0x98: {  	_ =	strace s17  }
0x99: {  	s3 =	sld [smem:$0x3FFC];
	_ =	sdelay $0x3  }
0x9a: {  	_ =	strace s3  }
0x9b: {  	s3 =	sld [smem:$0x3FFD];
	_ =	sdelay $0x3  }
0x9c: {  	_ =	strace s3  }
0x9d: {  	_ =	strace $0x8FFFFFFF  }
0x9e: {  	s18 =	sld [smem:$0x3FDB];
	_ =	sdelay $0x1  }
0x9f: {  	s19 =	simm.s32 $_scs_section_size  }
0xa0: {  	s5 =	simm.s32 $_size__tile_overlayer_lowered;
	s6 =	simm.s32 $_tile_overlayer_lowered  }
0xa1: {  	s22 =	simm.s32 $0x1BFF;
	s21 =	sshll.u32 s6, $0x1;
	s3 =	sadd.s32 s19, s18  }
0xa2: {  	s7 =	simm.s32 $0x0;
	s20 =	sshll.u32 s5, $0x1;
	s5 =	sadd.s32 s21, s3  }
0xa3: {  	[timem:s7], [sflag:s22] =	dma.local [hbm:s5], s20  }
0xa4: {  	_ =	swait.ge [sflag:s22], s20  }
0xa5: {  	s4 =	ssub.s32 $0x0, s20;
	[sflag:s22] =	ssyncset.done $0x0  }
0xa6: {  	[sflag:s22] =	ssyncadd.s32 s4;
	_ =	sdelay $0x1  }
0xa7: {  	s23 =	simm.s32 $0x1B8B  }
0xa8: {  	_ =	swait.ge [sflag:s23], $0x1  }
0xa9: {  	[sflag:s23] =	ssyncset.done $0x0  }
0xaa: {  	s25 =	simm.s32 $0x1B8E;
	s24 =	sld [smem:$0x3FFE];
	[sflag:s23] =	ssyncadd.s32 $0xFFFFFFFF  }
0xab: {  	s26 =	simm.s32 $execute0_lowered;
	[smem:$0x3FD2] =	sst s25  }
0xac: {  	s5 =	sshll.u32 s26, $0x1;
	_ =	strace $0x8000004C;
	[dreg:$0x1] =	wrdreg $0xFFFFFFFF  }
0xad: {  	s28 =	simm.s32 $_size_execute0_lowered;
	s3 =	sadd.s32 s3, s5;
	[dreg:$0x0] =	wrdreg $0x0  }
0xae: {  	s5 =	sshll.u32 s28, $0x1;
	[dreg:$0x2] =	wrdreg s3  }
0xaf: {  	[dreg:$0x3] =	wrdreg s5  }
0xb0: {  	[dreg:$0x4] =	wrdreg $0xC0  }
0xb1: {  	_ =	task [dreg:s7], $0x5FFFF  }
0xb2: {  	[dreg:$0x1] =	wrdreg $0xFFFFFFFF  }
0xb3: {  	[dreg:$0x0] =	wrdreg $0x60  }
0xb4: {  	[dreg:$0x2] =	wrdreg s24  }
0xb5: {  	[dreg:$0x3] =	wrdreg s16  }
0xb6: {  	[dreg:$0x4] =	wrdreg $0x91000  }
0xb7: {  	[dreg:$0x5] =	wrdreg $0x9  }
0xb8: {  	_ =	task.clear_ibuf [dreg:s7], $0x6FFFF;
	_ =	strace $0x9000004C  }
0xb9: {  	s29 =	simm.s32 $0x9;
	_ =	strace $0x8000004E  }
0xba: {  	_ =	swait.ge [sflag:s29], $0x1  }
0xbb: {  	[sflag:s29] =	ssyncadd.s32 $0xFFFFFFFF  }
0xbc: {  	_ =	strace $0x9000004E  }
0xbd: {  	_ =	sfence  }
0xbe: {  	s30 =	sld [smem:$0x0];
	_ =	sdelay $0x2  }
0xbf: {  	s31 =	sshll.u32 s1, $0xD;
	s1 =	sshrl.u32 s1, $0x2  }
0xc0: {  	s3 =	sand.u32 $0x4000, s31;
	s1 =	sadd.s32 s1, s30  }
0xc1: {  	s0 =	sor.u32 s3, s0;
	s1 =	sshll.u32 s1, $0x11  }
0xc2: {  	s0 =	sor.u32 s1, s0  }
0xc3: {  	s0 =	sadd.s32 $0x8F2B, s0  }
0xc4: {  	[sflag:s0] =	ssyncadd.remote.s32 $0x1  }
0xc5: {  	_ =	sfence.sel $0xFFFF  }
0xc6: {  	[dreg:$0x0] =	wrdreg $0xFFFFFFFF;
	(pc) =	sbr.abs _section_cstart, $3  }
0xc7: {  	[dreg:$0x1] =	wrdreg $0xFFFFFFFF  }
0xc8: {  	_ =	task.clear_ibuf [dreg:s7], $0x2FFFF;
	_ =	strace $0x9FFFFFFF  }
0xc9: {  	(tm) =	ssettm $0x7FFFFFFF  }
tec
execute0_lowered:
.L_overlay_start_1:
0x0: {  	(tag) =	ssettag $0x1  }
0x1: {  	s6 =	rddreg [dreg:$0x0]  }
0x2: {  	s0 =	rddreg [dreg:$0x1]  }
0x3: {  	s1 =	rddreg [dreg:$0x2];
	s3 =	srdreg.scid  }
0x4: {  	s2 =	simm.s32 $0x0;
	s15 =	stileid.u32;
	s28 =	simm.s32 $0x50  }
0x5: {  	s29 =	simm.s32 $0x1900;
	s30 =	simm.s32 $0x4100;
	s31 =	simm.s32 $0x6  }
0x6: {  	s8 =	sand.u32 $0x1, s3;
	[smem:$0x7FF] =	sst s2;
	s4 =	sadd.s32 $0x2C00, s6  }
0x7: {  	s9 =	sadd.s32 $0x29E00, s6;
	s14 =	sshll.u32 s15, $0x1;
	s16 =	smul.u32 $0x50000, s15  }
0x8: {  	p0 =	sne.s32 s15, $0xF;
	s12 =	smul.u32 $0x2800, s15;
	s17 =	sadd.s32 $0x28400, s6  }
0x9: {  	s25 =	smul.u32 $0x14000, s15;
	s5 =	ssub.s32 $0x2, s8;
	_ =	strace $0x8000004D  }
0xa: {  	p2 =	seq.s32 s8, $0x0;
	s11 =	sor.u32 s8, s14;
	[dreg:$0x5] =	wrdreg s17  }
0xb: {  	s22 =	smul.u32 $0x138800, s8;
	s7 =	sshrl.u32 s5, $0x1;
	p1 =	por !p2, !p0  }
0xc: {  	p0 =	seq.s32 s15, $0xF;
	s18 =	sadd.s32 s4, s12;
	s10 =	ssub.s32 s5, s7  }
0xd: {  	s7 =	sshrl.u32 s16, $0x2;
	s5 =	sadd.s32 $0x12C000, s1;
	[dreg:$0x7] =	wrdreg s18  }
0xe: {  	s19 =	smul.u32 $0x2710, s11;
	s7 =	sadd.s32 s7, s1;
	[dreg:$0x4] =	wrdreg s5  }
0xf: {  	p1 =	por !p1, !p1;
	s20 =	sadd.s32 $0x2800, s7;
	[dreg:$0x6] =	wrdreg s7  }
0x10: {  	p2 =	por !p2, !p0;
	s21 =	sadd.s32 $0x5000, s7;
	[dreg:$0x8] =	wrdreg s20  }
0x11: {  	s12 =	sadd.s32 s25, s22;
	s23 =	sadd.s32 $0x7800, s7;
	[dreg:$0x9] =	wrdreg s21  }
0x12: {  	s11 =	sshrl.u32 s22, $0x3;
	s24 =	sadd.s32 $0xA000, s7;
	[dreg:$0xa] =	wrdreg s23  }
0x13: {  	s6 =	sshrl.u32 s19, $0x3;
	s26 =	sadd.s32 $0xC800, s7;
	[dreg:$0xb] =	wrdreg s24  }
0x14: {  	s14 =	sshrl.u32 s12, $0x3;
	s13 =	sadd.s32 $0xF000, s7;
	[dreg:$0xc] =	wrdreg s26  }
0x15: {  	s3 =	sadd.s32 s0, s6;
	s6 =	sadd.s32 s9, s14;
	[dreg:$0xd] =	wrdreg s13  }
0x16: {  	p3 =	por !p2, !p2;
	p2 =	seq.s32 s8, $0x1;
	[dreg:$0xf] =	wrdreg s6  }
0x17: {  	s16 =	sadd.s32 s9, s11;
	s26 =	sadd.s32 $0x11800, s7;
	[dreg:$0xe] =	wrdreg s3  }
0x18: {  	s8 =	smul.u32 $0x2710, s8;
	s6 =	sadd.s32 $0x25800, s16;
	[dreg:$0x10] =	wrdreg s26  }
0x19: {  	p3 =	por !p3, p1;
	s14 =	sadd.s32 $0x9C4A, s3;
	[dreg:$0x11] =	wrdreg s6  }
0x1a: {  	s13 =	smul.u32 $0x4E20, s15;
	s16 =	sadd.s32 $0x9C54, s3;
	[dreg:$0x18] =	wrdreg s14  }
0x1b: {  	[dreg:$0x19] =	wrdreg s16;
	s26 =	sadd.s32 $0x9F42, s3;
	s14 =	simm.s32 $0x7  }
0x1c: {  	s6 =	simm.s32 $0x1880;
	s16 =	simm.s32 $0x1;
	s8 =	sadd.s32 s8, s13  }
0x1d: {  	s13 =	sadd.s32 $0x9C40, s3;
	[dreg:$0x1d] =	wrdreg s26;
	s26 =	simm.s32 $0x1800  }
0x1e: {  	s21 =	sadd.s32 $0x4E390, s8;
	s22 =	sadd.s32 $0x4E2F0, s8;
	s23 =	sadd.s32 $0x4E340, s8  }
0x1f: {  	s24 =	sadd.s32 $0x4FB00, s8;
	s25 =	sadd.s32 $0x4FAB0, s8;
	s8 =	sadd.s32 $0x4FA60, s8  }
0x20: {  	[dreg:$0x17] =	wrdreg s13;
	s9 =	sshrl.u32 s21, $0x3;
	s11 =	sshrl.u32 s22, $0x3  }
0x21: {  	s12 =	sshrl.u32 s23, $0x3;
	s8 =	sshrl.u32 s8, $0x3;
	s23 =	sadd.s32 $0x2EE, s3  }
0x22: {  	s17 =	sadd.s32 s9, s0;
	s18 =	sadd.s32 s11, s0;
	s19 =	sadd.s32 s12, s0  }
0x23: {  	s22 =	sadd.s32 s8, s0;
	s8 =	smax.u32 s10, $0x1;
	[dreg:$0x1a] =	wrdreg s23  }
0x24: {  	s9 =	sshrl.u32 s24, $0x3;
	s10 =	sadd.s32 $0x131000, s1;
	[dreg:$0x12] =	wrdreg s8  }
0x25: {  	s11 =	sshrl.u32 s25, $0x3;
	s12 =	sadd.s32 $0x136000, s1;
	[dreg:$0x14] =	wrdreg s10  }
0x26: {  	s24 =	sadd.s32 $0x9F2E, s3;
	s25 =	sadd.s32 $0x9F38, s3;
	[dreg:$0x16] =	wrdreg s12  }
0x27: {  	s20 =	sadd.s32 s9, s0;
	s21 =	sadd.s32 s11, s0;
	[dreg:$0x1b] =	wrdreg s24  }
0x28: {  	s9 =	sadd.s32 $0x12E800, s1;
	s11 =	sadd.s32 $0x133800, s1;
	[dreg:$0x1c] =	wrdreg s25  }
0x29: {  	s10 =	simm.s32 $0x1780;
	s8 =	simm.s32 $0x6900;
	s24 =	simm.s32 $0x4  }
0x2a: {  	s25 =	simm.s32 $0x3;
	s0 =	simm.s32 $0x2;
	[dreg:$0x13] =	wrdreg s9  }
0x2b: {  	v0 =	vimm.f32 $0.0e+00;
	[dreg:$0x15] =	wrdreg s11;
	s9 =	simm.s32 $0x5;
	s11 =	simm.s32 $0x0  }
.LBB2_1:
0x2c: {  	[dreg:$0x1e] =	wrdreg s11  }
0x2d: {  	s11 =	sshrl.u32 @!p3 s5, $0x3;
	s12 =	simm.s32 @!p3 $0x1FC7;
	s3 =	rddreg [dreg:$0x5]  }
0x2e: {  	[spmem:s11], [sflag:s12] =	dma.local @!p3 [hbm:s3], $0x1900  }
0x2f: {  	s11 =	simm.s32 @!p3 $0x7  }
0x30: {  	_ =	swait.ge @!p3 [sflag:s11], $0x1900  }
0x31: {  	s12 =	sshll.u32 @p1 s15, $0x6;
	[sflag:s11] =	ssyncset.done @!p3 $0x0;
	s3 =	rddreg [dreg:$0x7]  }
0x32: {  	[sflag:s11] =	ssyncadd.s32 @!p3 $0xFFFFE700;
	s11 =	sor.u32 @p1 $0x1C07, s12;
	s12 =	sshrl.u32 @p1 s7, $0x3  }
0x33: {  	[spmem:s12], [sflag:s11] =	dma.local @p1 [hbm:s3], $0x2800  }
.Ltmp0:
0x34: {  	_ = 	snop;
	(pc) =	sbr.rel @!p2 .LBB2_5-.Ltmp0, $4  }
0x35: {  	s11 =	simm.s32 @p1 $0x7  }
0x36: {  	p4 =	por @!p3 $0x1, $0x1;
	p5 =	por p0, p0;
	_ =	swait.ge @p1 [sflag:s11], $0x2800  }
0x37: {  	p5 =	por @!p3 p4, p4;
	p4 =	por @p1 $0x0, $0x0;
	[sflag:s11] =	ssyncset.done @p1 $0x0  }
0x38: {  	p4 =	por @!p1 p5, p5;
	[sflag:s11] =	ssyncadd.s32 @p1 $0xFFFFD800  }
0x39: {  	s11 =	sand.u32 $0xFE00, s2  }
0x3a: {  	s12 =	sand.u32 $0x70, s2;
	s13 =	sshrl.u32 s11, $0x2  }
0x3b: {  	s11 =	simm.s32 $0x40;
	s13 =	sor.u32 s12, s13;
	s12 =	simm.s32 $0x0  }
.LBB2_3:
0x3c: {  	p5 =	sne.s32 s11, $0x9FC0  }
0x3d: {  	[tilespmem:s13+$0x1900] =	vst v0;
	s12 =	sadd.s32 $0x10, s12;
	s13 =	smov.u32 s11;
	s11 =	sadd.s32 $0x40, s11  }
.Ltmp1:
0x3e: {  	(pc) =	sbr.rel @p5 .LBB2_3-.Ltmp1, $4  }
0x3f: {  	_ = 	snop  }
0x40: {  	s13 =	sand.u32 $0xFE00, s13  }
0x41: {  	s15 =	sand.u32 $0x70, s12;
	s13 =	sshrl.u32 s13, $0x2  }
0x42: {  	s13 =	sor.u32 s15, s13  }
0x43: {  	[tilespmem:s13+$0x1900] =	vst v0;
	s11 =	simm.s32 @!p0 $0x1900;
	s12 =	simm.s32 @!p0 $0x7  }
0x44: {  	[spmem:s7] =	stream.linear.scatter @!p0 [tilespmem:s11], [sflag:$0x7], $0x2800, $0x38;
	[tilespmem:$0x1C980] =	vst v63  }
0x45: {  	_ =	swait.ge @!p0 [sflag:s12], $0x2800  }
0x46: {  	[sflag:s12] =	ssyncset.done @!p0 $0x0  }
0x47: {  	s3 =	rddreg [dreg:$0x8];
	[sflag:s12] =	ssyncadd.s32 @!p0 $0xFFFFD800  }
0x48: {  	[spmem:s3] =	stream.linear.scatter @!p0 [tilespmem:s11], [sflag:$0x7], $0x2800, $0x38;
	[tilespmem:$0x1C980] =	vst v63  }
0x49: {  	_ =	swait.ge @!p0 [sflag:s12], $0x2800  }
0x4a: {  	[sflag:s12] =	ssyncset.done @!p0 $0x0  }
0x4b: {  	s3 =	rddreg [dreg:$0x9];
	[sflag:s12] =	ssyncadd.s32 @!p0 $0xFFFFD800  }
0x4c: {  	[spmem:s3] =	stream.linear.scatter @!p0 [tilespmem:s11], [sflag:$0x7], $0x2800, $0x38;
	[tilespmem:$0x1C980] =	vst v63  }
0x4d: {  	_ =	swait.ge @!p0 [sflag:s12], $0x2800  }
0x4e: {  	[sflag:s12] =	ssyncset.done @!p0 $0x0  }
0x4f: {  	s3 =	rddreg [dreg:$0xa];
	[sflag:s12] =	ssyncadd.s32 @!p0 $0xFFFFD800  }
0x50: {  	[spmem:s3] =	stream.linear.scatter @!p0 [tilespmem:s11], [sflag:$0x7], $0x2800, $0x38;
	[tilespmem:$0x1C980] =	vst v63  }
0x51: {  	_ =	swait.ge @!p0 [sflag:s12], $0x2800  }
0x52: {  	[sflag:s12] =	ssyncset.done @!p0 $0x0  }
0x53: {  	s3 =	rddreg [dreg:$0xb];
	[sflag:s12] =	ssyncadd.s32 @!p0 $0xFFFFD800  }
0x54: {  	[spmem:s3] =	stream.linear.scatter @!p0 [tilespmem:s11], [sflag:$0x7], $0x2800, $0x38;
	[tilespmem:$0x1C980] =	vst v63  }
0x55: {  	_ =	swait.ge @!p0 [sflag:s12], $0x2800  }
0x56: {  	[sflag:s12] =	ssyncset.done @!p0 $0x0  }
0x57: {  	s3 =	rddreg [dreg:$0xc];
	[sflag:s12] =	ssyncadd.s32 @!p0 $0xFFFFD800  }
0x58: {  	[spmem:s3] =	stream.linear.scatter @!p0 [tilespmem:s11], [sflag:$0x7], $0x2800, $0x38;
	[tilespmem:$0x1C980] =	vst v63  }
0x59: {  	_ =	swait.ge @!p0 [sflag:s12], $0x2800  }
0x5a: {  	[sflag:s12] =	ssyncset.done @!p0 $0x0  }
0x5b: {  	s3 =	rddreg [dreg:$0xd];
	[sflag:s12] =	ssyncadd.s32 @!p0 $0xFFFFD800  }
0x5c: {  	[spmem:s3] =	stream.linear.scatter @!p0 [tilespmem:s11], [sflag:$0x7], $0x2800, $0x38;
	[tilespmem:$0x1C980] =	vst v63  }
0x5d: {  	_ =	swait.ge @!p0 [sflag:s12], $0x2800  }
0x5e: {  	[sflag:s12] =	ssyncset.done @!p0 $0x0  }
0x5f: {  	s3 =	rddreg [dreg:$0x10];
	[sflag:s12] =	ssyncadd.s32 @!p0 $0xFFFFD800  }
0x60: {  	[spmem:s3] =	stream.linear.scatter @!p0 [tilespmem:s11], [sflag:$0x7], $0x2800, $0x38;
	[tilespmem:$0x1C980] =	vst v63  }
0x61: {  	_ =	swait.ge @!p0 [sflag:s12], $0x2800  }
0x62: {  	[sflag:s12] =	ssyncset.done @!p0 $0x0  }
0x63: {  	s11 =	simm.s32 @p4 $0x1900;
	[sflag:s12] =	ssyncadd.s32 @!p0 $0xFFFFD800;
	s12 =	simm.s32 @p4 $0x7  }
0x64: {  	[spmem:s5] =	stream.linear.scatter @p4 [tilespmem:s11], [sflag:$0x7], $0x2800, $0x38;
	[tilespmem:$0x1C980] =	vst v63  }
0x65: {  	_ =	swait.ge @p4 [sflag:s12], $0x2800  }
0x66: {  	[sflag:s12] =	ssyncset.done @p4 $0x0  }
0x67: {  	s3 =	rddreg [dreg:$0x13];
	[sflag:s12] =	ssyncadd.s32 @p4 $0xFFFFD800  }
0x68: {  	[spmem:s3] =	stream.linear.scatter @p4 [tilespmem:s11], [sflag:$0x7], $0x2800, $0x38;
	[tilespmem:$0x1C980] =	vst v63  }
0x69: {  	_ =	swait.ge @p4 [sflag:s12], $0x2800  }
0x6a: {  	[sflag:s12] =	ssyncset.done @p4 $0x0  }
0x6b: {  	s3 =	rddreg [dreg:$0x14];
	[sflag:s12] =	ssyncadd.s32 @p4 $0xFFFFD800  }
0x6c: {  	[spmem:s3] =	stream.linear.scatter @p4 [tilespmem:s11], [sflag:$0x7], $0x2800, $0x38;
	[tilespmem:$0x1C980] =	vst v63  }
0x6d: {  	_ =	swait.ge @p4 [sflag:s12], $0x2800  }
0x6e: {  	[sflag:s12] =	ssyncset.done @p4 $0x0  }
0x6f: {  	s3 =	rddreg [dreg:$0x15];
	[sflag:s12] =	ssyncadd.s32 @p4 $0xFFFFD800  }
0x70: {  	[spmem:s3] =	stream.linear.scatter @p4 [tilespmem:s11], [sflag:$0x7], $0x2800, $0x38;
	[tilespmem:$0x1C980] =	vst v63  }
0x71: {  	_ =	swait.ge @p4 [sflag:s12], $0x2800  }
0x72: {  	[sflag:s12] =	ssyncset.done @p4 $0x0  }
0x73: {  	s3 =	rddreg [dreg:$0x16];
	[sflag:s12] =	ssyncadd.s32 @p4 $0xFFFFD800  }
0x74: {  	[spmem:s3] =	stream.linear.scatter @p4 [tilespmem:s11], [sflag:$0x7], $0x2800, $0x38;
	[tilespmem:$0x1C980] =	vst v63  }
0x75: {  	_ =	swait.ge @p4 [sflag:s12], $0x2800  }
0x76: {  	[sflag:s12] =	ssyncset.done @p4 $0x0  }
0x77: {  	[sflag:s12] =	ssyncadd.s32 @p4 $0xFFFFD800  }
.LBB2_5:
0x78: {  	[bflag:$0x0] =	sbarrier.arrive $0xFFFF  }
0x79: {  	s11 =	simm.s32 $0x0;
	s3 =	rddreg [dreg:$0xe]  }
0x7a: {  	[tilespmem:s11], [sflag:$0x7] =	stream.linear.gather [hbm4b:s3+s11], $0x1770, $0x38;
	[tilespmem:$0x1C980] =	vst v63  }
0x7b: {  	_ =	swait.ge [sflag:s14], $0x1770  }
0x7c: {  	[sflag:s14] =	ssyncset.done $0x0  }
0x7d: {  	s13 =	rddreg [dreg:$0x17];
	[sflag:s14] =	ssyncadd.s32 $0xFFFFE890  }
0x7e: {  	[tilespmem:s10], [sflag:$0x4] =	stream.linear.gather [hbm4b:s13+s11], $0x50, $0x38;
	[tilespmem:$0x1C980] =	vst v63  }
0x7f: {  	s15 =	rddreg [dreg:$0x18]  }
0x80: {  	[tilespmem:s26], [sflag:$0x5] =	stream.linear.gather [hbm4b:s15+s11], $0x50, $0x38;
	[tilespmem:$0x1C980] =	vst v63  }
0x81: {  	_ = 	snop  }
0x82: {  	[tilespmem:s29], [sflag:$0x1] =	stream.indirect.gather [hbm4b:s4+s28], $0x80, s11, s28, $0xb8;
	[tilespmem:$0x1C980] =	vst v63  }
0x83: {  	_ = 	snop  }
0x84: {  	[tilespmem:s30], [sflag:$0x2] =	stream.indirect.gather [hbm4b:s4+s28], $0x80, s28, s28, $0xb8;
	[tilespmem:$0x1C980] =	vst v63  }
0x85: {  	s12 =	simm.s32 $0x140;
	s23 =	rddreg [dreg:$0x19]  }
0x86: {  	[tilespmem:s6], [sflag:$0x6] =	stream.linear.gather [hbm4b:s23+s11], $0x50, $0x38;
	[tilespmem:$0x1C980] =	vst v63  }
.LBB2_6:
0x87: {  	s13 =	sadd.s32 $0xFFFFFF60, s12  }
0x88: {  	[tilespmem:s8], [sflag:$0x3] =	stream.indirect.gather [hbm4b:s4+s28], $0x80, s13, s28, $0xb8;
	[tilespmem:$0x1C980] =	vst v63  }
0x89: {  	_ =	swait.ge [sflag:s16], $0x2800  }
0x8a: {  	[sflag:s16] =	ssyncset.done $0x0  }
0x8b: {  	[sflag:s16] =	ssyncadd.s32 $0xFFFFD800  }
0x8c: {  	_ =	swait.ge [sflag:s24], $0x50  }
0x8d: {  	[sflag:s24] =	ssyncset.done $0x0  }
0x8e: {  	[sflag:s24] =	ssyncadd.s32 $0xFFFFFFB0  }
0x8f: {  	[spmem:s1] =	stream.indirect.scatter.add.f32 [tilespmem:s29], [sflag:$0x7], $0x80, s10, s28, $0xb8;
	[tilespmem:$0x1C980] =	vst v63  }
0x90: {  	_ =	swait.ge [sflag:s14], $0x2800  }
0x91: {  	p5 =	seq.s32 s11, $0x2D0;
	[sflag:s14] =	ssyncset.done $0x0  }
0x92: {  	s13 =	simm.s32 @p5 $0x2;
	[sflag:s14] =	ssyncadd.s32 $0xFFFFD800  }
0x93: {  	_ =	swait.ge @p5 [sflag:s13], $0x2800  }
0x94: {  	[sflag:s13] =	ssyncset.done @p5 $0x0  }
0x95: {  	[sflag:s13] =	ssyncadd.s32 @p5 $0xFFFFD800;
	s13 =	simm.s32 @p5 $0x5  }
0x96: {  	_ =	swait.ge @p5 [sflag:s13], $0x50  }
0x97: {  	s15 =	simm.s32 @p5 $0x1800;
	[sflag:s13] =	ssyncset.done @p5 $0x0  }
0x98: {  	s3 =	simm.s32 @p5 $0x4100;
	[sflag:s13] =	ssyncadd.s32 @p5 $0xFFFFFFB0;
	s13 =	simm.s32 @p5 $0x50  }
0x99: {  	[spmem:s1] =	stream.indirect.scatter.add.f32 @p5 [tilespmem:s3], [sflag:$0x7], $0x80, s15, s13, $0xb8;
	[tilespmem:$0x1C980] =	vst v63  }
0x9a: {  	s3 =	simm.s32 @p5 $0x7  }
0x9b: {  	_ =	swait.ge @p5 [sflag:s3], $0x2800  }
0x9c: {  	s13 =	simm.s32 @!p5 $0x0;
	[sflag:s3] =	ssyncset.done @p5 $0x0  }
0x9d: {  	s15 =	simm.s32 @!p5 $0x1780;
	[sflag:s3] =	ssyncadd.s32 @p5 $0xFFFFD800;
	s3 =	sadd.s32 @!p5 s11, s18  }
0x9e: {  	[tilespmem:s15], [sflag:$0x4] =	stream.linear.gather @!p5 [hbm4b:s3+s13], $0x50, $0x38;
	[tilespmem:$0x1C980] =	vst v63  }
0x9f: {  	s5 =	simm.s32 @!p5 $0x1900;
	s3 =	sadd.s32 @!p5 $0xFFFFFFB0, s12;
	s15 =	simm.s32 @!p5 $0x50  }
0xa0: {  	[tilespmem:s5], [sflag:$0x1] =	stream.indirect.gather @!p5 [hbm4b:s4+s15], $0x80, s3, s15, $0xb8;
	[tilespmem:$0x1C980] =	vst v63  }
0xa1: {  	s3 =	simm.s32 @!p5 $0x2  }
0xa2: {  	_ =	swait.ge @!p5 [sflag:s3], $0x2800  }
0xa3: {  	[sflag:s3] =	ssyncset.done @!p5 $0x0  }
0xa4: {  	[sflag:s3] =	ssyncadd.s32 @!p5 $0xFFFFD800;
	s3 =	simm.s32 @!p5 $0x5  }
0xa5: {  	_ =	swait.ge @!p5 [sflag:s3], $0x50  }
0xa6: {  	s7 =	simm.s32 @!p5 $0x7;
	[sflag:s3] =	ssyncset.done @!p5 $0x0  }
0xa7: {  	s5 =	simm.s32 @!p5 $0x4100;
	[sflag:s3] =	ssyncadd.s32 @!p5 $0xFFFFFFB0;
	s3 =	simm.s32 @!p5 $0x1800  }
0xa8: {  	[spmem:s1] =	stream.indirect.scatter.add.f32 @!p5 [tilespmem:s5], [sflag:$0x7], $0x80, s3, s15, $0xb8;
	[tilespmem:$0x1C980] =	vst v63  }
0xa9: {  	_ =	swait.ge @!p5 [sflag:s7], $0x2800  }
0xaa: {  	[sflag:s7] =	ssyncset.done @!p5 $0x0  }
0xab: {  	[sflag:s7] =	ssyncadd.s32 @!p5 $0xFFFFD800;
	s7 =	sadd.s32 @!p5 s11, s19  }
0xac: {  	[tilespmem:s3], [sflag:$0x5] =	stream.linear.gather @!p5 [hbm4b:s7+s13], $0x50, $0x38;
	[tilespmem:$0x1C980] =	vst v63  }
0xad: {  	_ = 	snop  }
0xae: {  	[tilespmem:s5], [sflag:$0x2] =	stream.indirect.gather @!p5 [hbm4b:s4+s15], $0x80, s12, s15, $0xb8;
	[tilespmem:$0x1C980] =	vst v63  }
0xaf: {  	_ =	swait.ge [sflag:s25], $0x2800  }
0xb0: {  	[sflag:s25] =	ssyncset.done $0x0  }
0xb1: {  	[sflag:s25] =	ssyncadd.s32 $0xFFFFD800  }
0xb2: {  	_ =	swait.ge [sflag:s31], $0x50  }
0xb3: {  	[sflag:s31] =	ssyncset.done $0x0  }
.Ltmp2:
0xb4: {  	[sflag:s31] =	ssyncadd.s32 $0xFFFFFFB0;
	(pc) =	sbr.rel @p5 .LBB2_8-.Ltmp2, $4  }
0xb5: {  	[spmem:s1] =	stream.indirect.scatter.add.f32 [tilespmem:s8], [sflag:$0x7], $0x80, s6, s28, $0xb8;
	[tilespmem:$0x1C980] =	vst v63  }
0xb6: {  	_ =	swait.ge [sflag:s14], $0x2800  }
0xb7: {  	[sflag:s14] =	ssyncset.done $0x0  }
0xb8: {  	[sflag:s14] =	ssyncadd.s32 $0xFFFFD800  }
.Ltmp3:
0xb9: {  	(pc) =	sbr.rel .LBB2_6-.Ltmp3, $3  }
0xba: {  	_ =	sdelay $0x1  }
0xbb: {  	s3 =	sadd.s32 s11, s17;
	s11 =	sadd.s32 $0x1E, s11;
	s12 =	sadd.s32 $0xF0, s12  }
0xbc: {  	[tilespmem:s6], [sflag:$0x6] =	stream.linear.gather [hbm4b:s3+s2], $0x50, $0x38;
	[tilespmem:$0x1C980] =	vst v63  }
.LBB2_8:
0xbd: {  	s11 =	simm.s32 $0x0;
	s2 =	rddreg [dreg:$0x1a]  }
0xbe: {  	[tilespmem:s11], [sflag:$0x7] =	stream.linear.gather [hbm4b:s2+s11], $0xFA0, $0x38;
	[tilespmem:$0x1C980] =	vst v63  }
0xbf: {  	_ =	swait.ge [sflag:s14], $0xFA0  }
0xc0: {  	[sflag:s14] =	ssyncset.done $0x0  }
0xc1: {  	s13 =	rddreg [dreg:$0x1b];
	[sflag:s14] =	ssyncadd.s32 $0xFFFFF060  }
0xc2: {  	[tilespmem:s10], [sflag:$0x4] =	stream.linear.gather [hbm4b:s13+s11], $0x50, $0x38;
	[tilespmem:$0x1C980] =	vst v63  }
0xc3: {  	s15 =	rddreg [dreg:$0x1c]  }
0xc4: {  	[tilespmem:s26], [sflag:$0x5] =	stream.linear.gather [hbm4b:s15+s11], $0x50, $0x38;
	[tilespmem:$0x1C980] =	vst v63  }
0xc5: {  	_ = 	snop  }
0xc6: {  	[tilespmem:s29], [sflag:$0x1] =	stream.indirect.gather [hbm4b:s4+s28], $0x80, s11, s28, $0xb8;
	[tilespmem:$0x1C980] =	vst v63  }
0xc7: {  	_ = 	snop  }
0xc8: {  	[tilespmem:s30], [sflag:$0x2] =	stream.indirect.gather [hbm4b:s4+s28], $0x80, s28, s28, $0xb8;
	[tilespmem:$0x1C980] =	vst v63  }
0xc9: {  	s12 =	simm.s32 $0x140;
	s23 =	rddreg [dreg:$0x1d];
	s13 =	simm.s32 $0x0  }
0xca: {  	[tilespmem:s6], [sflag:$0x6] =	stream.linear.gather [hbm4b:s23+s11], $0x50, $0x38;
	[tilespmem:$0x1C980] =	vst v63  }
.LBB2_9:
0xcb: {  	p5 =	seq.s32 s11, $0x1E0  }
0xcc: {  	s3 =	simm.s32 @p5 $0x1  }
0xcd: {  	_ =	swait.ge @p5 [sflag:s3], $0x2800  }
0xce: {  	[sflag:s3] =	ssyncset.done @p5 $0x0  }
0xcf: {  	[sflag:s3] =	ssyncadd.s32 @p5 $0xFFFFD800;
	s3 =	simm.s32 @p5 $0x4  }
0xd0: {  	_ =	swait.ge @p5 [sflag:s3], $0x50  }
0xd1: {  	s5 =	simm.s32 @p5 $0x1780;
	[sflag:s3] =	ssyncset.done @p5 $0x0  }
0xd2: {  	s7 =	simm.s32 @p5 $0x1900;
	[sflag:s3] =	ssyncadd.s32 @p5 $0xFFFFFFB0;
	s3 =	simm.s32 @p5 $0x50  }
0xd3: {  	[spmem:s1] =	stream.indirect.scatter.add.f32 @p5 [tilespmem:s7], [sflag:$0x7], $0x80, s5, s3, $0xb8;
	[tilespmem:$0x1C980] =	vst v63  }
0xd4: {  	s3 =	simm.s32 @p5 $0x7  }
0xd5: {  	_ =	swait.ge @p5 [sflag:s3], $0x2800  }
0xd6: {  	s5 =	simm.s32 @!p5 $0x50;
	[sflag:s3] =	ssyncset.done @p5 $0x0  }
0xd7: {  	s7 =	simm.s32 @!p5 $0x6900;
	[sflag:s3] =	ssyncadd.s32 @p5 $0xFFFFD800;
	s3 =	sadd.s32 @!p5 $0xFFFFFF60, s12  }
0xd8: {  	[tilespmem:s7], [sflag:$0x3] =	stream.indirect.gather @!p5 [hbm4b:s4+s5], $0x80, s3, s5, $0xb8;
	[tilespmem:$0x1C980] =	vst v63  }
0xd9: {  	s3 =	simm.s32 @!p5 $0x1  }
0xda: {  	_ =	swait.ge @!p5 [sflag:s3], $0x2800  }
0xdb: {  	[sflag:s3] =	ssyncset.done @!p5 $0x0  }
0xdc: {  	[sflag:s3] =	ssyncadd.s32 @!p5 $0xFFFFD800;
	s3 =	simm.s32 @!p5 $0x4  }
0xdd: {  	_ =	swait.ge @!p5 [sflag:s3], $0x50  }
0xde: {  	s15 =	simm.s32 @!p5 $0x1900;
	[sflag:s3] =	ssyncset.done @!p5 $0x0  }
0xdf: {  	s10 =	simm.s32 @!p5 $0x7;
	[sflag:s3] =	ssyncadd.s32 @!p5 $0xFFFFFFB0;
	s3 =	simm.s32 @!p5 $0x1780  }
0xe0: {  	[spmem:s1] =	stream.indirect.scatter.add.f32 @!p5 [tilespmem:s15], [sflag:$0x7], $0x80, s3, s5, $0xb8;
	[tilespmem:$0x1C980] =	vst v63  }
0xe1: {  	_ =	swait.ge @!p5 [sflag:s10], $0x2800  }
0xe2: {  	[sflag:s10] =	ssyncset.done @!p5 $0x0  }
0xe3: {  	s2 =	sadd.s32 @!p5 s11, s22;
	s23 =	simm.s32 @!p5 $0x0;
	[sflag:s10] =	ssyncadd.s32 @!p5 $0xFFFFD800  }
0xe4: {  	[tilespmem:s3], [sflag:$0x4] =	stream.linear.gather @!p5 [hbm4b:s2+s23], $0x50, $0x38;
	[tilespmem:$0x1C980] =	vst v63  }
0xe5: {  	s2 =	sadd.s32 @!p5 $0xFFFFFFB0, s12  }
0xe6: {  	[tilespmem:s15], [sflag:$0x1] =	stream.indirect.gather @!p5 [hbm4b:s4+s5], $0x80, s2, s5, $0xb8;
	[tilespmem:$0x1C980] =	vst v63  }
0xe7: {  	_ =	swait.ge [sflag:s0], $0x2800  }
0xe8: {  	[sflag:s0] =	ssyncset.done $0x0  }
0xe9: {  	[sflag:s0] =	ssyncadd.s32 $0xFFFFD800  }
0xea: {  	_ =	swait.ge [sflag:s9], $0x50  }
0xeb: {  	[sflag:s9] =	ssyncset.done $0x0  }
0xec: {  	[sflag:s9] =	ssyncadd.s32 $0xFFFFFFB0  }
0xed: {  	[spmem:s1] =	stream.indirect.scatter.add.f32 [tilespmem:s30], [sflag:$0x7], $0x80, s26, s28, $0xb8;
	[tilespmem:$0x1C980] =	vst v63  }
0xee: {  	_ =	swait.ge [sflag:s14], $0x2800  }
0xef: {  	[sflag:s14] =	ssyncset.done $0x0  }
0xf0: {  	s3 =	simm.s32 @!p5 $0x1800;
	s2 =	sadd.s32 @!p5 s11, s21;
	[sflag:s14] =	ssyncadd.s32 $0xFFFFD800  }
0xf1: {  	[tilespmem:s3], [sflag:$0x5] =	stream.linear.gather @!p5 [hbm4b:s2+s23], $0x50, $0x38;
	[tilespmem:$0x1C980] =	vst v63  }
0xf2: {  	s2 =	simm.s32 @!p5 $0x4100  }
0xf3: {  	[tilespmem:s2], [sflag:$0x2] =	stream.indirect.gather @!p5 [hbm4b:s4+s5], $0x80, s12, s5, $0xb8;
	[tilespmem:$0x1C980] =	vst v63  }
0xf4: {  	s2 =	simm.s32 @!p5 $0x3  }
0xf5: {  	_ =	swait.ge @!p5 [sflag:s2], $0x2800  }
0xf6: {  	[sflag:s2] =	ssyncset.done @!p5 $0x0  }
0xf7: {  	[sflag:s2] =	ssyncadd.s32 @!p5 $0xFFFFD800;
	s2 =	simm.s32 @!p5 $0x6  }
0xf8: {  	_ =	swait.ge @!p5 [sflag:s2], $0x50  }
0xf9: {  	[sflag:s2] =	ssyncset.done @!p5 $0x0  }
0xfa: {  	p6 =	sgt.u32 @!p5 s13, $0xE;
	[sflag:s2] =	ssyncadd.s32 @!p5 $0xFFFFFFB0;
	s2 =	simm.s32 @!p5 $0x1880  }
0xfb: {  	[spmem:s1] =	stream.indirect.scatter.add.f32 @!p5 [tilespmem:s7], [sflag:$0x7], $0x80, s2, s5, $0xb8;
	[tilespmem:$0x1C980] =	vst v63  }
0xfc: {  	p6 =	por p6, p5;
	_ =	swait.ge @!p5 [sflag:s10], $0x2800  }
0xfd: {  	s3 =	simm.s32 @!p6 $0x0;
	s2 =	sadd.s32 @!p6 s11, s20;
	[sflag:s10] =	ssyncset.done @!p5 $0x0  }
0xfe: {  	s5 =	simm.s32 @!p6 $0x1880;
	s11 =	sadd.s32 @!p5 $0x1E, s11;
	[sflag:s10] =	ssyncadd.s32 @!p5 $0xFFFFD800  }
0xff: {  	[tilespmem:s5], [sflag:$0x6] =	stream.linear.gather @!p6 [hbm4b:s2+s3], $0x50, $0x38;
	[tilespmem:$0x1C980] =	vst v63  }
0x100: {  	p6 =	sne.s32 @!p5 s11, $0x1FE  }
0x101: {  	p6 =	por p5, !p6  }
.Ltmp4:
0x102: {  	_ = 	snop;
	(pc) =	sbr.rel @!p6 .LBB2_9-.Ltmp4, $2  }
0x103: {  	_ =	sdelay $0x2  }
0x104: {  	s13 =	sadd.s32 @!p5 $0x1, s13;
	s12 =	sadd.s32 @!p5 $0xF0, s12  }
0x105: {  	s15 =	stileid.u32;
	[bflag:$0x0] =	sbarrier.arrive $0xFFFF  }
0x106: {  	s2 =	sshll.u32 @!p0 s15, $0x6;
	s7 =	rddreg [dreg:$0x6]  }
0x107: {  	s5 =	rddreg [dreg:$0xf];
	s2 =	sor.u32 @!p0 $0x1C07, s2;
	s3 =	sshrl.u32 @!p0 s7, $0x3  }
0x108: {  	[hbm:s5], [sflag:s2] =	dma.local @!p0 [spmem:s3], $0x2800  }
0x109: {  	s2 =	simm.s32 @!p0 $0x7  }
0x10a: {  	_ =	swait.ge @!p0 [sflag:s2], $0x2800  }
0x10b: {  	s5 =	rddreg [dreg:$0x4]  }
0x10c: {  	s3 =	sshll.u32 @p4 s15, $0x6;
	[sflag:s2] =	ssyncset.done @!p0 $0x0;
	s10 =	rddreg [dreg:$0x11]  }
0x10d: {  	[sflag:s2] =	ssyncadd.s32 @!p0 $0xFFFFD800;
	s2 =	sor.u32 @p4 $0x1C07, s3;
	s3 =	sshrl.u32 @p4 s5, $0x3  }
0x10e: {  	[hbm:s10], [sflag:s2] =	dma.local @p4 [spmem:s3], $0x1900  }
0x10f: {  	s2 =	simm.s32 @p4 $0x7  }
0x110: {  	_ =	swait.ge @p4 [sflag:s2], $0x1900  }
0x111: {  	s11 =	rddreg [dreg:$0x1e]  }
0x112: {  	s23 =	rddreg [dreg:$0x12];
	s11 =	sadd.s32 $0x1, s11  }
0x113: {  	p5 =	sne.s32 s11, s23  }
.Ltmp5:
0x114: {  	_ = 	snop;
	(pc) =	sbr.rel @p5 .LBB2_1-.Ltmp5, $3  }
0x115: {  	_ =	sdelay $0x1  }
0x116: {  	[sflag:s2] =	ssyncset.done @p4 $0x0  }
0x117: {  	s10 =	simm.s32 $0x1780;
	[sflag:s2] =	ssyncadd.s32 @p4 $0xFFFFE700;
	s2 =	simm.s32 $0x0  }
0x118: {  	_ =	sfence.sel $0x180000  }
0x119: {  	[bflag:$0x0] =	sbarrier.arrive $0xFFFF  }
0x11a: {  	_ =	strace $0x9000004D  }
0x11b: {  	[bflag:$0x2] =	sbarrier.arrive $0xFFFF  }
0x11c: {  	p0 =	sne.s32 s15, $0x0;
	s0 =	rddreg [dreg:$0x3]  }
0x11d: {  	s0 =	sadd.s32 @!p0 $0x100000, s0  }
0x11e: {  	[sflag:s0] =	ssyncadd.tile.s32 @!p0 $0x1;
	_ =	shalt  }
.Lfunc_end2:
_tile_overlayer_lowered:
.L_overlay_start_2:
0x11f: {  	(tag) =	ssettag $0x2  }
0x120: {  	s0 =	rddreg [dreg:$0x0];
	s2 =	stileid.u32  }
0x121: {  	s1 =	rddreg [dreg:$0x1];
	p0 =	sne.s32 s2, $0x0  }
0x122: {  	s3 =	rddreg [dreg:$0x2];
	[bflag:$0x3] =	sbarrier.arrive $0xFFFF;
	s2 =	simm.s32 @!p0 $0x1C07  }
0x123: {  	[timem:s3], [sflag:s2] =	dma.local @!p0 [hbm:s0], s1  }
0x124: {  	s0 =	simm.s32 @!p0 $0x7  }
0x125: {  	_ =	swait.ge @!p0 [sflag:s0], s1  }
0x126: {  	s1 =	ssub.s32 @!p0 $0x0, s1;
	[sflag:s0] =	ssyncset.done @!p0 $0x0  }
0x127: {  	[sflag:s0] =	ssyncadd.s32 @!p0 s1  }
0x128: {  	[bflag:$0x3] =	sbarrier.arrive $0xFFFF  }
0x129: {  	_ =	shalt  }

// kernel: kernel.8.cloned.1.call-start
scs
__scs_entry_jumppad:
0x0: {  	(pc) =	sbr.rel $0x88, $3  }
0x1: {  	(tag) =	ssettag $0x0;
	lr =	simm.s32 $0x1  }
0x2: {  	[smem:$0x3F99] =	sst lr;
	_ =	strace $0xD0000000  }
0x3: {  	_ = 	snop  }
0x4: {  	_ = 	snop  }
0x5: {  	_ = 	snop  }
0x6: {  	_ = 	snop  }
0x7: {  	_ = 	snop  }
__scs_overlays_trampoline_lowered:
0x8: {  	[smem:$0x3FA8] =	sst s0  }
0x9: {  	[smem:$0x3FA9] =	sst s1  }
0xa: {  	[smem:$0x3FAA] =	sst s2  }
0xb: {  	[smem:$0x3FAB] =	sst s3  }
0xc: {  	[smem:$0x3FAC] =	sst s4  }
0xd: {  	[smem:$0x3FAD] =	sst s5  }
0xe: {  	[smem:$0x3FAE] =	sst s6  }
0xf: {  	[smem:$0x3FAF] =	sst s7  }
0x10: {  	[smem:$0x3FB0] =	sst s8  }
0x11: {  	[smem:$0x3FB1] =	sst s9;
	s0 =	simm.s32 @!p0 $0x0  }
0x12: {  	s1 =	sld [smem:$0x3F97];
	s0 =	simm.s32 @p0 $0x1  }
0x13: {  	[smem:$0x3FB2] =	sst s0;
	s0 =	simm.s32 @!p1 $0x0  }
0x14: {  	s2 =	sld [smem:$0x3F96];
	s0 =	simm.s32 @p1 $0x1  }
0x15: {  	[smem:$0x3FB3] =	sst s0;
	s0 =	simm.s32 @!p2 $0x0  }
0x16: {  	s3 =	sld [smem:$0x3FDB];
	s0 =	simm.s32 @p2 $0x1  }
0x17: {  	s4 =	simm.s32 $0x1BF5;
	[smem:$0x3FB5] =	sst s0  }
0x18: {  	s0 =	sld [smem:$0x3F98];
	_ =	swait.ge [sflag:s4], $0x0  }
0x19: {  	s7 =	sld [smem:$0x3F99]  }
0x1a: {  	s8 =	sadd.s32 $0xFFFFE003, lr  }
0x1b: {  	s9 =	sadd.s32 $0xFFFFFEF7, lr;
	s5 =	simm.s32 $0xFFFFFFFF;
	p2 =	slt.u32 s8, $0xFFFFF086  }
0x1c: {  	p1 =	slt.u32 s9, $0xF7A;
	s5 =	simm.s32 @!p2 $0x0  }
0x1d: {  	s5 =	simm.s32 @p1 $0x1;
	p0 =	seq.s32 s7, s2  }
0x1e: {  	s7 =	smul.u32 @!p0 $0xF7A, s2;
	p2 =	seq.s32 @!p0 s5, $0x0  }
0x1f: {  	s9 =	smul.u32 $0xF7A, s1;
	s8 =	simm.s32 @!p0 $0x1BF5;
	p2 =	por !p2, p0  }
0x20: {  	[sflag:s8] =	ssyncset.s32 @!p0 $0xFFFFF086;
	s6 =	sadd.s32 @!p0 s3, s7;
	s7 =	simm.s32 @!p0 $0x108  }
0x21: {  	s3 =	sadd.s32 s3, s9;
	s6 =	sadd.s32 @!p0 $0x88, s6;
	s7 =	simm.s32 @p2 $0x1082  }
0x22: {  	[simem:s7], [sflag:s8] =	dma.local @!p0 [hbm:s6], $0xF7A  }
0x23: {  	s9 =	sor.u32 $0xD0000000, s2;
	s6 =	simm.s32 $0x108;
	_ =	swait.ge @!p0 [sflag:s8], $0x0  }
0x24: {  	s3 =	sadd.s32 $0x88, s3;
	s6 =	simm.s32 @!p1 $0x1082;
	[sflag:s4] =	ssyncset.s32 $0xFFFFF086  }
0x25: {  	[simem:s6], [sflag:s4] =	dma.local [hbm:s3], $0xF7A  }
0x26: {  	[smem:$0x3F99] =	sst s1;
	(tag) =	ssettag s2;
	_ =	strace s9  }
0x27: {  	s1 =	sld [smem:$0x3FA9]  }
0x28: {  	s2 =	sld [smem:$0x3FAA]  }
0x29: {  	s4 =	sld [smem:$0x3FAC]  }
0x2a: {  	p0 =	seq.s32 s5, $0x0;
	s5 =	sld [smem:$0x3FAD]  }
0x2b: {  	s6 =	sld [smem:$0x3FAE]  }
0x2c: {  	s7 =	sld [smem:$0x3FAF]  }
0x2d: {  	s3 =	simm.s32 $0x108;
	s8 =	sld [smem:$0x3FB0]  }
0x2e: {  	s3 =	simm.s32 @!p0 $0x1082;
	s9 =	sld [smem:$0x3FB1]  }
0x2f: {  	lr =	sadd.s32 s0, s3;
	s0 =	sld [smem:$0x3FA8]  }
0x30: {  	s3 =	sld [smem:$0x3FAB]  }
0x31: {  	[smem:$0x3FB4] =	sst s10  }
0x32: {  	s10 =	sld [smem:$0x3FB2];
	_ =	sdelay $0x3  }
0x33: {  	p0 =	seq.s32 s10, $0x1;
	s10 =	sld [smem:$0x3FB4];
	_ =	sdelay $0x3  }
0x34: {  	[smem:$0x3FB4] =	sst s10  }
0x35: {  	s10 =	sld [smem:$0x3FB3];
	_ =	sdelay $0x3  }
0x36: {  	p1 =	seq.s32 s10, $0x1;
	s10 =	sld [smem:$0x3FB4];
	_ =	sdelay $0x3  }
0x37: {  	[smem:$0x3FB4] =	sst s10  }
0x38: {  	s10 =	sld [smem:$0x3FB5]  }
0x39: {  	_ = 	snop;
	(pc) =	sbr.ind lr, $3  }
0x3a: {  	_ = 	snop  }
0x3b: {  	_ = 	snop  }
0x3c: {  	p2 =	seq.s32 s10, $0x1;
	s10 =	sld [smem:$0x3FB4]  }
0x3d: {  	_ =	shalt  }
0x3e: {  	_ =	shalt  }
0x3f: {  	_ =	shalt  }
0x40: {  	_ =	shalt  }
0x41: {  	_ =	shalt  }
0x42: {  	_ =	shalt  }
0x43: {  	_ =	shalt  }
0x44: {  	_ =	shalt  }
0x45: {  	_ =	shalt  }
0x46: {  	_ =	shalt  }
0x47: {  	_ =	shalt  }
0x48: {  	_ =	shalt  }
0x49: {  	_ =	shalt  }
0x4a: {  	_ =	shalt  }
0x4b: {  	_ =	shalt  }
0x4c: {  	_ =	shalt  }
0x4d: {  	_ =	shalt  }
0x4e: {  	_ =	shalt  }
0x4f: {  	_ =	shalt  }
0x50: {  	_ =	shalt  }
0x51: {  	_ =	shalt  }
0x52: {  	_ =	shalt  }
0x53: {  	_ =	shalt  }
0x54: {  	_ =	shalt  }
0x55: {  	_ =	shalt  }
0x56: {  	_ =	shalt  }
0x57: {  	_ =	shalt  }
0x58: {  	_ =	shalt  }
0x59: {  	_ =	shalt  }
0x5a: {  	_ =	shalt  }
0x5b: {  	_ =	shalt  }
0x5c: {  	_ =	shalt  }
0x5d: {  	_ =	shalt  }
0x5e: {  	_ =	shalt  }
0x5f: {  	_ =	shalt  }
0x60: {  	_ =	shalt  }
0x61: {  	_ =	shalt  }
0x62: {  	_ =	shalt  }
0x63: {  	_ =	shalt  }
0x64: {  	_ =	shalt  }
0x65: {  	_ =	shalt  }
0x66: {  	_ =	shalt  }
0x67: {  	_ =	shalt  }
0x68: {  	_ =	shalt  }
0x69: {  	_ =	shalt  }
0x6a: {  	_ =	shalt  }
0x6b: {  	_ =	shalt  }
0x6c: {  	_ =	shalt  }
0x6d: {  	_ =	shalt  }
0x6e: {  	_ =	shalt  }
0x6f: {  	_ =	shalt  }
0x70: {  	_ =	shalt  }
0x71: {  	_ =	shalt  }
0x72: {  	_ =	shalt  }
0x73: {  	_ =	shalt  }
0x74: {  	_ =	shalt  }
0x75: {  	_ =	shalt  }
0x76: {  	_ =	shalt  }
0x77: {  	_ =	shalt  }
0x78: {  	_ =	shalt  }
0x79: {  	_ =	shalt  }
0x7a: {  	_ =	shalt  }
0x7b: {  	_ =	shalt  }
0x7c: {  	_ =	shalt  }
0x7d: {  	_ =	shalt  }
0x7e: {  	_ =	shalt  }
0x7f: {  	_ =	shalt  }
0x80: {  	_ =	shalt  }
0x81: {  	_ =	shalt  }
0x82: {  	_ =	shalt  }
0x83: {  	_ =	shalt  }
0x84: {  	_ =	shalt  }
0x85: {  	_ =	shalt  }
0x86: {  	_ =	shalt  }
0x87: {  	_ =	shalt  }
.Lfunc_end0:
.L_simem_size_0:
called_computation_lowered:
.L_overlay_start_0:
0x88: {  	s2 =	sld [smem:$0x3FD9]  }
0x89: {  	s3 =	sld [smem:$0x3FFE];
	_ =	sdelay $0x1  }
0x8a: {  	s1 =	srdreg.scid  }
0x8b: {  	s0 =	sand.u32 $0x1, s1  }
0x8c: {  	s15 =	sshll.u32 s0, $0xA;
	s2 =	sadd.s32 s3, s2  }
0x8d: {  	s2 =	sadd.s32 s2, s15  }
0x8e: {  	[smem:$0x3FC0] =	sst s2  }
0x8f: {  	_ = 	snop  }
0x90: {  	s2 =	sld [smem:$0x3FD0];
	_ =	sdelay $0x2  }
0x91: {  	s16 =	simm.s32 $0xA;
	s4 =	simm.s32 $0x10  }
0x92: {  	[smem:s4], [sflag:s16] =	dma.local [hbm:s2], $0x1  }
0x93: {  	_ =	swait.eq [sflag:s16], $0x1  }
0x94: {  	[sflag:s16] =	ssyncset.done $0x0  }
0x95: {  	s17 =	sld [smem:$0x10];
	[sflag:s16] =	ssyncadd.s32 $0xFFFFFFFF  }
0x96: {  	s18 =	sld [smem:$0x11];
	(tm) =	ssettm $0x1  }
0x97: {  	s19 =	sld [smem:$0x3FFB];
	_ =	sdelay $0x3  }
0x98: {  	_ =	strace s19  }
0x99: {  	s4 =	sld [smem:$0x3FFC];
	_ =	sdelay $0x3  }
0x9a: {  	_ =	strace s4  }
0x9b: {  	s4 =	sld [smem:$0x3FFD];
	_ =	sdelay $0x3  }
0x9c: {  	_ =	strace s4  }
0x9d: {  	_ =	strace $0x8FFFFFFF  }
0x9e: {  	s20 =	sld [smem:$0x3FDB];
	_ =	sdelay $0x1  }
0x9f: {  	s5 =	simm.s32 $_scs_section_size  }
0xa0: {  	s6 =	simm.s32 $_size__tile_overlayer_lowered;
	s7 =	simm.s32 $_tile_overlayer_lowered  }
0xa1: {  	s23 =	simm.s32 $0x1BFF;
	s22 =	sshll.u32 s7, $0x1;
	s4 =	sadd.s32 s5, s20  }
0xa2: {  	s8 =	simm.s32 $0x0;
	s21 =	sshll.u32 s6, $0x1;
	s6 =	sadd.s32 s22, s4  }
0xa3: {  	[timem:s8], [sflag:s23] =	dma.local [hbm:s6], s21  }
0xa4: {  	_ =	swait.ge [sflag:s23], s21  }
0xa5: {  	s5 =	ssub.s32 $0x0, s21;
	[sflag:s23] =	ssyncset.done $0x0  }
0xa6: {  	[sflag:s23] =	ssyncadd.s32 s5;
	_ =	sdelay $0x1  }
0xa7: {  	s24 =	simm.s32 $0x1B8B  }
0xa8: {  	_ =	swait.ge [sflag:s24], $0x1  }
0xa9: {  	[sflag:s24] =	ssyncset.done $0x0  }
0xaa: {  	s25 =	simm.s32 $0x1B8E;
	[sflag:s24] =	ssyncadd.s32 $0xFFFFFFFF  }
0xab: {  	s26 =	simm.s32 $execute0_lowered;
	[smem:$0x3FD2] =	sst s25  }
0xac: {  	s5 =	sshll.u32 s26, $0x1;
	_ =	strace $0x80000046;
	[dreg:$0x1] =	wrdreg $0xFFFFFFFF  }
0xad: {  	s28 =	simm.s32 $_size_execute0_lowered;
	s4 =	sadd.s32 s4, s5;
	[dreg:$0x0] =	wrdreg $0x0  }
0xae: {  	s5 =	sshll.u32 s28, $0x1;
	[dreg:$0x2] =	wrdreg s4  }
0xaf: {  	[dreg:$0x3] =	wrdreg s5  }
0xb0: {  	[dreg:$0x4] =	wrdreg $0xC0  }
0xb1: {  	_ =	task [dreg:s8], $0x5FFFF  }
0xb2: {  	[dreg:$0x1] =	wrdreg $0xFFFFFFFF  }
0xb3: {  	[dreg:$0x0] =	wrdreg $0x60  }
0xb4: {  	[dreg:$0x2] =	wrdreg s18  }
0xb5: {  	[dreg:$0x3] =	wrdreg s17  }
0xb6: {  	[dreg:$0x4] =	wrdreg $0x9  }
0xb7: {  	_ =	task.clear_ibuf [dreg:s8], $0x5FFFF;
	_ =	strace $0x90000046  }
0xb8: {  	s29 =	simm.s32 $0x9;
	_ =	strace $0x80000048  }
0xb9: {  	_ =	swait.ge [sflag:s29], $0x1  }
0xba: {  	[sflag:s29] =	ssyncadd.s32 $0xFFFFFFFF  }
0xbb: {  	_ =	strace $0x90000048  }
0xbc: {  	_ =	sfence  }
0xbd: {  	s30 =	sld [smem:$0x0];
	_ =	sdelay $0x2  }
0xbe: {  	s31 =	sshll.u32 s1, $0xD;
	s1 =	sshrl.u32 s1, $0x2  }
0xbf: {  	s3 =	sand.u32 $0x4000, s31;
	s1 =	sadd.s32 s1, s30  }
0xc0: {  	s0 =	sor.u32 s3, s0;
	s1 =	sshll.u32 s1, $0x11  }
0xc1: {  	s0 =	sor.u32 s1, s0  }
0xc2: {  	s0 =	sadd.s32 $0x8F2B, s0  }
0xc3: {  	[sflag:s0] =	ssyncadd.remote.s32 $0x1  }
0xc4: {  	_ =	sfence.sel $0xFFFF  }
0xc5: {  	[dreg:$0x0] =	wrdreg $0xFFFFFFFF;
	(pc) =	sbr.abs _section_cstart, $3  }
0xc6: {  	[dreg:$0x1] =	wrdreg $0xFFFFFFFF  }
0xc7: {  	_ =	task.clear_ibuf [dreg:s8], $0x2FFFF;
	_ =	strace $0x9FFFFFFF  }
0xc8: {  	(tm) =	ssettm $0x7FFFFFFF  }
0xc9: {  	_ =	shalt  }
tec
execute0_lowered:
.L_overlay_start_1:
0x0: {  	(tag) =	ssettag $0x1  }
0x1: {  	s3 =	rddreg [dreg:$0x0];
	s1 =	srdreg.scid  }
0x2: {  	s0 =	stileid.u32;
	s4 =	rddreg [dreg:$0x1]  }
0x3: {  	s2 =	simm.s32 $0x0;
	s5 =	sand.u32 $0x1, s1;
	s1 =	rddreg [dreg:$0x2]  }
0x4: {  	s6 =	sshll.u32 s0, $0x1;
	[smem:$0x7FF] =	sst s2  }
0x5: {  	s8 =	sshrl.u32 s0, $0x2;
	s6 =	sor.u32 s5, s6;
	_ =	strace $0x80000047  }
0x6: {  	s5 =	ssub.s32 $0x2, s5;
	s7 =	smul.u32 $0x2710, s6;
	s6 =	sshll.u32 s6, $0x7  }
0x7: {  	s8 =	smul.u32 $0x14000, s8;
	s9 =	sshrl.u32 s5, $0x1;
	s6 =	sand.u32 $0x380, s6  }
0x8: {  	s5 =	ssub.s32 s5, s9;
	s9 =	simm.s32 $0x400;
	s7 =	sshrl.u32 s7, $0x3  }
0x9: {  	s6 =	sor.u32 s8, s6;
	s5 =	smax.u32 s5, $0x1;
	s8 =	simm.s32 $0x80  }
0xa: {  	s3 =	sadd.s32 s3, s7;
	s6 =	sshrl.u32 s6, $0x3;
	s7 =	simm.s32 $0x2780  }
0xb: {  	v0 =	vimm.f32 $0.0e+00;
	v1 =	vimm.f32 $1.000000000e+00;
	s3 =	sadd.s32 $0x9C40, s3;
	s4 =	sadd.s32 s4, s6;
	s6 =	simm.s32 $0x1  }
.LBB2_1:
0xc: {  	s11 =	simm.s32 $0x100;
	s10 =	simm.s32 $0x0  }
.LBB2_2:
0xd: {  	p0 =	sne.s32 s11, $0x9F00;
	[tilespmem:s10+$0x27B0] =	vst v0;
	s12 =	smov.u32 s11;
	s11 =	sadd.s32 $0x100, s11  }
.Ltmp0:
0xe: {  	[tilespmem:s10+$0x27A0] =	vst v0;
	(pc) =	sbr.rel @p0 .LBB2_2-.Ltmp0, $3  }
0xf: {  	[tilespmem:s10+$0x2780] =	vst v0  }
0x10: {  	[tilespmem:s10+$0x2790] =	vst v0;
	_ =	sdelay $0x1  }
0x11: {  	s10 =	sshra.s32 s12, $0x2  }
0x12: {  	[tilespmem:s10+$0x27B0] =	vst v0  }
0x13: {  	[tilespmem:s10+$0x27A0] =	vst v0  }
0x14: {  	[tilespmem:s10+$0x2780] =	vst v0  }
0x15: {  	[tilespmem:s10+$0x2790] =	vst v0;
	s10 =	simm.s32 $0x0  }
0x16: {  	[tilespmem:s10], [sflag:$0x1] =	stream.linear.gather [hbm4b:s3+s10], $0x2710, $0x38;
	[tilespmem:$0x4F80] =	vst v63  }
0x17: {  	_ =	swait.ge [sflag:s6], $0x2710  }
0x18: {  	[sflag:s6] =	ssyncset.done $0x0  }
0x19: {  	[sflag:s6] =	ssyncadd.s32 $0xFFFFD8F0  }
.LBB2_4:
0x1a: {  	s11 =	sshra.s32 s10, $0x2  }
0x1b: {  	v2 =	vld [tilespmem:s11+$0x0];
	_ =	sdelay $0x7  }
0x1c: {  	[tilespmem:v2+s7+$0x0] =	vst.idx.add.f32.msk $0xffff, v1  }
0x1d: {  	v2 =	vld [tilespmem:s11+$0x10];
	_ =	sdelay $0x7  }
0x1e: {  	[tilespmem:v2+s7+$0x0] =	vst.idx.add.f32.msk $0xffff, v1  }
0x1f: {  	v2 =	vld [tilespmem:s11+$0x20];
	_ =	sdelay $0x7  }
0x20: {  	[tilespmem:v2+s7+$0x0] =	vst.idx.add.f32.msk $0xffff, v1  }
0x21: {  	v2 =	vld [tilespmem:s11+$0x30];
	_ =	sdelay $0x7  }
0x22: {  	[tilespmem:v2+s7+$0x0] =	vst.idx.add.f32.msk $0xffff, v1  }
0x23: {  	v2 =	vld [tilespmem:s11+$0x40];
	_ =	sdelay $0x2  }
0x24: {  	p0 =	sne.s32 s10, $0x9B00  }
.Ltmp1:
0x25: {  	_ = 	snop;
	(pc) =	sbr.rel @p0 .LBB2_4-.Ltmp1, $2  }
0x26: {  	_ =	sdelay $0x2  }
0x27: {  	s10 =	sadd.s32 $0x140, s10;
	[tilespmem:v2+s7+$0x0] =	vst.idx.add.f32.msk $0xffff, v1  }
0x28: {  	s2 =	sadd.s32 $0x1, s2  }
0x29: {  	p0 =	sne.s32 s2, s5  }
.Ltmp2:
0x2a: {  	_ = 	snop;
	(pc) =	sbr.rel @p0 .LBB2_1-.Ltmp2, $4  }
0x2b: {  	[hbm4b:s4+s8] =	stream.strided.scatter [tilespmem:s7], [sflag:$0x1], $0x2800, s9, s8, $0x38;
	[tilespmem:$0x4F80] =	vst v63  }
0x2c: {  	_ =	swait.ge [sflag:s6], $0x2800  }
0x2d: {  	[sflag:s6] =	ssyncset.done $0x0  }
0x2e: {  	[sflag:s6] =	ssyncadd.s32 $0xFFFFD800  }
0x2f: {  	_ =	sfence.sel $0x180000  }
0x30: {  	[bflag:$0x0] =	sbarrier.arrive $0xFFFF  }
0x31: {  	p0 =	sne.s32 s0, $0x0;
	_ =	strace $0x90000047  }
0x32: {  	s0 =	sadd.s32 @!p0 $0x100000, s1;
	[bflag:$0x2] =	sbarrier.arrive $0xFFFF  }
0x33: {  	[sflag:s0] =	ssyncadd.tile.s32 @!p0 $0x1;
	_ =	shalt  }
.Lfunc_end2:
_tile_overlayer_lowered:
.L_overlay_start_2:
0x34: {  	(tag) =	ssettag $0x2  }
0x35: {  	s0 =	rddreg [dreg:$0x0];
	s2 =	stileid.u32  }
0x36: {  	s1 =	rddreg [dreg:$0x1];
	p0 =	sne.s32 s2, $0x0  }
0x37: {  	s3 =	rddreg [dreg:$0x2];
	[bflag:$0x3] =	sbarrier.arrive $0xFFFF;
	s2 =	simm.s32 @!p0 $0x1C01  }
0x38: {  	[timem:s3], [sflag:s2] =	dma.local @!p0 [hbm:s0], s1  }
0x39: {  	s0 =	simm.s32 @!p0 $0x1  }
0x3a: {  	_ =	swait.ge @!p0 [sflag:s0], s1  }
0x3b: {  	s1 =	ssub.s32 @!p0 $0x0, s1;
	[sflag:s0] =	ssyncset.done @!p0 $0x0  }
0x3c: {  	[sflag:s0] =	ssyncadd.s32 @!p0 s1  }
0x3d: {  	[bflag:$0x3] =	sbarrier.arrive $0xFFFF  }
0x3e: {  	_ =	shalt  }

</sc_bundles>
